<compile_context>
chip_gen: v7x
topology: tpu7x:2x2x1
jax: 0.10.2.dev20260603
libtpu: 0.0.44.dev20260713+nightly
codegen_flags: <defaults>
</compile_context>

<pallas_src>
import functools

import jax
import jax.numpy as jnp
from jax import lax
from jax.experimental import pallas as pl
from jax.experimental.pallas import tpu as pltpu
from jax.experimental.pallas import tpu_sc as plsc

_B, _C, _N = 64, 384, 256
_K = 9
_MAX_DIL = 3
_LAYER_STATIC = 6
_DIL = min(_LAYER_STATIC // 4 + 1, _MAX_DIL)

_NC, _NS = 2, 16
_NW = _NC * _NS
_SLICE_NB = (16, 48)
_TCB = 4
_CHUNK = 128


def _dist_body(x_ref, out_ref):
    for u in range(_TCB):
        xb = x_ref[u]
        g = lax.dot_general(
            xb, xb, (((0,), (0,)), ((), ())), preferred_element_type=jnp.float32
        )
        sq = jnp.sum(xb * xb, axis=0)
        out_ref[u] = sq[None, :] - 2.0 * g


def _rev(x):
    return lax.rev(x, dimensions=(0,))


def _merge16(a, b):
    ak, ai = a
    bk, bi = _rev(b[0]), _rev(b[1])
    m = ak <= bk
    lk = jnp.minimum(ak, bk)
    li = jnp.where(m, ai, bi)
    hk = jnp.maximum(ak, bk)
    hi = jnp.where(m, bi, ai)
    lk, li = plsc.sort_key_val(lk, li)
    hk, hi = plsc.sort_key_val(hk, hi)
    return lk, li, hk, hi


def _merge32(x, y):
    x0k, x0i, x1k, x1i = x
    y0k, y0i, y1k, y1i = y
    ry1k, ry1i = _rev(y1k), _rev(y1i)
    ry0k, ry0i = _rev(y0k), _rev(y0i)
    m0 = x0k <= ry1k
    z0k = jnp.minimum(x0k, ry1k)
    z0i = jnp.where(m0, x0i, ry1i)
    m1 = x1k <= ry0k
    z1k = jnp.minimum(x1k, ry0k)
    z1i = jnp.where(m1, x1i, ry0i)
    ms = z0k <= z1k
    pk = jnp.minimum(z0k, z1k)
    pi = jnp.where(ms, z0i, z1i)
    qk = jnp.maximum(z0k, z1k)
    qi = jnp.where(ms, z1i, z0i)
    pk, pi = plsc.sort_key_val(pk, pi)
    qk, qi = plsc.sort_key_val(qk, qi)
    return pk, pi, qk, qi


def _make_topk_body(rpw):
    stage = rpw * _K

    def _topk_body(dist_hbm, out_hbm, chunk_v, s32a_v, s32b_v, src_v, dst_v, sem):
        del sem
        wid = lax.axis_index("s") * _NC + lax.axis_index("c")
        base_row = wid * rpw
        iota = lax.iota(jnp.int32, 16)
        idx_consts = [iota + 16 * t for t in range(16)]
        gather_idx = iota * 2

        def one_row(r, ci, s32):
            row_local = ci * _CHUNK + r
            row_global = base_row + row_local
            runs16 = []
            for t in range(16):
                keys = chunk_v[r, pl.ds(16 * t, 16)]
                runs16.append(plsc.sort_key_val(keys, idx_consts[t]))
            runs = [_merge16(runs16[2 * p], runs16[2 * p + 1]) for p in range(8)]
            while len(runs) > 1:
                runs = [
                    _merge32(runs[2 * p], runs[2 * p + 1])
                    for p in range(len(runs) // 2)
                ]
            _, li, _, hi = runs[0]
            s32[pl.ds(0, 16)] = li
            s32[pl.ds(16, 16)] = hi
            picked = plsc.load_gather(s32, [gather_idx])
            seg_base = (row_global >> 8) << 8
            src = picked + seg_base
            dstv = jnp.full((16,), 0, jnp.int32) + row_global
            off = row_local * _K
            src_v[pl.ds(off, 16)] = src
            dst_v[pl.ds(off, 16)] = dstv

        def row_body(i, carry):
            ci = carry
            one_row(i * 2, ci, s32a_v)
            one_row(i * 2 + 1, ci, s32b_v)
            return carry

        def chunk_body(ci, carry):
            pltpu.sync_copy(dist_hbm.at[pl.ds(base_row + ci * _CHUNK, _CHUNK)], chunk_v)
            lax.fori_loop(0, _CHUNK // 2, row_body, ci)
            return carry

        lax.fori_loop(0, rpw // _CHUNK, chunk_body, 0)
        pltpu.sync_copy(src_v.at[pl.ds(0, stage)], out_hbm.at[0, wid])
        pltpu.sync_copy(dst_v.at[pl.ds(0, stage)], out_hbm.at[1, wid])

    return _topk_body


@functools.lru_cache(maxsize=4)
def _build_topk_kernel(rpw):
    stage = rpw * _K
    mesh = plsc.VectorSubcoreMesh(
        core_axis_name="c", subcore_axis_name="s", num_cores=_NC, num_subcores=_NS
    )
    return functools.partial(
        pl.kernel,
        out_type=jax.ShapeDtypeStruct((2, _NW, stage), jnp.int32),
        mesh=mesh,
        scratch_types=[
            pltpu.VMEM((_CHUNK, _N), jnp.float32),
            pltpu.VMEM((32,), jnp.int32),
            pltpu.VMEM((32,), jnp.int32),
            pltpu.VMEM((stage + 16,), jnp.int32),
            pltpu.VMEM((stage + 16,), jnp.int32),
            pltpu.SemaphoreType.DMA,
        ],
        compiler_params=pltpu.CompilerParams(needs_layout_passes=False),
    )(_make_topk_body(rpw))


def _dist_slice(x, b0, nb):
    return pl.pallas_call(
        _dist_body,
        grid=(nb // _TCB,),
        in_specs=[
            pl.BlockSpec((_TCB, _C, _N), lambda b, b0=b0: (b0 // _TCB + b, 0, 0))
        ],
        out_specs=pl.BlockSpec((_TCB, _N, _N), lambda b: (b, 0, 0)),
        out_shape=jax.ShapeDtypeStruct((nb, _N, _N), jnp.float32),
    )(x)


@jax.jit
def kernel(x, layer_idx):
    dil_traced = jnp.minimum(layer_idx // 4 + 1, _MAX_DIL)
    corr = (dil_traced - _DIL).astype(jnp.int32)
    parts = []
    b0 = 0
    xs = x
    d = None
    for nb in _SLICE_NB:
        if d is not None:
            xs, _ = lax.optimization_barrier((x, d))
        d = _dist_slice(xs, b0, nb)
        rows = nb * _N
        e = _build_topk_kernel(rows // _NW)(d.reshape(rows, _N))
        parts.append(e.reshape(2, rows * _K) + (corr + b0 * _N))
        b0 += nb
    return jnp.concatenate(parts, axis=1)

# --- scband reference (transcript-rebuilt; emitter-appended) ---
"""Pipeline reference for scband-dense-dilated-knn-graph-dgl-83777632076276 (READ-ONLY COPY).

The authoritative reference and input builder live on the scoring server;
editing this copy changes nothing except your own understanding.
"""

import jax, jax.numpy as jnp
import numpy as np

B, C, N = 64, 384, 256
K = 9
MAX_DILATION = 3
LAYER_IDX_STATIC = 6

def setup_inputs(seed: int = 0) -> dict:
    key = jax.random.key(seed)
    x = jax.random.normal(key, (B, C, N), dtype=jnp.float32)
    return {"x": x, "layer_idx": 6}

def reference(x, layer_idx):
    # x: (B, C, N) as in the torch forward
    B_, C_, N_ = x.shape
    dilation = min(LAYER_IDX_STATIC // 4 + 1, MAX_DILATION)
    dilation_traced = jnp.minimum(layer_idx // 4 + 1, MAX_DILATION)
    k_dilated = K * dilation
    # flatten per segment: (B, N, C)
    xf = jnp.transpose(x, (0, 2, 1))
    # segmented brute-force kNN: pairwise euclidean distances within each batch element
    sq = jnp.sum(xf * xf, axis=-1)
    d2 = sq[:, :, None] + sq[:, None, :] - 2.0 * jnp.einsum('bic,bjc->bij', xf, xf)
    d2 = jnp.maximum(d2, 0.0)
    dist = jnp.sqrt(d2 + 1e-12)
    # k nearest neighbors per node (self included, matching dgl.segmented_knn_graph)
    _, idx = jax.lax.top_k(-dist, k_dilated)  # (B, N, k_dilated)
    offset = (jnp.arange(B_, dtype=idx.dtype) * N_)[:, None, None]
    offset = offset + (dilation_traced - dilation).astype(idx.dtype)
    src = (idx + offset).reshape(-1)  # neighbor -> node edges (src = neighbor)
    dst = (jnp.broadcast_to(jnp.arange(N_, dtype=idx.dtype)[None, :, None], (B_, N_, k_dilated)) + offset).reshape(-1)
    # true dilation: take every `dilation`-th edge
    src_d = src[::dilation]
    dst_d = dst[::dilation]
    # eval mode: no stochastic edge dropout; include_self=False (no extra self loops added)
    return jnp.stack([src_d, dst_d], axis=0)

if __name__ == "__main__":
    import jax
    _d = setup_inputs()
    print(jax.jit(kernel)(*tuple(_d.values())))

</pallas_src>

<mosaic_0001>
#map = affine_map<(d0, d1) -> (0, 0)>
#map1 = affine_map<(d0, d1) -> (0, 0, 0)>
module attributes {stable_mosaic.version = 14 : i64} {
  func.func @_topk_body(%arg0: i32, %arg1: i32, %arg2: memref<4096x256xf32, #tpu.memory_space<hbm>>, %arg3: memref<2x32x1152xi32, #tpu.memory_space<hbm>>, %arg4: memref<128x256xf32, #tpu.memory_space<vmem>>, %arg5: memref<32xi32, #tpu.memory_space<vmem>>, %arg6: memref<32xi32, #tpu.memory_space<vmem>>, %arg7: memref<1168xi32, #tpu.memory_space<vmem>>, %arg8: memref<1168xi32, #tpu.memory_space<vmem>>, %arg9: memref<!tpu.dma_semaphore, #tpu.memory_space<semaphore_mem>>) attributes {dimension_semantics = [#tpu.dimension_semantics<core_parallel>, #tpu.dimension_semantics<subcore_parallel>], iteration_bounds = array<i64: 2, 16>, scalar_prefetch = 0 : i64, scratch_operands = 6 : i64, tpu.core_type = #tpu.core_type<sc_vector_subcore>, window_params = [{transform_indices = #map}, {transform_indices = #map1}]} {
    %mul3A = arith.constant 2 : i32
    %mul3A_0 = arith.muli %arg1, %mul3A : i32
    %add3A = arith.addi %mul3A_0, %arg0 : i32
    %mul3A_1 = arith.constant 128 : i32
    %mul3A_2 = arith.muli %add3A, %mul3A_1 : i32
    %iota3A = tpu.iota {dimensions = array<i32: 0>} : vector<16xi32>
    %add3A_3 = arith.constant 0 : i32
    %add3A_4 = vector.broadcast %add3A_3 : i32 to vector<16xi32>
    %add3A_5 = arith.addi %iota3A, %add3A_4 : vector<16xi32>
    %add3A_6 = arith.constant 16 : i32
    %add3A_7 = vector.broadcast %add3A_6 : i32 to vector<16xi32>
    %add3A_8 = arith.addi %iota3A, %add3A_7 : vector<16xi32>
    %add3A_9 = arith.constant 32 : i32
    %add3A_10 = vector.broadcast %add3A_9 : i32 to vector<16xi32>
    %add3A_11 = arith.addi %iota3A, %add3A_10 : vector<16xi32>
    %add3A_12 = arith.constant 48 : i32
    %add3A_13 = vector.broadcast %add3A_12 : i32 to vector<16xi32>
    %add3A_14 = arith.addi %iota3A, %add3A_13 : vector<16xi32>
    %add3A_15 = arith.constant 64 : i32
    %add3A_16 = vector.broadcast %add3A_15 : i32 to vector<16xi32>
    %add3A_17 = arith.addi %iota3A, %add3A_16 : vector<16xi32>
    %add3A_18 = arith.constant 80 : i32
    %add3A_19 = vector.broadcast %add3A_18 : i32 to vector<16xi32>
    %add3A_20 = arith.addi %iota3A, %add3A_19 : vector<16xi32>
    %add3A_21 = arith.constant 96 : i32
    %add3A_22 = vector.broadcast %add3A_21 : i32 to vector<16xi32>
    %add3A_23 = arith.addi %iota3A, %add3A_22 : vector<16xi32>
    %add3A_24 = arith.constant 112 : i32
    %add3A_25 = vector.broadcast %add3A_24 : i32 to vector<16xi32>
    %add3A_26 = arith.addi %iota3A, %add3A_25 : vector<16xi32>
    %add3A_27 = arith.constant 128 : i32
    %add3A_28 = vector.broadcast %add3A_27 : i32 to vector<16xi32>
    %add3A_29 = arith.addi %iota3A, %add3A_28 : vector<16xi32>
    %add3A_30 = arith.constant 144 : i32
    %add3A_31 = vector.broadcast %add3A_30 : i32 to vector<16xi32>
    %add3A_32 = arith.addi %iota3A, %add3A_31 : vector<16xi32>
    %add3A_33 = arith.constant 160 : i32
    %add3A_34 = vector.broadcast %add3A_33 : i32 to vector<16xi32>
    %add3A_35 = arith.addi %iota3A, %add3A_34 : vector<16xi32>
    %add3A_36 = arith.constant 176 : i32
    %add3A_37 = vector.broadcast %add3A_36 : i32 to vector<16xi32>
    %add3A_38 = arith.addi %iota3A, %add3A_37 : vector<16xi32>
    %add3A_39 = arith.constant 192 : i32
    %add3A_40 = vector.broadcast %add3A_39 : i32 to vector<16xi32>
    %add3A_41 = arith.addi %iota3A, %add3A_40 : vector<16xi32>
    %add3A_42 = arith.constant 208 : i32
    %add3A_43 = vector.broadcast %add3A_42 : i32 to vector<16xi32>
    %add3A_44 = arith.addi %iota3A, %add3A_43 : vector<16xi32>
    %add3A_45 = arith.constant 224 : i32
    %add3A_46 = vector.broadcast %add3A_45 : i32 to vector<16xi32>
    %add3A_47 = arith.addi %iota3A, %add3A_46 : vector<16xi32>
    %add3A_48 = arith.constant 240 : i32
    %add3A_49 = vector.broadcast %add3A_48 : i32 to vector<16xi32>
    %add3A_50 = arith.addi %iota3A, %add3A_49 : vector<16xi32>
    %mul3A_51 = arith.constant 2 : i32
    %mul3A_52 = vector.broadcast %mul3A_51 : i32 to vector<16xi32>
    %mul3A_53 = arith.muli %iota3A, %mul3A_52 : vector<16xi32>
    %scan3A = arith.constant 0 : i32
    %scan3A_54 = arith.constant 0 : i32
    %mul3A_55 = arith.constant 128 : i32
    %mul3A_56 = arith.muli %scan3A_54, %mul3A_55 : i32
    %add3A_57 = arith.addi %mul3A_2, %mul3A_56 : i32
    "tpu.region"() ({
      %run_scoped3A_65 = tpu.sem_alloc : memref<!tpu.dma_semaphore, #tpu.memory_space<semaphore_mem>>
      %dma_start3A = arith.constant 0 : i32
      %dma_start3A_66 = tpu.memref_slice %arg2[%add3A_57, %dma_start3A] : memref<4096x256xf32, #tpu.memory_space<hbm>> -> memref<128x256xf32, #tpu.memory_space<hbm>>
      %dma_start3A_67 = arith.constant 0 : i32
      %dma_start3A_68 = tpu.memref_slice %arg2[%add3A_57, %dma_start3A_67] : memref<4096x256xf32, #tpu.memory_space<hbm>> -> memref<128x256xf32, #tpu.memory_space<hbm>>
      tpu.enqueue_dma source(%dma_start3A_68 : memref<128x256xf32, #tpu.memory_space<hbm>>) target(%arg4 : memref<128x256xf32, #tpu.memory_space<vmem>>) target_semaphore(%run_scoped3A_65 : memref<!tpu.dma_semaphore, #tpu.memory_space<semaphore_mem>>)
      %dma_wait3A = arith.constant 0 : i32
      %dma_wait3A_69 = tpu.memref_slice %arg2[%add3A_57, %dma_wait3A] : memref<4096x256xf32, #tpu.memory_space<hbm>> -> memref<128x256xf32, #tpu.memory_space<hbm>>
      %dma_wait3A_70 = arith.constant 0 : i32
      %dma_wait3A_71 = tpu.memref_slice %arg2[%add3A_57, %dma_wait3A_70] : memref<4096x256xf32, #tpu.memory_space<hbm>> -> memref<128x256xf32, #tpu.memory_space<hbm>>
      tpu.wait_dma2 semaphore(%run_scoped3A_65 : memref<!tpu.dma_semaphore, #tpu.memory_space<semaphore_mem>>) src(%dma_wait3A_71 : memref<128x256xf32, #tpu.memory_space<hbm>>) dst(%arg4 : memref<128x256xf32, #tpu.memory_space<vmem>>)
      tpu.yield
    }) : () -> ()
    %scan3A_58 = arith.constant 0 : i32
    %scan3A_59 = arith.constant 64 : i32
    %scan3A_60 = arith.addi %scan3A_58, %scan3A_59 : i32
    %scan3A_61 = arith.constant 1 : i32
    scf.for %scan3A_65 = %scan3A_58 to %scan3A_60 step %scan3A_61  : i32 {
      %mul3A_66 = arith.constant 2 : i32
      %mul3A_67 = arith.muli %scan3A_65, %mul3A_66 : i32
      %mul3A_68 = arith.constant 128 : i32
      %mul3A_69 = arith.muli %scan3A_54, %mul3A_68 : i32
      %add3A_70 = arith.addi %mul3A_69, %mul3A_67 : i32
      %add3A_71 = arith.addi %mul3A_2, %add3A_70 : i32
      %get3A = arith.index_cast %mul3A_67 : i32 to index
      %get3A_72 = arith.constant 0 : index
      %get3A_73 = tpu.vector_load %arg4[%get3A, %get3A_72] {strides = array<i32>} : memref<128x256xf32, #tpu.memory_space<vmem>>, vector<16xf32>,
      %masked_sort3A = arith.constant dense<true> : vector<16xi1>
      %masked_sort3A_74, %masked_sort3A_75, %masked_sort3A_76 = tpu.sort %get3A_73, %add3A_5 masked %masked_sort3A : (vector<16xf32>, vector<16xi32>, vector<16xi1>) -> (vector<16xi1>, vector<16xf32>, vector<16xi32>)
      %get3A_77 = arith.index_cast %mul3A_67 : i32 to index
      %get3A_78 = arith.constant 16 : index
      %get3A_79 = tpu.vector_load %arg4[%get3A_77, %get3A_78] {strides = array<i32>} : memref<128x256xf32, #tpu.memory_space<vmem>>, vector<16xf32>,
      %masked_sort3A_80 = arith.constant dense<true> : vector<16xi1>
      %masked_sort3A_81, %masked_sort3A_82, %masked_sort3A_83 = tpu.sort %get3A_79, %add3A_8 masked %masked_sort3A_80 : (vector<16xf32>, vector<16xi32>, vector<16xi1>) -> (vector<16xi1>, vector<16xf32>, vector<16xi32>)
      %get3A_84 = arith.index_cast %mul3A_67 : i32 to index
      %get3A_85 = arith.constant 32 : index
      %get3A_86 = tpu.vector_load %arg4[%get3A_84, %get3A_85] {strides = array<i32>} : memref<128x256xf32, #tpu.memory_space<vmem>>, vector<16xf32>,
      %masked_sort3A_87 = arith.constant dense<true> : vector<16xi1>
      %masked_sort3A_88, %masked_sort3A_89, %masked_sort3A_90 = tpu.sort %get3A_86, %add3A_11 masked %masked_sort3A_87 : (vector<16xf32>, vector<16xi32>, vector<16xi1>) -> (vector<16xi1>, vector<16xf32>, vector<16xi32>)
      %get3A_91 = arith.index_cast %mul3A_67 : i32 to index
      %get3A_92 = arith.constant 48 : index
      %get3A_93 = tpu.vector_load %arg4[%get3A_91, %get3A_92] {strides = array<i32>} : memref<128x256xf32, #tpu.memory_space<vmem>>, vector<16xf32>,
      %masked_sort3A_94 = arith.constant dense<true> : vector<16xi1>
      %masked_sort3A_95, %masked_sort3A_96, %masked_sort3A_97 = tpu.sort %get3A_93, %add3A_14 masked %masked_sort3A_94 : (vector<16xf32>, vector<16xi32>, vector<16xi1>) -> (vector<16xi1>, vector<16xf32>, vector<16xi32>)
      %get3A_98 = arith.index_cast %mul3A_67 : i32 to index
      %get3A_99 = arith.constant 64 : index
      %get3A_100 = tpu.vector_load %arg4[%get3A_98, %get3A_99] {strides = array<i32>} : memref<128x256xf32, #tpu.memory_space<vmem>>, vector<16xf32>,
      %masked_sort3A_101 = arith.constant dense<true> : vector<16xi1>
      %masked_sort3A_102, %masked_sort3A_103, %masked_sort3A_104 = tpu.sort %get3A_100, %add3A_17 masked %masked_sort3A_101 : (vector<16xf32>, vector<16xi32>, vector<16xi1>) -> (vector<16xi1>, vector<16xf32>, vector<16xi32>)
      %get3A_105 = arith.index_cast %mul3A_67 : i32 to index
      %get3A_106 = arith.constant 80 : index
      %get3A_107 = tpu.vector_load %arg4[%get3A_105, %get3A_106] {strides = array<i32>} : memref<128x256xf32, #tpu.memory_space<vmem>>, vector<16xf32>,
      %masked_sort3A_108 = arith.constant dense<true> : vector<16xi1>
      %masked_sort3A_109, %masked_sort3A_110, %masked_sort3A_111 = tpu.sort %get3A_107, %add3A_20 masked %masked_sort3A_108 : (vector<16xf32>, vector<16xi32>, vector<16xi1>) -> (vector<16xi1>, vector<16xf32>, vector<16xi32>)
      %get3A_112 = arith.index_cast %mul3A_67 : i32 to index
      %get3A_113 = arith.constant 96 : index
      %get3A_114 = tpu.vector_load %arg4[%get3A_112, %get3A_113] {strides = array<i32>} : memref<128x256xf32, #tpu.memory_space<vmem>>, vector<16xf32>,
      %masked_sort3A_115 = arith.constant dense<true> : vector<16xi1>
      %masked_sort3A_116, %masked_sort3A_117, %masked_sort3A_118 = tpu.sort %get3A_114, %add3A_23 masked %masked_sort3A_115 : (vector<16xf32>, vector<16xi32>, vector<16xi1>) -> (vector<16xi1>, vector<16xf32>, vector<16xi32>)
      %get3A_119 = arith.index_cast %mul3A_67 : i32 to index
      %get3A_120 = arith.constant 112 : index
      %get3A_121 = tpu.vector_load %arg4[%get3A_119, %get3A_120] {strides = array<i32>} : memref<128x256xf32, #tpu.memory_space<vmem>>, vector<16xf32>,
      %masked_sort3A_122 = arith.constant dense<true> : vector<16xi1>
      %masked_sort3A_123, %masked_sort3A_124, %masked_sort3A_125 = tpu.sort %get3A_121, %add3A_26 masked %masked_sort3A_122 : (vector<16xf32>, vector<16xi32>, vector<16xi1>) -> (vector<16xi1>, vector<16xf32>, vector<16xi32>)
      %get3A_126 = arith.index_cast %mul3A_67 : i32 to index
      %get3A_127 = arith.constant 128 : index
      %get3A_128 = tpu.vector_load %arg4[%get3A_126, %get3A_127] {strides = array<i32>} : memref<128x256xf32, #tpu.memory_space<vmem>>, vector<16xf32>,
      %masked_sort3A_129 = arith.constant dense<true> : vector<16xi1>
      %masked_sort3A_130, %masked_sort3A_131, %masked_sort3A_132 = tpu.sort %get3A_128, %add3A_29 masked %masked_sort3A_129 : (vector<16xf32>, vector<16xi32>, vector<16xi1>) -> (vector<16xi1>, vector<16xf32>, vector<16xi32>)
      %get3A_133 = arith.index_cast %mul3A_67 : i32 to index
      %get3A_134 = arith.constant 144 : index
      %get3A_135 = tpu.vector_load %arg4[%get3A_133, %get3A_134] {strides = array<i32>} : memref<128x256xf32, #tpu.memory_space<vmem>>, vector<16xf32>,
      %masked_sort3A_136 = arith.constant dense<true> : vector<16xi1>
      %masked_sort3A_137, %masked_sort3A_138, %masked_sort3A_139 = tpu.sort %get3A_135, %add3A_32 masked %masked_sort3A_136 : (vector<16xf32>, vector<16xi32>, vector<16xi1>) -> (vector<16xi1>, vector<16xf32>, vector<16xi32>)
      %get3A_140 = arith.index_cast %mul3A_67 : i32 to index
      %get3A_141 = arith.constant 160 : index
      %get3A_142 = tpu.vector_load %arg4[%get3A_140, %get3A_141] {strides = array<i32>} : memref<128x256xf32, #tpu.memory_space<vmem>>, vector<16xf32>,
      %masked_sort3A_143 = arith.constant dense<true> : vector<16xi1>
      %masked_sort3A_144, %masked_sort3A_145, %masked_sort3A_146 = tpu.sort %get3A_142, %add3A_35 masked %masked_sort3A_143 : (vector<16xf32>, vector<16xi32>, vector<16xi1>) -> (vector<16xi1>, vector<16xf32>, vector<16xi32>)
      %get3A_147 = arith.index_cast %mul3A_67 : i32 to index
      %get3A_148 = arith.constant 176 : index
      %get3A_149 = tpu.vector_load %arg4[%get3A_147, %get3A_148] {strides = array<i32>} : memref<128x256xf32, #tpu.memory_space<vmem>>, vector<16xf32>,
      %masked_sort3A_150 = arith.constant dense<true> : vector<16xi1>
      %masked_sort3A_151, %masked_sort3A_152, %masked_sort3A_153 = tpu.sort %get3A_149, %add3A_38 masked %masked_sort3A_150 : (vector<16xf32>, vector<16xi32>, vector<16xi1>) -> (vector<16xi1>, vector<16xf32>, vector<16xi32>)
      %get3A_154 = arith.index_cast %mul3A_67 : i32 to index
      %get3A_155 = arith.constant 192 : index
      %get3A_156 = tpu.vector_load %arg4[%get3A_154, %get3A_155] {strides = array<i32>} : memref<128x256xf32, #tpu.memory_space<vmem>>, vector<16xf32>,
      %masked_sort3A_157 = arith.constant dense<true> : vector<16xi1>
      %masked_sort3A_158, %masked_sort3A_159, %masked_sort3A_160 = tpu.sort %get3A_156, %add3A_41 masked %masked_sort3A_157 : (vector<16xf32>, vector<16xi32>, vector<16xi1>) -> (vector<16xi1>, vector<16xf32>, vector<16xi32>)
      %get3A_161 = arith.index_cast %mul3A_67 : i32 to index
      %get3A_162 = arith.constant 208 : index
      %get3A_163 = tpu.vector_load %arg4[%get3A_161, %get3A_162] {strides = array<i32>} : memref<128x256xf32, #tpu.memory_space<vmem>>, vector<16xf32>,
      %masked_sort3A_164 = arith.constant dense<true> : vector<16xi1>
      %masked_sort3A_165, %masked_sort3A_166, %masked_sort3A_167 = tpu.sort %get3A_163, %add3A_44 masked %masked_sort3A_164 : (vector<16xf32>, vector<16xi32>, vector<16xi1>) -> (vector<16xi1>, vector<16xf32>, vector<16xi32>)
      %get3A_168 = arith.index_cast %mul3A_67 : i32 to index
      %get3A_169 = arith.constant 224 : index
      %get3A_170 = tpu.vector_load %arg4[%get3A_168, %get3A_169] {strides = array<i32>} : memref<128x256xf32, #tpu.memory_space<vmem>>, vector<16xf32>,
      %masked_sort3A_171 = arith.constant dense<true> : vector<16xi1>
      %masked_sort3A_172, %masked_sort3A_173, %masked_sort3A_174 = tpu.sort %get3A_170, %add3A_47 masked %masked_sort3A_171 : (vector<16xf32>, vector<16xi32>, vector<16xi1>) -> (vector<16xi1>, vector<16xf32>, vector<16xi32>)
      %get3A_175 = arith.index_cast %mul3A_67 : i32 to index
      %get3A_176 = arith.constant 240 : index
      %get3A_177 = tpu.vector_load %arg4[%get3A_175, %get3A_176] {strides = array<i32>} : memref<128x256xf32, #tpu.memory_space<vmem>>, vector<16xf32>,
      %masked_sort3A_178 = arith.constant dense<true> : vector<16xi1>
      %masked_sort3A_179, %masked_sort3A_180, %masked_sort3A_181 = tpu.sort %get3A_177, %add3A_50 masked %masked_sort3A_178 : (vector<16xf32>, vector<16xi32>, vector<16xi1>) -> (vector<16xi1>, vector<16xf32>, vector<16xi32>)
      %rev3A = arith.constant 15 : i32
      %rev3A_182 = vector.broadcast %rev3A : i32 to vector<16xi32>
      %rev3A_183 = tpu.iota {dimensions = array<i32: 0>} : vector<16xi32>
      %rev3A_184 = arith.subi %rev3A_182, %rev3A_183 : vector<16xi32>
      %rev3A_185 = tpu.dynamic_gather %masked_sort3A_82[%rev3A_184] in [0] : vector<16xf32>, vector<16xi32> -> vector<16xf32>
      %rev3A_186 = arith.constant 15 : i32
      %rev3A_187 = vector.broadcast %rev3A_186 : i32 to vector<16xi32>
      %rev3A_188 = tpu.iota {dimensions = array<i32: 0>} : vector<16xi32>
      %rev3A_189 = arith.subi %rev3A_187, %rev3A_188 : vector<16xi32>
      %rev3A_190 = tpu.dynamic_gather %masked_sort3A_83[%rev3A_189] in [0] : vector<16xi32>, vector<16xi32> -> vector<16xi32>
      %le3A = arith.cmpf ole, %masked_sort3A_75, %rev3A_185 : vector<16xf32>
      %min3A = arith.minimumf %masked_sort3A_75, %rev3A_185 : vector<16xf32>
      %select_n3A = arith.select %le3A, %masked_sort3A_76, %rev3A_190 : vector<16xi1>, vector<16xi32>
      %max3A = arith.maximumf %masked_sort3A_75, %rev3A_185 : vector<16xf32>
      %select_n3A_191 = arith.select %le3A, %rev3A_190, %masked_sort3A_76 : vector<16xi1>, vector<16xi32>
      %masked_sort3A_192 = arith.constant dense<true> : vector<16xi1>
      %masked_sort3A_193, %masked_sort3A_194, %masked_sort3A_195 = tpu.sort %min3A, %select_n3A masked %masked_sort3A_192 : (vector<16xf32>, vector<16xi32>, vector<16xi1>) -> (vector<16xi1>, vector<16xf32>, vector<16xi32>)
      %masked_sort3A_196 = arith.constant dense<true> : vector<16xi1>
      %masked_sort3A_197, %masked_sort3A_198, %masked_sort3A_199 = tpu.sort %max3A, %select_n3A_191 masked %masked_sort3A_196 : (vector<16xf32>, vector<16xi32>, vector<16xi1>) -> (vector<16xi1>, vector<16xf32>, vector<16xi32>)
      %rev3A_200 = arith.constant 15 : i32
      %rev3A_201 = vector.broadcast %rev3A_200 : i32 to vector<16xi32>
      %rev3A_202 = tpu.iota {dimensions = array<i32: 0>} : vector<16xi32>
      %rev3A_203 = arith.subi %rev3A_201, %rev3A_202 : vector<16xi32>
      %rev3A_204 = tpu.dynamic_gather %masked_sort3A_96[%rev3A_203] in [0] : vector<16xf32>, vector<16xi32> -> vector<16xf32>
      %rev3A_205 = arith.constant 15 : i32
      %rev3A_206 = vector.broadcast %rev3A_205 : i32 to vector<16xi32>
      %rev3A_207 = tpu.iota {dimensions = array<i32: 0>} : vector<16xi32>
      %rev3A_208 = arith.subi %rev3A_206, %rev3A_207 : vector<16xi32>
      %rev3A_209 = tpu.dynamic_gather %masked_sort3A_97[%rev3A_208] in [0] : vector<16xi32>, vector<16xi32> -> vector<16xi32>
      %le3A_210 = arith.cmpf ole, %masked_sort3A_89, %rev3A_204 : vector<16xf32>
      %min3A_211 = arith.minimumf %masked_sort3A_89, %rev3A_204 : vector<16xf32>
      %select_n3A_212 = arith.select %le3A_210, %masked_sort3A_90, %rev3A_209 : vector<16xi1>, vector<16xi32>
      %max3A_213 = arith.maximumf %masked_sort3A_89, %rev3A_204 : vector<16xf32>
      %select_n3A_214 = arith.select %le3A_210, %rev3A_209, %masked_sort3A_90 : vector<16xi1>, vector<16xi32>
      %masked_sort3A_215 = arith.constant dense<true> : vector<16xi1>
      %masked_sort3A_216, %masked_sort3A_217, %masked_sort3A_218 = tpu.sort %min3A_211, %select_n3A_212 masked %masked_sort3A_215 : (vector<16xf32>, vector<16xi32>, vector<16xi1>) -> (vector<16xi1>, vector<16xf32>, vector<16xi32>)
      %masked_sort3A_219 = arith.constant dense<true> : vector<16xi1>
      %masked_sort3A_220, %masked_sort3A_221, %masked_sort3A_222 = tpu.sort %max3A_213, %select_n3A_214 masked %masked_sort3A_219 : (vector<16xf32>, vector<16xi32>, vector<16xi1>) -> (vector<16xi1>, vector<16xf32>, vector<16xi32>)
      %rev3A_223 = arith.constant 15 : i32
      %rev3A_224 = vector.broadcast %rev3A_223 : i32 to vector<16xi32>
      %rev3A_225 = tpu.iota {dimensions = array<i32: 0>} : vector<16xi32>
      %rev3A_226 = arith.subi %rev3A_224, %rev3A_225 : vector<16xi32>
      %rev3A_227 = tpu.dynamic_gather %masked_sort3A_110[%rev3A_226] in [0] : vector<16xf32>, vector<16xi32> -> vector<16xf32>
      %rev3A_228 = arith.constant 15 : i32
      %rev3A_229 = vector.broadcast %rev3A_228 : i32 to vector<16xi32>
      %rev3A_230 = tpu.iota {dimensions = array<i32: 0>} : vector<16xi32>
      %rev3A_231 = arith.subi %rev3A_229, %rev3A_230 : vector<16xi32>
      %rev3A_232 = tpu.dynamic_gather %masked_sort3A_111[%rev3A_231] in [0] : vector<16xi32>, vector<16xi32> -> vector<16xi32>
      %le3A_233 = arith.cmpf ole, %masked_sort3A_103, %rev3A_227 : vector<16xf32>
      %min3A_234 = arith.minimumf %masked_sort3A_103, %rev3A_227 : vector<16xf32>
      %select_n3A_235 = arith.select %le3A_233, %masked_sort3A_104, %rev3A_232 : vector<16xi1>, vector<16xi32>
      %max3A_236 = arith.maximumf %masked_sort3A_103, %rev3A_227 : vector<16xf32>
      %select_n3A_237 = arith.select %le3A_233, %rev3A_232, %masked_sort3A_104 : vector<16xi1>, vector<16xi32>
      %masked_sort3A_238 = arith.constant dense<true> : vector<16xi1>
      %masked_sort3A_239, %masked_sort3A_240, %masked_sort3A_241 = tpu.sort %min3A_234, %select_n3A_235 masked %masked_sort3A_238 : (vector<16xf32>, vector<16xi32>, vector<16xi1>) -> (vector<16xi1>, vector<16xf32>, vector<16xi32>)
      %masked_sort3A_242 = arith.constant dense<true> : vector<16xi1>
      %masked_sort3A_243, %masked_sort3A_244, %masked_sort3A_245 = tpu.sort %max3A_236, %select_n3A_237 masked %masked_sort3A_242 : (vector<16xf32>, vector<16xi32>, vector<16xi1>) -> (vector<16xi1>, vector<16xf32>, vector<16xi32>)
      %rev3A_246 = arith.constant 15 : i32
      %rev3A_247 = vector.broadcast %rev3A_246 : i32 to vector<16xi32>
      %rev3A_248 = tpu.iota {dimensions = array<i32: 0>} : vector<16xi32>
      %rev3A_249 = arith.subi %rev3A_247, %rev3A_248 : vector<16xi32>
      %rev3A_250 = tpu.dynamic_gather %masked_sort3A_124[%rev3A_249] in [0] : vector<16xf32>, vector<16xi32> -> vector<16xf32>
      %rev3A_251 = arith.constant 15 : i32
      %rev3A_252 = vector.broadcast %rev3A_251 : i32 to vector<16xi32>
      %rev3A_253 = tpu.iota {dimensions = array<i32: 0>} : vector<16xi32>
      %rev3A_254 = arith.subi %rev3A_252, %rev3A_253 : vector<16xi32>
      %rev3A_255 = tpu.dynamic_gather %masked_sort3A_125[%rev3A_254] in [0] : vector<16xi32>, vector<16xi32> -> vector<16xi32>
      %le3A_256 = arith.cmpf ole, %masked_sort3A_117, %rev3A_250 : vector<16xf32>
      %min3A_257 = arith.minimumf %masked_sort3A_117, %rev3A_250 : vector<16xf32>
      %select_n3A_258 = arith.select %le3A_256, %masked_sort3A_118, %rev3A_255 : vector<16xi1>, vector<16xi32>
      %max3A_259 = arith.maximumf %masked_sort3A_117, %rev3A_250 : vector<16xf32>
      %select_n3A_260 = arith.select %le3A_256, %rev3A_255, %masked_sort3A_118 : vector<16xi1>, vector<16xi32>
      %masked_sort3A_261 = arith.constant dense<true> : vector<16xi1>
      %masked_sort3A_262, %masked_sort3A_263, %masked_sort3A_264 = tpu.sort %min3A_257, %select_n3A_258 masked %masked_sort3A_261 : (vector<16xf32>, vector<16xi32>, vector<16xi1>) -> (vector<16xi1>, vector<16xf32>, vector<16xi32>)
      %masked_sort3A_265 = arith.constant dense<true> : vector<16xi1>
      %masked_sort3A_266, %masked_sort3A_267, %masked_sort3A_268 = tpu.sort %max3A_259, %select_n3A_260 masked %masked_sort3A_265 : (vector<16xf32>, vector<16xi32>, vector<16xi1>) -> (vector<16xi1>, vector<16xf32>, vector<16xi32>)
      %rev3A_269 = arith.constant 15 : i32
      %rev3A_270 = vector.broadcast %rev3A_269 : i32 to vector<16xi32>
      %rev3A_271 = tpu.iota {dimensions = array<i32: 0>} : vector<16xi32>
      %rev3A_272 = arith.subi %rev3A_270, %rev3A_271 : vector<16xi32>
      %rev3A_273 = tpu.dynamic_gather %masked_sort3A_138[%rev3A_272] in [0] : vector<16xf32>, vector<16xi32> -> vector<16xf32>
      %rev3A_274 = arith.constant 15 : i32
      %rev3A_275 = vector.broadcast %rev3A_274 : i32 to vector<16xi32>
      %rev3A_276 = tpu.iota {dimensions = array<i32: 0>} : vector<16xi32>
      %rev3A_277 = arith.subi %rev3A_275, %rev3A_276 : vector<16xi32>
      %rev3A_278 = tpu.dynamic_gather %masked_sort3A_139[%rev3A_277] in [0] : vector<16xi32>, vector<16xi32> -> vector<16xi32>
      %le3A_279 = arith.cmpf ole, %masked_sort3A_131, %rev3A_273 : vector<16xf32>
      %min3A_280 = arith.minimumf %masked_sort3A_131, %rev3A_273 : vector<16xf32>
      %select_n3A_281 = arith.select %le3A_279, %masked_sort3A_132, %rev3A_278 : vector<16xi1>, vector<16xi32>
      %max3A_282 = arith.maximumf %masked_sort3A_131, %rev3A_273 : vector<16xf32>
      %select_n3A_283 = arith.select %le3A_279, %rev3A_278, %masked_sort3A_132 : vector<16xi1>, vector<16xi32>
      %masked_sort3A_284 = arith.constant dense<true> : vector<16xi1>
      %masked_sort3A_285, %masked_sort3A_286, %masked_sort3A_287 = tpu.sort %min3A_280, %select_n3A_281 masked %masked_sort3A_284 : (vector<16xf32>, vector<16xi32>, vector<16xi1>) -> (vector<16xi1>, vector<16xf32>, vector<16xi32>)
      %masked_sort3A_288 = arith.constant dense<true> : vector<16xi1>
      %masked_sort3A_289, %masked_sort3A_290, %masked_sort3A_291 = tpu.sort %max3A_282, %select_n3A_283 masked %masked_sort3A_288 : (vector<16xf32>, vector<16xi32>, vector<16xi1>) -> (vector<16xi1>, vector<16xf32>, vector<16xi32>)
      %rev3A_292 = arith.constant 15 : i32
      %rev3A_293 = vector.broadcast %rev3A_292 : i32 to vector<16xi32>
      %rev3A_294 = tpu.iota {dimensions = array<i32: 0>} : vector<16xi32>
      %rev3A_295 = arith.subi %rev3A_293, %rev3A_294 : vector<16xi32>
      %rev3A_296 = tpu.dynamic_gather %masked_sort3A_152[%rev3A_295] in [0] : vector<16xf32>, vector<16xi32> -> vector<16xf32>
      %rev3A_297 = arith.constant 15 : i32
      %rev3A_298 = vector.broadcast %rev3A_297 : i32 to vector<16xi32>
      %rev3A_299 = tpu.iota {dimensions = array<i32: 0>} : vector<16xi32>
      %rev3A_300 = arith.subi %rev3A_298, %rev3A_299 : vector<16xi32>
      %rev3A_301 = tpu.dynamic_gather %masked_sort3A_153[%rev3A_300] in [0] : vector<16xi32>, vector<16xi32> -> vector<16xi32>
      %le3A_302 = arith.cmpf ole, %masked_sort3A_145, %rev3A_296 : vector<16xf32>
      %min3A_303 = arith.minimumf %masked_sort3A_145, %rev3A_296 : vector<16xf32>
      %select_n3A_304 = arith.select %le3A_302, %masked_sort3A_146, %rev3A_301 : vector<16xi1>, vector<16xi32>
      %max3A_305 = arith.maximumf %masked_sort3A_145, %rev3A_296 : vector<16xf32>
      %select_n3A_306 = arith.select %le3A_302, %rev3A_301, %masked_sort3A_146 : vector<16xi1>, vector<16xi32>
      %masked_sort3A_307 = arith.constant dense<true> : vector<16xi1>
      %masked_sort3A_308, %masked_sort3A_309, %masked_sort3A_310 = tpu.sort %min3A_303, %select_n3A_304 masked %masked_sort3A_307 : (vector<16xf32>, vector<16xi32>, vector<16xi1>) -> (vector<16xi1>, vector<16xf32>, vector<16xi32>)
      %masked_sort3A_311 = arith.constant dense<true> : vector<16xi1>
      %masked_sort3A_312, %masked_sort3A_313, %masked_sort3A_314 = tpu.sort %max3A_305, %select_n3A_306 masked %masked_sort3A_311 : (vector<16xf32>, vector<16xi32>, vector<16xi1>) -> (vector<16xi1>, vector<16xf32>, vector<16xi32>)
      %rev3A_315 = arith.constant 15 : i32
      %rev3A_316 = vector.broadcast %rev3A_315 : i32 to vector<16xi32>
      %rev3A_317 = tpu.iota {dimensions = array<i32: 0>} : vector<16xi32>
      %rev3A_318 = arith.subi %rev3A_316, %rev3A_317 : vector<16xi32>
      %rev3A_319 = tpu.dynamic_gather %masked_sort3A_166[%rev3A_318] in [0] : vector<16xf32>, vector<16xi32> -> vector<16xf32>
      %rev3A_320 = arith.constant 15 : i32
      %rev3A_321 = vector.broadcast %rev3A_320 : i32 to vector<16xi32>
      %rev3A_322 = tpu.iota {dimensions = array<i32: 0>} : vector<16xi32>
      %rev3A_323 = arith.subi %rev3A_321, %rev3A_322 : vector<16xi32>
      %rev3A_324 = tpu.dynamic_gather %masked_sort3A_167[%rev3A_323] in [0] : vector<16xi32>, vector<16xi32> -> vector<16xi32>
      %le3A_325 = arith.cmpf ole, %masked_sort3A_159, %rev3A_319 : vector<16xf32>
      %min3A_326 = arith.minimumf %masked_sort3A_159, %rev3A_319 : vector<16xf32>
      %select_n3A_327 = arith.select %le3A_325, %masked_sort3A_160, %rev3A_324 : vector<16xi1>, vector<16xi32>
      %max3A_328 = arith.maximumf %masked_sort3A_159, %rev3A_319 : vector<16xf32>
      %select_n3A_329 = arith.select %le3A_325, %rev3A_324, %masked_sort3A_160 : vector<16xi1>, vector<16xi32>
      %masked_sort3A_330 = arith.constant dense<true> : vector<16xi1>
      %masked_sort3A_331, %masked_sort3A_332, %masked_sort3A_333 = tpu.sort %min3A_326, %select_n3A_327 masked %masked_sort3A_330 : (vector<16xf32>, vector<16xi32>, vector<16xi1>) -> (vector<16xi1>, vector<16xf32>, vector<16xi32>)
      %masked_sort3A_334 = arith.constant dense<true> : vector<16xi1>
      %masked_sort3A_335, %masked_sort3A_336, %masked_sort3A_337 = tpu.sort %max3A_328, %select_n3A_329 masked %masked_sort3A_334 : (vector<16xf32>, vector<16xi32>, vector<16xi1>) -> (vector<16xi1>, vector<16xf32>, vector<16xi32>)
      %rev3A_338 = arith.constant 15 : i32
      %rev3A_339 = vector.broadcast %rev3A_338 : i32 to vector<16xi32>
      %rev3A_340 = tpu.iota {dimensions = array<i32: 0>} : vector<16xi32>
      %rev3A_341 = arith.subi %rev3A_339, %rev3A_340 : vector<16xi32>
      %rev3A_342 = tpu.dynamic_gather %masked_sort3A_180[%rev3A_341] in [0] : vector<16xf32>, vector<16xi32> -> vector<16xf32>
      %rev3A_343 = arith.constant 15 : i32
      %rev3A_344 = vector.broadcast %rev3A_343 : i32 to vector<16xi32>
      %rev3A_345 = tpu.iota {dimensions = array<i32: 0>} : vector<16xi32>
      %rev3A_346 = arith.subi %rev3A_344, %rev3A_345 : vector<16xi32>
      %rev3A_347 = tpu.dynamic_gather %masked_sort3A_181[%rev3A_346] in [0] : vector<16xi32>, vector<16xi32> -> vector<16xi32>
      %le3A_348 = arith.cmpf ole, %masked_sort3A_173, %rev3A_342 : vector<16xf32>
      %min3A_349 = arith.minimumf %masked_sort3A_173, %rev3A_342 : vector<16xf32>
      %select_n3A_350 = arith.select %le3A_348, %masked_sort3A_174, %rev3A_347 : vector<16xi1>, vector<16xi32>
      %max3A_351 = arith.maximumf %masked_sort3A_173, %rev3A_342 : vector<16xf32>
      %select_n3A_352 = arith.select %le3A_348, %rev3A_347, %masked_sort3A_174 : vector<16xi1>, vector<16xi32>
      %masked_sort3A_353 = arith.constant dense<true> : vector<16xi1>
      %masked_sort3A_354, %masked_sort3A_355, %masked_sort3A_356 = tpu.sort %min3A_349, %select_n3A_350 masked %masked_sort3A_353 : (vector<16xf32>, vector<16xi32>, vector<16xi1>) -> (vector<16xi1>, vector<16xf32>, vector<16xi32>)
      %masked_sort3A_357 = arith.constant dense<true> : vector<16xi1>
      %masked_sort3A_358, %masked_sort3A_359, %masked_sort3A_360 = tpu.sort %max3A_351, %select_n3A_352 masked %masked_sort3A_357 : (vector<16xf32>, vector<16xi32>, vector<16xi1>) -> (vector<16xi1>, vector<16xf32>, vector<16xi32>)
      %rev3A_361 = arith.constant 15 : i32
      %rev3A_362 = vector.broadcast %rev3A_361 : i32 to vector<16xi32>
      %rev3A_363 = tpu.iota {dimensions = array<i32: 0>} : vector<16xi32>
      %rev3A_364 = arith.subi %rev3A_362, %rev3A_363 : vector<16xi32>
      %rev3A_365 = tpu.dynamic_gather %masked_sort3A_221[%rev3A_364] in [0] : vector<16xf32>, vector<16xi32> -> vector<16xf32>
      %rev3A_366 = arith.constant 15 : i32
      %rev3A_367 = vector.broadcast %rev3A_366 : i32 to vector<16xi32>
      %rev3A_368 = tpu.iota {dimensions = array<i32: 0>} : vector<16xi32>
      %rev3A_369 = arith.subi %rev3A_367, %rev3A_368 : vector<16xi32>
      %rev3A_370 = tpu.dynamic_gather %masked_sort3A_222[%rev3A_369] in [0] : vector<16xi32>, vector<16xi32> -> vector<16xi32>
      %rev3A_371 = arith.constant 15 : i32
      %rev3A_372 = vector.broadcast %rev3A_371 : i32 to vector<16xi32>
      %rev3A_373 = tpu.iota {dimensions = array<i32: 0>} : vector<16xi32>
      %rev3A_374 = arith.subi %rev3A_372, %rev3A_373 : vector<16xi32>
      %rev3A_375 = tpu.dynamic_gather %masked_sort3A_217[%rev3A_374] in [0] : vector<16xf32>, vector<16xi32> -> vector<16xf32>
      %rev3A_376 = arith.constant 15 : i32
      %rev3A_377 = vector.broadcast %rev3A_376 : i32 to vector<16xi32>
      %rev3A_378 = tpu.iota {dimensions = array<i32: 0>} : vector<16xi32>
      %rev3A_379 = arith.subi %rev3A_377, %rev3A_378 : vector<16xi32>
      %rev3A_380 = tpu.dynamic_gather %masked_sort3A_218[%rev3A_379] in [0] : vector<16xi32>, vector<16xi32> -> vector<16xi32>
      %le3A_381 = arith.cmpf ole, %masked_sort3A_194, %rev3A_365 : vector<16xf32>
      %min3A_382 = arith.minimumf %masked_sort3A_194, %rev3A_365 : vector<16xf32>
      %select_n3A_383 = arith.select %le3A_381, %masked_sort3A_195, %rev3A_370 : vector<16xi1>, vector<16xi32>
      %le3A_384 = arith.cmpf ole, %masked_sort3A_198, %rev3A_375 : vector<16xf32>
      %min3A_385 = arith.minimumf %masked_sort3A_198, %rev3A_375 : vector<16xf32>
      %select_n3A_386 = arith.select %le3A_384, %masked_sort3A_199, %rev3A_380 : vector<16xi1>, vector<16xi32>
      %le3A_387 = arith.cmpf ole, %min3A_382, %min3A_385 : vector<16xf32>
      %min3A_388 = arith.minimumf %min3A_382, %min3A_385 : vector<16xf32>
      %select_n3A_389 = arith.select %le3A_387, %select_n3A_383, %select_n3A_386 : vector<16xi1>, vector<16xi32>
      %max3A_390 = arith.maximumf %min3A_382, %min3A_385 : vector<16xf32>
      %select_n3A_391 = arith.select %le3A_387, %select_n3A_386, %select_n3A_383 : vector<16xi1>, vector<16xi32>
      %masked_sort3A_392 = arith.constant dense<true> : vector<16xi1>
      %masked_sort3A_393, %masked_sort3A_394, %masked_sort3A_395 = tpu.sort %min3A_388, %select_n3A_389 masked %masked_sort3A_392 : (vector<16xf32>, vector<16xi32>, vector<16xi1>) -> (vector<16xi1>, vector<16xf32>, vector<16xi32>)
      %masked_sort3A_396 = arith.constant dense<true> : vector<16xi1>
      %masked_sort3A_397, %masked_sort3A_398, %masked_sort3A_399 = tpu.sort %max3A_390, %select_n3A_391 masked %masked_sort3A_396 : (vector<16xf32>, vector<16xi32>, vector<16xi1>) -> (vector<16xi1>, vector<16xf32>, vector<16xi32>)
      %rev3A_400 = arith.constant 15 : i32
      %rev3A_401 = vector.broadcast %rev3A_400 : i32 to vector<16xi32>
      %rev3A_402 = tpu.iota {dimensions = array<i32: 0>} : vector<16xi32>
      %rev3A_403 = arith.subi %rev3A_401, %rev3A_402 : vector<16xi32>
      %rev3A_404 = tpu.dynamic_gather %masked_sort3A_267[%rev3A_403] in [0] : vector<16xf32>, vector<16xi32> -> vector<16xf32>
      %rev3A_405 = arith.constant 15 : i32
      %rev3A_406 = vector.broadcast %rev3A_405 : i32 to vector<16xi32>
      %rev3A_407 = tpu.iota {dimensions = array<i32: 0>} : vector<16xi32>
      %rev3A_408 = arith.subi %rev3A_406, %rev3A_407 : vector<16xi32>
      %rev3A_409 = tpu.dynamic_gather %masked_sort3A_268[%rev3A_408] in [0] : vector<16xi32>, vector<16xi32> -> vector<16xi32>
      %rev3A_410 = arith.constant 15 : i32
      %rev3A_411 = vector.broadcast %rev3A_410 : i32 to vector<16xi32>
      %rev3A_412 = tpu.iota {dimensions = array<i32: 0>} : vector<16xi32>
      %rev3A_413 = arith.subi %rev3A_411, %rev3A_412 : vector<16xi32>
      %rev3A_414 = tpu.dynamic_gather %masked_sort3A_263[%rev3A_413] in [0] : vector<16xf32>, vector<16xi32> -> vector<16xf32>
      %rev3A_415 = arith.constant 15 : i32
      %rev3A_416 = vector.broadcast %rev3A_415 : i32 to vector<16xi32>
      %rev3A_417 = tpu.iota {dimensions = array<i32: 0>} : vector<16xi32>
      %rev3A_418 = arith.subi %rev3A_416, %rev3A_417 : vector<16xi32>
      %rev3A_419 = tpu.dynamic_gather %masked_sort3A_264[%rev3A_418] in [0] : vector<16xi32>, vector<16xi32> -> vector<16xi32>
      %le3A_420 = arith.cmpf ole, %masked_sort3A_240, %rev3A_404 : vector<16xf32>
      %min3A_421 = arith.minimumf %masked_sort3A_240, %rev3A_404 : vector<16xf32>
      %select_n3A_422 = arith.select %le3A_420, %masked_sort3A_241, %rev3A_409 : vector<16xi1>, vector<16xi32>
      %le3A_423 = arith.cmpf ole, %masked_sort3A_244, %rev3A_414 : vector<16xf32>
      %min3A_424 = arith.minimumf %masked_sort3A_244, %rev3A_414 : vector<16xf32>
      %select_n3A_425 = arith.select %le3A_423, %masked_sort3A_245, %rev3A_419 : vector<16xi1>, vector<16xi32>
      %le3A_426 = arith.cmpf ole, %min3A_421, %min3A_424 : vector<16xf32>
      %min3A_427 = arith.minimumf %min3A_421, %min3A_424 : vector<16xf32>
      %select_n3A_428 = arith.select %le3A_426, %select_n3A_422, %select_n3A_425 : vector<16xi1>, vector<16xi32>
      %max3A_429 = arith.maximumf %min3A_421, %min3A_424 : vector<16xf32>
      %select_n3A_430 = arith.select %le3A_426, %select_n3A_425, %select_n3A_422 : vector<16xi1>, vector<16xi32>
      %masked_sort3A_431 = arith.constant dense<true> : vector<16xi1>
      %masked_sort3A_432, %masked_sort3A_433, %masked_sort3A_434 = tpu.sort %min3A_427, %select_n3A_428 masked %masked_sort3A_431 : (vector<16xf32>, vector<16xi32>, vector<16xi1>) -> (vector<16xi1>, vector<16xf32>, vector<16xi32>)
      %masked_sort3A_435 = arith.constant dense<true> : vector<16xi1>
      %masked_sort3A_436, %masked_sort3A_437, %masked_sort3A_438 = tpu.sort %max3A_429, %select_n3A_430 masked %masked_sort3A_435 : (vector<16xf32>, vector<16xi32>, vector<16xi1>) -> (vector<16xi1>, vector<16xf32>, vector<16xi32>)
      %rev3A_439 = arith.constant 15 : i32
      %rev3A_440 = vector.broadcast %rev3A_439 : i32 to vector<16xi32>
      %rev3A_441 = tpu.iota {dimensions = array<i32: 0>} : vector<16xi32>
      %rev3A_442 = arith.subi %rev3A_440, %rev3A_441 : vector<16xi32>
      %rev3A_443 = tpu.dynamic_gather %masked_sort3A_313[%rev3A_442] in [0] : vector<16xf32>, vector<16xi32> -> vector<16xf32>
      %rev3A_444 = arith.constant 15 : i32
      %rev3A_445 = vector.broadcast %rev3A_444 : i32 to vector<16xi32>
      %rev3A_446 = tpu.iota {dimensions = array<i32: 0>} : vector<16xi32>
      %rev3A_447 = arith.subi %rev3A_445, %rev3A_446 : vector<16xi32>
      %rev3A_448 = tpu.dynamic_gather %masked_sort3A_314[%rev3A_447] in [0] : vector<16xi32>, vector<16xi32> -> vector<16xi32>
      %rev3A_449 = arith.constant 15 : i32
      %rev3A_450 = vector.broadcast %rev3A_449 : i32 to vector<16xi32>
      %rev3A_451 = tpu.iota {dimensions = array<i32: 0>} : vector<16xi32>
      %rev3A_452 = arith.subi %rev3A_450, %rev3A_451 : vector<16xi32>
      %rev3A_453 = tpu.dynamic_gather %masked_sort3A_309[%rev3A_452] in [0] : vector<16xf32>, vector<16xi32> -> vector<16xf32>
      %rev3A_454 = arith.constant 15 : i32
      %rev3A_455 = vector.broadcast %rev3A_454 : i32 to vector<16xi32>
      %rev3A_456 = tpu.iota {dimensions = array<i32: 0>} : vector<16xi32>
      %rev3A_457 = arith.subi %rev3A_455, %rev3A_456 : vector<16xi32>
      %rev3A_458 = tpu.dynamic_gather %masked_sort3A_310[%rev3A_457] in [0] : vector<16xi32>, vector<16xi32> -> vector<16xi32>
      %le3A_459 = arith.cmpf ole, %masked_sort3A_286, %rev3A_443 : vector<16xf32>
      %min3A_460 = arith.minimumf %masked_sort3A_286, %rev3A_443 : vector<16xf32>
      %select_n3A_461 = arith.select %le3A_459, %masked_sort3A_287, %rev3A_448 : vector<16xi1>, vector<16xi32>
      %le3A_462 = arith.cmpf ole, %masked_sort3A_290, %rev3A_453 : vector<16xf32>
      %min3A_463 = arith.minimumf %masked_sort3A_290, %rev3A_453 : vector<16xf32>
      %select_n3A_464 = arith.select %le3A_462, %masked_sort3A_291, %rev3A_458 : vector<16xi1>, vector<16xi32>
      %le3A_465 = arith.cmpf ole, %min3A_460, %min3A_463 : vector<16xf32>
      %min3A_466 = arith.minimumf %min3A_460, %min3A_463 : vector<16xf32>
      %select_n3A_467 = arith.select %le3A_465, %select_n3A_461, %select_n3A_464 : vector<16xi1>, vector<16xi32>
      %max3A_468 = arith.maximumf %min3A_460, %min3A_463 : vector<16xf32>
      %select_n3A_469 = arith.select %le3A_465, %select_n3A_464, %select_n3A_461 : vector<16xi1>, vector<16xi32>
      %masked_sort3A_470 = arith.constant dense<true> : vector<16xi1>
      %masked_sort3A_471, %masked_sort3A_472, %masked_sort3A_473 = tpu.sort %min3A_466, %select_n3A_467 masked %masked_sort3A_470 : (vector<16xf32>, vector<16xi32>, vector<16xi1>) -> (vector<16xi1>, vector<16xf32>, vector<16xi32>)
      %masked_sort3A_474 = arith.constant dense<true> : vector<16xi1>
      %masked_sort3A_475, %masked_sort3A_476, %masked_sort3A_477 = tpu.sort %max3A_468, %select_n3A_469 masked %masked_sort3A_474 : (vector<16xf32>, vector<16xi32>, vector<16xi1>) -> (vector<16xi1>, vector<16xf32>, vector<16xi32>)
      %rev3A_478 = arith.constant 15 : i32
      %rev3A_479 = vector.broadcast %rev3A_478 : i32 to vector<16xi32>
      %rev3A_480 = tpu.iota {dimensions = array<i32: 0>} : vector<16xi32>
      %rev3A_481 = arith.subi %rev3A_479, %rev3A_480 : vector<16xi32>
      %rev3A_482 = tpu.dynamic_gather %masked_sort3A_359[%rev3A_481] in [0] : vector<16xf32>, vector<16xi32> -> vector<16xf32>
      %rev3A_483 = arith.constant 15 : i32
      %rev3A_484 = vector.broadcast %rev3A_483 : i32 to vector<16xi32>
      %rev3A_485 = tpu.iota {dimensions = array<i32: 0>} : vector<16xi32>
      %rev3A_486 = arith.subi %rev3A_484, %rev3A_485 : vector<16xi32>
      %rev3A_487 = tpu.dynamic_gather %masked_sort3A_360[%rev3A_486] in [0] : vector<16xi32>, vector<16xi32> -> vector<16xi32>
      %rev3A_488 = arith.constant 15 : i32
      %rev3A_489 = vector.broadcast %rev3A_488 : i32 to vector<16xi32>
      %rev3A_490 = tpu.iota {dimensions = array<i32: 0>} : vector<16xi32>
      %rev3A_491 = arith.subi %rev3A_489, %rev3A_490 : vector<16xi32>
      %rev3A_492 = tpu.dynamic_gather %masked_sort3A_355[%rev3A_491] in [0] : vector<16xf32>, vector<16xi32> -> vector<16xf32>
      %rev3A_493 = arith.constant 15 : i32
      %rev3A_494 = vector.broadcast %rev3A_493 : i32 to vector<16xi32>
      %rev3A_495 = tpu.iota {dimensions = array<i32: 0>} : vector<16xi32>
      %rev3A_496 = arith.subi %rev3A_494, %rev3A_495 : vector<16xi32>
      %rev3A_497 = tpu.dynamic_gather %masked_sort3A_356[%rev3A_496] in [0] : vector<16xi32>, vector<16xi32> -> vector<16xi32>
      %le3A_498 = arith.cmpf ole, %masked_sort3A_332, %rev3A_482 : vector<16xf32>
      %min3A_499 = arith.minimumf %masked_sort3A_332, %rev3A_482 : vector<16xf32>
      %select_n3A_500 = arith.select %le3A_498, %masked_sort3A_333, %rev3A_487 : vector<16xi1>, vector<16xi32>
      %le3A_501 = arith.cmpf ole, %masked_sort3A_336, %rev3A_492 : vector<16xf32>
      %min3A_502 = arith.minimumf %masked_sort3A_336, %rev3A_492 : vector<16xf32>
      %select_n3A_503 = arith.select %le3A_501, %masked_sort3A_337, %rev3A_497 : vector<16xi1>, vector<16xi32>
      %le3A_504 = arith.cmpf ole, %min3A_499, %min3A_502 : vector<16xf32>
      %min3A_505 = arith.minimumf %min3A_499, %min3A_502 : vector<16xf32>
      %select_n3A_506 = arith.select %le3A_504, %select_n3A_500, %select_n3A_503 : vector<16xi1>, vector<16xi32>
      %max3A_507 = arith.maximumf %min3A_499, %min3A_502 : vector<16xf32>
      %select_n3A_508 = arith.select %le3A_504, %select_n3A_503, %select_n3A_500 : vector<16xi1>, vector<16xi32>
      %masked_sort3A_509 = arith.constant dense<true> : vector<16xi1>
      %masked_sort3A_510, %masked_sort3A_511, %masked_sort3A_512 = tpu.sort %min3A_505, %select_n3A_506 masked %masked_sort3A_509 : (vector<16xf32>, vector<16xi32>, vector<16xi1>) -> (vector<16xi1>, vector<16xf32>, vector<16xi32>)
      %masked_sort3A_513 = arith.constant dense<true> : vector<16xi1>
      %masked_sort3A_514, %masked_sort3A_515, %masked_sort3A_516 = tpu.sort %max3A_507, %select_n3A_508 masked %masked_sort3A_513 : (vector<16xf32>, vector<16xi32>, vector<16xi1>) -> (vector<16xi1>, vector<16xf32>, vector<16xi32>)
      %rev3A_517 = arith.constant 15 : i32
      %rev3A_518 = vector.broadcast %rev3A_517 : i32 to vector<16xi32>
      %rev3A_519 = tpu.iota {dimensions = array<i32: 0>} : vector<16xi32>
      %rev3A_520 = arith.subi %rev3A_518, %rev3A_519 : vector<16xi32>
      %rev3A_521 = tpu.dynamic_gather %masked_sort3A_437[%rev3A_520] in [0] : vector<16xf32>, vector<16xi32> -> vector<16xf32>
      %rev3A_522 = arith.constant 15 : i32
      %rev3A_523 = vector.broadcast %rev3A_522 : i32 to vector<16xi32>
      %rev3A_524 = tpu.iota {dimensions = array<i32: 0>} : vector<16xi32>
      %rev3A_525 = arith.subi %rev3A_523, %rev3A_524 : vector<16xi32>
      %rev3A_526 = tpu.dynamic_gather %masked_sort3A_438[%rev3A_525] in [0] : vector<16xi32>, vector<16xi32> -> vector<16xi32>
      %rev3A_527 = arith.constant 15 : i32
      %rev3A_528 = vector.broadcast %rev3A_527 : i32 to vector<16xi32>
      %rev3A_529 = tpu.iota {dimensions = array<i32: 0>} : vector<16xi32>
      %rev3A_530 = arith.subi %rev3A_528, %rev3A_529 : vector<16xi32>
      %rev3A_531 = tpu.dynamic_gather %masked_sort3A_433[%rev3A_530] in [0] : vector<16xf32>, vector<16xi32> -> vector<16xf32>
      %rev3A_532 = arith.constant 15 : i32
      %rev3A_533 = vector.broadcast %rev3A_532 : i32 to vector<16xi32>
      %rev3A_534 = tpu.iota {dimensions = array<i32: 0>} : vector<16xi32>
      %rev3A_535 = arith.subi %rev3A_533, %rev3A_534 : vector<16xi32>
      %rev3A_536 = tpu.dynamic_gather %masked_sort3A_434[%rev3A_535] in [0] : vector<16xi32>, vector<16xi32> -> vector<16xi32>
      %le3A_537 = arith.cmpf ole, %masked_sort3A_394, %rev3A_521 : vector<16xf32>
      %min3A_538 = arith.minimumf %masked_sort3A_394, %rev3A_521 : vector<16xf32>
      %select_n3A_539 = arith.select %le3A_537, %masked_sort3A_395, %rev3A_526 : vector<16xi1>, vector<16xi32>
      %le3A_540 = arith.cmpf ole, %masked_sort3A_398, %rev3A_531 : vector<16xf32>
      %min3A_541 = arith.minimumf %masked_sort3A_398, %rev3A_531 : vector<16xf32>
      %select_n3A_542 = arith.select %le3A_540, %masked_sort3A_399, %rev3A_536 : vector<16xi1>, vector<16xi32>
      %le3A_543 = arith.cmpf ole, %min3A_538, %min3A_541 : vector<16xf32>
      %min3A_544 = arith.minimumf %min3A_538, %min3A_541 : vector<16xf32>
      %select_n3A_545 = arith.select %le3A_543, %select_n3A_539, %select_n3A_542 : vector<16xi1>, vector<16xi32>
      %max3A_546 = arith.maximumf %min3A_538, %min3A_541 : vector<16xf32>
      %select_n3A_547 = arith.select %le3A_543, %select_n3A_542, %select_n3A_539 : vector<16xi1>, vector<16xi32>
      %masked_sort3A_548 = arith.constant dense<true> : vector<16xi1>
      %masked_sort3A_549, %masked_sort3A_550, %masked_sort3A_551 = tpu.sort %min3A_544, %select_n3A_545 masked %masked_sort3A_548 : (vector<16xf32>, vector<16xi32>, vector<16xi1>) -> (vector<16xi1>, vector<16xf32>, vector<16xi32>)
      %masked_sort3A_552 = arith.constant dense<true> : vector<16xi1>
      %masked_sort3A_553, %masked_sort3A_554, %masked_sort3A_555 = tpu.sort %max3A_546, %select_n3A_547 masked %masked_sort3A_552 : (vector<16xf32>, vector<16xi32>, vector<16xi1>) -> (vector<16xi1>, vector<16xf32>, vector<16xi32>)
      %rev3A_556 = arith.constant 15 : i32
      %rev3A_557 = vector.broadcast %rev3A_556 : i32 to vector<16xi32>
      %rev3A_558 = tpu.iota {dimensions = array<i32: 0>} : vector<16xi32>
      %rev3A_559 = arith.subi %rev3A_557, %rev3A_558 : vector<16xi32>
      %rev3A_560 = tpu.dynamic_gather %masked_sort3A_515[%rev3A_559] in [0] : vector<16xf32>, vector<16xi32> -> vector<16xf32>
      %rev3A_561 = arith.constant 15 : i32
      %rev3A_562 = vector.broadcast %rev3A_561 : i32 to vector<16xi32>
      %rev3A_563 = tpu.iota {dimensions = array<i32: 0>} : vector<16xi32>
      %rev3A_564 = arith.subi %rev3A_562, %rev3A_563 : vector<16xi32>
      %rev3A_565 = tpu.dynamic_gather %masked_sort3A_516[%rev3A_564] in [0] : vector<16xi32>, vector<16xi32> -> vector<16xi32>
      %rev3A_566 = arith.constant 15 : i32
      %rev3A_567 = vector.broadcast %rev3A_566 : i32 to vector<16xi32>
      %rev3A_568 = tpu.iota {dimensions = array<i32: 0>} : vector<16xi32>
      %rev3A_569 = arith.subi %rev3A_567, %rev3A_568 : vector<16xi32>
      %rev3A_570 = tpu.dynamic_gather %masked_sort3A_511[%rev3A_569] in [0] : vector<16xf32>, vector<16xi32> -> vector<16xf32>
      %rev3A_571 = arith.constant 15 : i32
      %rev3A_572 = vector.broadcast %rev3A_571 : i32 to vector<16xi32>
      %rev3A_573 = tpu.iota {dimensions = array<i32: 0>} : vector<16xi32>
      %rev3A_574 = arith.subi %rev3A_572, %rev3A_573 : vector<16xi32>
      %rev3A_575 = tpu.dynamic_gather %masked_sort3A_512[%rev3A_574] in [0] : vector<16xi32>, vector<16xi32> -> vector<16xi32>
      %le3A_576 = arith.cmpf ole, %masked_sort3A_472, %rev3A_560 : vector<16xf32>
      %min3A_577 = arith.minimumf %masked_sort3A_472, %rev3A_560 : vector<16xf32>
      %select_n3A_578 = arith.select %le3A_576, %masked_sort3A_473, %rev3A_565 : vector<16xi1>, vector<16xi32>
      %le3A_579 = arith.cmpf ole, %masked_sort3A_476, %rev3A_570 : vector<16xf32>
      %min3A_580 = arith.minimumf %masked_sort3A_476, %rev3A_570 : vector<16xf32>
      %select_n3A_581 = arith.select %le3A_579, %masked_sort3A_477, %rev3A_575 : vector<16xi1>, vector<16xi32>
      %le3A_582 = arith.cmpf ole, %min3A_577, %min3A_580 : vector<16xf32>
      %min3A_583 = arith.minimumf %min3A_577, %min3A_580 : vector<16xf32>
      %select_n3A_584 = arith.select %le3A_582, %select_n3A_578, %select_n3A_581 : vector<16xi1>, vector<16xi32>
      %max3A_585 = arith.maximumf %min3A_577, %min3A_580 : vector<16xf32>
      %select_n3A_586 = arith.select %le3A_582, %select_n3A_581, %select_n3A_578 : vector<16xi1>, vector<16xi32>
      %masked_sort3A_587 = arith.constant dense<true> : vector<16xi1>
      %masked_sort3A_588, %masked_sort3A_589, %masked_sort3A_590 = tpu.sort %min3A_583, %select_n3A_584 masked %masked_sort3A_587 : (vector<16xf32>, vector<16xi32>, vector<16xi1>) -> (vector<16xi1>, vector<16xf32>, vector<16xi32>)
      %masked_sort3A_591 = arith.constant dense<true> : vector<16xi1>
      %masked_sort3A_592, %masked_sort3A_593, %masked_sort3A_594 = tpu.sort %max3A_585, %select_n3A_586 masked %masked_sort3A_591 : (vector<16xf32>, vector<16xi32>, vector<16xi1>) -> (vector<16xi1>, vector<16xf32>, vector<16xi32>)
      %rev3A_595 = arith.constant 15 : i32
      %rev3A_596 = vector.broadcast %rev3A_595 : i32 to vector<16xi32>
      %rev3A_597 = tpu.iota {dimensions = array<i32: 0>} : vector<16xi32>
      %rev3A_598 = arith.subi %rev3A_596, %rev3A_597 : vector<16xi32>
      %rev3A_599 = tpu.dynamic_gather %masked_sort3A_593[%rev3A_598] in [0] : vector<16xf32>, vector<16xi32> -> vector<16xf32>
      %rev3A_600 = arith.constant 15 : i32
      %rev3A_601 = vector.broadcast %rev3A_600 : i32 to vector<16xi32>
      %rev3A_602 = tpu.iota {dimensions = array<i32: 0>} : vector<16xi32>
      %rev3A_603 = arith.subi %rev3A_601, %rev3A_602 : vector<16xi32>
      %rev3A_604 = tpu.dynamic_gather %masked_sort3A_594[%rev3A_603] in [0] : vector<16xi32>, vector<16xi32> -> vector<16xi32>
      %rev3A_605 = arith.constant 15 : i32
      %rev3A_606 = vector.broadcast %rev3A_605 : i32 to vector<16xi32>
      %rev3A_607 = tpu.iota {dimensions = array<i32: 0>} : vector<16xi32>
      %rev3A_608 = arith.subi %rev3A_606, %rev3A_607 : vector<16xi32>
      %rev3A_609 = tpu.dynamic_gather %masked_sort3A_589[%rev3A_608] in [0] : vector<16xf32>, vector<16xi32> -> vector<16xf32>
      %rev3A_610 = arith.constant 15 : i32
      %rev3A_611 = vector.broadcast %rev3A_610 : i32 to vector<16xi32>
      %rev3A_612 = tpu.iota {dimensions = array<i32: 0>} : vector<16xi32>
      %rev3A_613 = arith.subi %rev3A_611, %rev3A_612 : vector<16xi32>
      %rev3A_614 = tpu.dynamic_gather %masked_sort3A_590[%rev3A_613] in [0] : vector<16xi32>, vector<16xi32> -> vector<16xi32>
      %le3A_615 = arith.cmpf ole, %masked_sort3A_550, %rev3A_599 : vector<16xf32>
      %min3A_616 = arith.minimumf %masked_sort3A_550, %rev3A_599 : vector<16xf32>
      %select_n3A_617 = arith.select %le3A_615, %masked_sort3A_551, %rev3A_604 : vector<16xi1>, vector<16xi32>
      %le3A_618 = arith.cmpf ole, %masked_sort3A_554, %rev3A_609 : vector<16xf32>
      %min3A_619 = arith.minimumf %masked_sort3A_554, %rev3A_609 : vector<16xf32>
      %select_n3A_620 = arith.select %le3A_618, %masked_sort3A_555, %rev3A_614 : vector<16xi1>, vector<16xi32>
      %le3A_621 = arith.cmpf ole, %min3A_616, %min3A_619 : vector<16xf32>
      %min3A_622 = arith.minimumf %min3A_616, %min3A_619 : vector<16xf32>
      %select_n3A_623 = arith.select %le3A_621, %select_n3A_617, %select_n3A_620 : vector<16xi1>, vector<16xi32>
      %max3A_624 = arith.maximumf %min3A_616, %min3A_619 : vector<16xf32>
      %select_n3A_625 = arith.select %le3A_621, %select_n3A_620, %select_n3A_617 : vector<16xi1>, vector<16xi32>
      %masked_sort3A_626 = arith.constant dense<true> : vector<16xi1>
      %masked_sort3A_627, %masked_sort3A_628, %masked_sort3A_629 = tpu.sort %min3A_622, %select_n3A_623 masked %masked_sort3A_626 : (vector<16xf32>, vector<16xi32>, vector<16xi1>) -> (vector<16xi1>, vector<16xf32>, vector<16xi32>)
      %masked_sort3A_630 = arith.constant dense<true> : vector<16xi1>
      %masked_sort3A_631, %masked_sort3A_632, %masked_sort3A_633 = tpu.sort %max3A_624, %select_n3A_625 masked %masked_sort3A_630 : (vector<16xf32>, vector<16xi32>, vector<16xi1>) -> (vector<16xi1>, vector<16xf32>, vector<16xi32>)
      %swap3A = arith.constant 0 : index
      %swap3A_634 = tpu.vector_load %arg5[%swap3A] {strides = array<i32>} : memref<32xi32, #tpu.memory_space<vmem>>, vector<16xi32>,
      tpu.vector_store %arg5[%swap3A], %masked_sort3A_629 {strides = array<i32>} : memref<32xi32, #tpu.memory_space<vmem>>, vector<16xi32>,
      %swap3A_635 = arith.constant 16 : index
      %swap3A_636 = tpu.vector_load %arg5[%swap3A_635] {strides = array<i32>} : memref<32xi32, #tpu.memory_space<vmem>>, vector<16xi32>,
      tpu.vector_store %arg5[%swap3A_635], %masked_sort3A_633 {strides = array<i32>} : memref<32xi32, #tpu.memory_space<vmem>>, vector<16xi32>,
      %gather3A = tpu.vector_load_idx %arg5[%mul3A_53] : memref<32xi32, #tpu.memory_space<vmem>>[vector<16xi32>], vector<16xi32>,
      %shift_right_arithmetic3A = arith.constant 8 : i32
      %shift_right_arithmetic3A_637 = arith.shrsi %add3A_71, %shift_right_arithmetic3A : i32
      %shift_left3A = arith.constant 8 : i32
      %shift_left3A_638 = arith.shli %shift_right_arithmetic3A_637, %shift_left3A : i32
      %add3A_639 = vector.broadcast %shift_left3A_638 : i32 to vector<16xi32>
      %add3A_640 = arith.addi %gather3A, %add3A_639 : vector<16xi32>
      %broadcast_in_dim3A = arith.constant 0 : i32
      %broadcast_in_dim3A_641 = vector.broadcast %broadcast_in_dim3A : i32 to vector<16xi32>
      %add3A_642 = vector.broadcast %add3A_71 : i32 to vector<16xi32>
      %add3A_643 = arith.addi %broadcast_in_dim3A_641, %add3A_642 : vector<16xi32>
      %mul3A_644 = arith.constant 9 : i32
      %mul3A_645 = arith.muli %add3A_70, %mul3A_644 : i32
      %swap3A_646 = arith.index_cast %mul3A_645 : i32 to index
      %swap3A_647 = tpu.vector_load %arg7[%swap3A_646] {strides = array<i32>} : memref<1168xi32, #tpu.memory_space<vmem>>, vector<16xi32>,
      tpu.vector_store %arg7[%swap3A_646], %add3A_640 {strides = array<i32>} : memref<1168xi32, #tpu.memory_space<vmem>>, vector<16xi32>,
      %swap3A_648 = arith.index_cast %mul3A_645 : i32 to index
      %swap3A_649 = tpu.vector_load %arg8[%swap3A_648] {strides = array<i32>} : memref<1168xi32, #tpu.memory_space<vmem>>, vector<16xi32>,
      tpu.vector_store %arg8[%swap3A_648], %add3A_643 {strides = array<i32>} : memref<1168xi32, #tpu.memory_space<vmem>>, vector<16xi32>,
      %mul3A_650 = arith.constant 2 : i32
      %mul3A_651 = arith.muli %scan3A_65, %mul3A_650 : i32
      %add3A_652 = arith.constant 1 : i32
      %add3A_653 = arith.addi %mul3A_651, %add3A_652 : i32
      %mul3A_654 = arith.constant 128 : i32
      %mul3A_655 = arith.muli %scan3A_54, %mul3A_654 : i32
      %add3A_656 = arith.addi %mul3A_655, %add3A_653 : i32
      %add3A_657 = arith.addi %mul3A_2, %add3A_656 : i32
      %get3A_658 = arith.index_cast %add3A_653 : i32 to index
      %get3A_659 = arith.constant 0 : index
      %get3A_660 = tpu.vector_load %arg4[%get3A_658, %get3A_659] {strides = array<i32>} : memref<128x256xf32, #tpu.memory_space<vmem>>, vector<16xf32>,
      %masked_sort3A_661 = arith.constant dense<true> : vector<16xi1>
      %masked_sort3A_662, %masked_sort3A_663, %masked_sort3A_664 = tpu.sort %get3A_660, %add3A_5 masked %masked_sort3A_661 : (vector<16xf32>, vector<16xi32>, vector<16xi1>) -> (vector<16xi1>, vector<16xf32>, vector<16xi32>)
      %get3A_665 = arith.index_cast %add3A_653 : i32 to index
      %get3A_666 = arith.constant 16 : index
      %get3A_667 = tpu.vector_load %arg4[%get3A_665, %get3A_666] {strides = array<i32>} : memref<128x256xf32, #tpu.memory_space<vmem>>, vector<16xf32>,
      %masked_sort3A_668 = arith.constant dense<true> : vector<16xi1>
      %masked_sort3A_669, %masked_sort3A_670, %masked_sort3A_671 = tpu.sort %get3A_667, %add3A_8 masked %masked_sort3A_668 : (vector<16xf32>, vector<16xi32>, vector<16xi1>) -> (vector<16xi1>, vector<16xf32>, vector<16xi32>)
      %get3A_672 = arith.index_cast %add3A_653 : i32 to index
      %get3A_673 = arith.constant 32 : index
      %get3A_674 = tpu.vector_load %arg4[%get3A_672, %get3A_673] {strides = array<i32>} : memref<128x256xf32, #tpu.memory_space<vmem>>, vector<16xf32>,
      %masked_sort3A_675 = arith.constant dense<true> : vector<16xi1>
      %masked_sort3A_676, %masked_sort3A_677, %masked_sort3A_678 = tpu.sort %get3A_674, %add3A_11 masked %masked_sort3A_675 : (vector<16xf32>, vector<16xi32>, vector<16xi1>) -> (vector<16xi1>, vector<16xf32>, vector<16xi32>)
      %get3A_679 = arith.index_cast %add3A_653 : i32 to index
      %get3A_680 = arith.constant 48 : index
      %get3A_681 = tpu.vector_load %arg4[%get3A_679, %get3A_680] {strides = array<i32>} : memref<128x256xf32, #tpu.memory_space<vmem>>, vector<16xf32>,
      %masked_sort3A_682 = arith.constant dense<true> : vector<16xi1>
      %masked_sort3A_683, %masked_sort3A_684, %masked_sort3A_685 = tpu.sort %get3A_681, %add3A_14 masked %masked_sort3A_682 : (vector<16xf32>, vector<16xi32>, vector<16xi1>) -> (vector<16xi1>, vector<16xf32>, vector<16xi32>)
      %get3A_686 = arith.index_cast %add3A_653 : i32 to index
      %get3A_687 = arith.constant 64 : index
      %get3A_688 = tpu.vector_load %arg4[%get3A_686, %get3A_687] {strides = array<i32>} : memref<128x256xf32, #tpu.memory_space<vmem>>, vector<16xf32>,
      %masked_sort3A_689 = arith.constant dense<true> : vector<16xi1>
      %masked_sort3A_690, %masked_sort3A_691, %masked_sort3A_692 = tpu.sort %get3A_688, %add3A_17 masked %masked_sort3A_689 : (vector<16xf32>, vector<16xi32>, vector<16xi1>) -> (vector<16xi1>, vector<16xf32>, vector<16xi32>)
      %get3A_693 = arith.index_cast %add3A_653 : i32 to index
      %get3A_694 = arith.constant 80 : index
      %get3A_695 = tpu.vector_load %arg4[%get3A_693, %get3A_694] {strides = array<i32>} : memref<128x256xf32, #tpu.memory_space<vmem>>, vector<16xf32>,
      %masked_sort3A_696 = arith.constant dense<true> : vector<16xi1>
      %masked_sort3A_697, %masked_sort3A_698, %masked_sort3A_699 = tpu.sort %get3A_695, %add3A_20 masked %masked_sort3A_696 : (vector<16xf32>, vector<16xi32>, vector<16xi1>) -> (vector<16xi1>, vector<16xf32>, vector<16xi32>)
      %get3A_700 = arith.index_cast %add3A_653 : i32 to index
      %get3A_701 = arith.constant 96 : index
      %get3A_702 = tpu.vector_load %arg4[%get3A_700, %get3A_701] {strides = array<i32>} : memref<128x256xf32, #tpu.memory_space<vmem>>, vector<16xf32>,
      %masked_sort3A_703 = arith.constant dense<true> : vector<16xi1>
      %masked_sort3A_704, %masked_sort3A_705, %masked_sort3A_706 = tpu.sort %get3A_702, %add3A_23 masked %masked_sort3A_703 : (vector<16xf32>, vector<16xi32>, vector<16xi1>) -> (vector<16xi1>, vector<16xf32>, vector<16xi32>)
      %get3A_707 = arith.index_cast %add3A_653 : i32 to index
      %get3A_708 = arith.constant 112 : index
      %get3A_709 = tpu.vector_load %arg4[%get3A_707, %get3A_708] {strides = array<i32>} : memref<128x256xf32, #tpu.memory_space<vmem>>, vector<16xf32>,
      %masked_sort3A_710 = arith.constant dense<true> : vector<16xi1>
      %masked_sort3A_711, %masked_sort3A_712, %masked_sort3A_713 = tpu.sort %get3A_709, %add3A_26 masked %masked_sort3A_710 : (vector<16xf32>, vector<16xi32>, vector<16xi1>) -> (vector<16xi1>, vector<16xf32>, vector<16xi32>)
      %get3A_714 = arith.index_cast %add3A_653 : i32 to index
      %get3A_715 = arith.constant 128 : index
      %get3A_716 = tpu.vector_load %arg4[%get3A_714, %get3A_715] {strides = array<i32>} : memref<128x256xf32, #tpu.memory_space<vmem>>, vector<16xf32>,
      %masked_sort3A_717 = arith.constant dense<true> : vector<16xi1>
      %masked_sort3A_718, %masked_sort3A_719, %masked_sort3A_720 = tpu.sort %get3A_716, %add3A_29 masked %masked_sort3A_717 : (vector<16xf32>, vector<16xi32>, vector<16xi1>) -> (vector<16xi1>, vector<16xf32>, vector<16xi32>)
      %get3A_721 = arith.index_cast %add3A_653 : i32 to index
      %get3A_722 = arith.constant 144 : index
      %get3A_723 = tpu.vector_load %arg4[%get3A_721, %get3A_722] {strides = array<i32>} : memref<128x256xf32, #tpu.memory_space<vmem>>, vector<16xf32>,
      %masked_sort3A_724 = arith.constant dense<true> : vector<16xi1>
      %masked_sort3A_725, %masked_sort3A_726, %masked_sort3A_727 = tpu.sort %get3A_723, %add3A_32 masked %masked_sort3A_724 : (vector<16xf32>, vector<16xi32>, vector<16xi1>) -> (vector<16xi1>, vector<16xf32>, vector<16xi32>)
      %get3A_728 = arith.index_cast %add3A_653 : i32 to index
      %get3A_729 = arith.constant 160 : index
      %get3A_730 = tpu.vector_load %arg4[%get3A_728, %get3A_729] {strides = array<i32>} : memref<128x256xf32, #tpu.memory_space<vmem>>, vector<16xf32>,
      %masked_sort3A_731 = arith.constant dense<true> : vector<16xi1>
      %masked_sort3A_732, %masked_sort3A_733, %masked_sort3A_734 = tpu.sort %get3A_730, %add3A_35 masked %masked_sort3A_731 : (vector<16xf32>, vector<16xi32>, vector<16xi1>) -> (vector<16xi1>, vector<16xf32>, vector<16xi32>)
      %get3A_735 = arith.index_cast %add3A_653 : i32 to index
      %get3A_736 = arith.constant 176 : index
      %get3A_737 = tpu.vector_load %arg4[%get3A_735, %get3A_736] {strides = array<i32>} : memref<128x256xf32, #tpu.memory_space<vmem>>, vector<16xf32>,
      %masked_sort3A_738 = arith.constant dense<true> : vector<16xi1>
      %masked_sort3A_739, %masked_sort3A_740, %masked_sort3A_741 = tpu.sort %get3A_737, %add3A_38 masked %masked_sort3A_738 : (vector<16xf32>, vector<16xi32>, vector<16xi1>) -> (vector<16xi1>, vector<16xf32>, vector<16xi32>)
      %get3A_742 = arith.index_cast %add3A_653 : i32 to index
      %get3A_743 = arith.constant 192 : index
      %get3A_744 = tpu.vector_load %arg4[%get3A_742, %get3A_743] {strides = array<i32>} : memref<128x256xf32, #tpu.memory_space<vmem>>, vector<16xf32>,
      %masked_sort3A_745 = arith.constant dense<true> : vector<16xi1>
      %masked_sort3A_746, %masked_sort3A_747, %masked_sort3A_748 = tpu.sort %get3A_744, %add3A_41 masked %masked_sort3A_745 : (vector<16xf32>, vector<16xi32>, vector<16xi1>) -> (vector<16xi1>, vector<16xf32>, vector<16xi32>)
      %get3A_749 = arith.index_cast %add3A_653 : i32 to index
      %get3A_750 = arith.constant 208 : index
      %get3A_751 = tpu.vector_load %arg4[%get3A_749, %get3A_750] {strides = array<i32>} : memref<128x256xf32, #tpu.memory_space<vmem>>, vector<16xf32>,
      %masked_sort3A_752 = arith.constant dense<true> : vector<16xi1>
      %masked_sort3A_753, %masked_sort3A_754, %masked_sort3A_755 = tpu.sort %get3A_751, %add3A_44 masked %masked_sort3A_752 : (vector<16xf32>, vector<16xi32>, vector<16xi1>) -> (vector<16xi1>, vector<16xf32>, vector<16xi32>)
      %get3A_756 = arith.index_cast %add3A_653 : i32 to index
      %get3A_757 = arith.constant 224 : index
      %get3A_758 = tpu.vector_load %arg4[%get3A_756, %get3A_757] {strides = array<i32>} : memref<128x256xf32, #tpu.memory_space<vmem>>, vector<16xf32>,
      %masked_sort3A_759 = arith.constant dense<true> : vector<16xi1>
      %masked_sort3A_760, %masked_sort3A_761, %masked_sort3A_762 = tpu.sort %get3A_758, %add3A_47 masked %masked_sort3A_759 : (vector<16xf32>, vector<16xi32>, vector<16xi1>) -> (vector<16xi1>, vector<16xf32>, vector<16xi32>)
      %get3A_763 = arith.index_cast %add3A_653 : i32 to index
      %get3A_764 = arith.constant 240 : index
      %get3A_765 = tpu.vector_load %arg4[%get3A_763, %get3A_764] {strides = array<i32>} : memref<128x256xf32, #tpu.memory_space<vmem>>, vector<16xf32>,
      %masked_sort3A_766 = arith.constant dense<true> : vector<16xi1>
      %masked_sort3A_767, %masked_sort3A_768, %masked_sort3A_769 = tpu.sort %get3A_765, %add3A_50 masked %masked_sort3A_766 : (vector<16xf32>, vector<16xi32>, vector<16xi1>) -> (vector<16xi1>, vector<16xf32>, vector<16xi32>)
      %rev3A_770 = arith.constant 15 : i32
      %rev3A_771 = vector.broadcast %rev3A_770 : i32 to vector<16xi32>
      %rev3A_772 = tpu.iota {dimensions = array<i32: 0>} : vector<16xi32>
      %rev3A_773 = arith.subi %rev3A_771, %rev3A_772 : vector<16xi32>
      %rev3A_774 = tpu.dynamic_gather %masked_sort3A_670[%rev3A_773] in [0] : vector<16xf32>, vector<16xi32> -> vector<16xf32>
      %rev3A_775 = arith.constant 15 : i32
      %rev3A_776 = vector.broadcast %rev3A_775 : i32 to vector<16xi32>
      %rev3A_777 = tpu.iota {dimensions = array<i32: 0>} : vector<16xi32>
      %rev3A_778 = arith.subi %rev3A_776, %rev3A_777 : vector<16xi32>
      %rev3A_779 = tpu.dynamic_gather %masked_sort3A_671[%rev3A_778] in [0] : vector<16xi32>, vector<16xi32> -> vector<16xi32>
      %le3A_780 = arith.cmpf ole, %masked_sort3A_663, %rev3A_774 : vector<16xf32>
      %min3A_781 = arith.minimumf %masked_sort3A_663, %rev3A_774 : vector<16xf32>
      %select_n3A_782 = arith.select %le3A_780, %masked_sort3A_664, %rev3A_779 : vector<16xi1>, vector<16xi32>
      %max3A_783 = arith.maximumf %masked_sort3A_663, %rev3A_774 : vector<16xf32>
      %select_n3A_784 = arith.select %le3A_780, %rev3A_779, %masked_sort3A_664 : vector<16xi1>, vector<16xi32>
      %masked_sort3A_785 = arith.constant dense<true> : vector<16xi1>
      %masked_sort3A_786, %masked_sort3A_787, %masked_sort3A_788 = tpu.sort %min3A_781, %select_n3A_782 masked %masked_sort3A_785 : (vector<16xf32>, vector<16xi32>, vector<16xi1>) -> (vector<16xi1>, vector<16xf32>, vector<16xi32>)
      %masked_sort3A_789 = arith.constant dense<true> : vector<16xi1>
      %masked_sort3A_790, %masked_sort3A_791, %masked_sort3A_792 = tpu.sort %max3A_783, %select_n3A_784 masked %masked_sort3A_789 : (vector<16xf32>, vector<16xi32>, vector<16xi1>) -> (vector<16xi1>, vector<16xf32>, vector<16xi32>)
      %rev3A_793 = arith.constant 15 : i32
      %rev3A_794 = vector.broadcast %rev3A_793 : i32 to vector<16xi32>
      %rev3A_795 = tpu.iota {dimensions = array<i32: 0>} : vector<16xi32>
      %rev3A_796 = arith.subi %rev3A_794, %rev3A_795 : vector<16xi32>
      %rev3A_797 = tpu.dynamic_gather %masked_sort3A_684[%rev3A_796] in [0] : vector<16xf32>, vector<16xi32> -> vector<16xf32>
      %rev3A_798 = arith.constant 15 : i32
      %rev3A_799 = vector.broadcast %rev3A_798 : i32 to vector<16xi32>
      %rev3A_800 = tpu.iota {dimensions = array<i32: 0>} : vector<16xi32>
      %rev3A_801 = arith.subi %rev3A_799, %rev3A_800 : vector<16xi32>
      %rev3A_802 = tpu.dynamic_gather %masked_sort3A_685[%rev3A_801] in [0] : vector<16xi32>, vector<16xi32> -> vector<16xi32>
      %le3A_803 = arith.cmpf ole, %masked_sort3A_677, %rev3A_797 : vector<16xf32>
      %min3A_804 = arith.minimumf %masked_sort3A_677, %rev3A_797 : vector<16xf32>
      %select_n3A_805 = arith.select %le3A_803, %masked_sort3A_678, %rev3A_802 : vector<16xi1>, vector<16xi32>
      %max3A_806 = arith.maximumf %masked_sort3A_677, %rev3A_797 : vector<16xf32>
      %select_n3A_807 = arith.select %le3A_803, %rev3A_802, %masked_sort3A_678 : vector<16xi1>, vector<16xi32>
      %masked_sort3A_808 = arith.constant dense<true> : vector<16xi1>
      %masked_sort3A_809, %masked_sort3A_810, %masked_sort3A_811 = tpu.sort %min3A_804, %select_n3A_805 masked %masked_sort3A_808 : (vector<16xf32>, vector<16xi32>, vector<16xi1>) -> (vector<16xi1>, vector<16xf32>, vector<16xi32>)
      %masked_sort3A_812 = arith.constant dense<true> : vector<16xi1>
      %masked_sort3A_813, %masked_sort3A_814, %masked_sort3A_815 = tpu.sort %max3A_806, %select_n3A_807 masked %masked_sort3A_812 : (vector<16xf32>, vector<16xi32>, vector<16xi1>) -> (vector<16xi1>, vector<16xf32>, vector<16xi32>)
      %rev3A_816 = arith.constant 15 : i32
      %rev3A_817 = vector.broadcast %rev3A_816 : i32 to vector<16xi32>
      %rev3A_818 = tpu.iota {dimensions = array<i32: 0>} : vector<16xi32>
      %rev3A_819 = arith.subi %rev3A_817, %rev3A_818 : vector<16xi32>
      %rev3A_820 = tpu.dynamic_gather %masked_sort3A_698[%rev3A_819] in [0] : vector<16xf32>, vector<16xi32> -> vector<16xf32>
      %rev3A_821 = arith.constant 15 : i32
      %rev3A_822 = vector.broadcast %rev3A_821 : i32 to vector<16xi32>
      %rev3A_823 = tpu.iota {dimensions = array<i32: 0>} : vector<16xi32>
      %rev3A_824 = arith.subi %rev3A_822, %rev3A_823 : vector<16xi32>
      %rev3A_825 = tpu.dynamic_gather %masked_sort3A_699[%rev3A_824] in [0] : vector<16xi32>, vector<16xi32> -> vector<16xi32>
      %le3A_826 = arith.cmpf ole, %masked_sort3A_691, %rev3A_820 : vector<16xf32>
      %min3A_827 = arith.minimumf %masked_sort3A_691, %rev3A_820 : vector<16xf32>
      %select_n3A_828 = arith.select %le3A_826, %masked_sort3A_692, %rev3A_825 : vector<16xi1>, vector<16xi32>
      %max3A_829 = arith.maximumf %masked_sort3A_691, %rev3A_820 : vector<16xf32>
      %select_n3A_830 = arith.select %le3A_826, %rev3A_825, %masked_sort3A_692 : vector<16xi1>, vector<16xi32>
      %masked_sort3A_831 = arith.constant dense<true> : vector<16xi1>
      %masked_sort3A_832, %masked_sort3A_833, %masked_sort3A_834 = tpu.sort %min3A_827, %select_n3A_828 masked %masked_sort3A_831 : (vector<16xf32>, vector<16xi32>, vector<16xi1>) -> (vector<16xi1>, vector<16xf32>, vector<16xi32>)
      %masked_sort3A_835 = arith.constant dense<true> : vector<16xi1>
      %masked_sort3A_836, %masked_sort3A_837, %masked_sort3A_838 = tpu.sort %max3A_829, %select_n3A_830 masked %masked_sort3A_835 : (vector<16xf32>, vector<16xi32>, vector<16xi1>) -> (vector<16xi1>, vector<16xf32>, vector<16xi32>)
      %rev3A_839 = arith.constant 15 : i32
      %rev3A_840 = vector.broadcast %rev3A_839 : i32 to vector<16xi32>
      %rev3A_841 = tpu.iota {dimensions = array<i32: 0>} : vector<16xi32>
      %rev3A_842 = arith.subi %rev3A_840, %rev3A_841 : vector<16xi32>
      %rev3A_843 = tpu.dynamic_gather %masked_sort3A_712[%rev3A_842] in [0] : vector<16xf32>, vector<16xi32> -> vector<16xf32>
      %rev3A_844 = arith.constant 15 : i32
      %rev3A_845 = vector.broadcast %rev3A_844 : i32 to vector<16xi32>
      %rev3A_846 = tpu.iota {dimensions = array<i32: 0>} : vector<16xi32>
      %rev3A_847 = arith.subi %rev3A_845, %rev3A_846 : vector<16xi32>
      %rev3A_848 = tpu.dynamic_gather %masked_sort3A_713[%rev3A_847] in [0] : vector<16xi32>, vector<16xi32> -> vector<16xi32>
      %le3A_849 = arith.cmpf ole, %masked_sort3A_705, %rev3A_843 : vector<16xf32>
      %min3A_850 = arith.minimumf %masked_sort3A_705, %rev3A_843 : vector<16xf32>
      %select_n3A_851 = arith.select %le3A_849, %masked_sort3A_706, %rev3A_848 : vector<16xi1>, vector<16xi32>
      %max3A_852 = arith.maximumf %masked_sort3A_705, %rev3A_843 : vector<16xf32>
      %select_n3A_853 = arith.select %le3A_849, %rev3A_848, %masked_sort3A_706 : vector<16xi1>, vector<16xi32>
      %masked_sort3A_854 = arith.constant dense<true> : vector<16xi1>
      %masked_sort3A_855, %masked_sort3A_856, %masked_sort3A_857 = tpu.sort %min3A_850, %select_n3A_851 masked %masked_sort3A_854 : (vector<16xf32>, vector<16xi32>, vector<16xi1>) -> (vector<16xi1>, vector<16xf32>, vector<16xi32>)
      %masked_sort3A_858 = arith.constant dense<true> : vector<16xi1>
      %masked_sort3A_859, %masked_sort3A_860, %masked_sort3A_861 = tpu.sort %max3A_852, %select_n3A_853 masked %masked_sort3A_858 : (vector<16xf32>, vector<16xi32>, vector<16xi1>) -> (vector<16xi1>, vector<16xf32>, vector<16xi32>)
      %rev3A_862 = arith.constant 15 : i32
      %rev3A_863 = vector.broadcast %rev3A_862 : i32 to vector<16xi32>
      %rev3A_864 = tpu.iota {dimensions = array<i32: 0>} : vector<16xi32>
      %rev3A_865 = arith.subi %rev3A_863, %rev3A_864 : vector<16xi32>
      %rev3A_866 = tpu.dynamic_gather %masked_sort3A_726[%rev3A_865] in [0] : vector<16xf32>, vector<16xi32> -> vector<16xf32>
      %rev3A_867 = arith.constant 15 : i32
      %rev3A_868 = vector.broadcast %rev3A_867 : i32 to vector<16xi32>
      %rev3A_869 = tpu.iota {dimensions = array<i32: 0>} : vector<16xi32>
      %rev3A_870 = arith.subi %rev3A_868, %rev3A_869 : vector<16xi32>
      %rev3A_871 = tpu.dynamic_gather %masked_sort3A_727[%rev3A_870] in [0] : vector<16xi32>, vector<16xi32> -> vector<16xi32>
      %le3A_872 = arith.cmpf ole, %masked_sort3A_719, %rev3A_866 : vector<16xf32>
      %min3A_873 = arith.minimumf %masked_sort3A_719, %rev3A_866 : vector<16xf32>
      %select_n3A_874 = arith.select %le3A_872, %masked_sort3A_720, %rev3A_871 : vector<16xi1>, vector<16xi32>
      %max3A_875 = arith.maximumf %masked_sort3A_719, %rev3A_866 : vector<16xf32>
      %select_n3A_876 = arith.select %le3A_872, %rev3A_871, %masked_sort3A_720 : vector<16xi1>, vector<16xi32>
      %masked_sort3A_877 = arith.constant dense<true> : vector<16xi1>
      %masked_sort3A_878, %masked_sort3A_879, %masked_sort3A_880 = tpu.sort %min3A_873, %select_n3A_874 masked %masked_sort3A_877 : (vector<16xf32>, vector<16xi32>, vector<16xi1>) -> (vector<16xi1>, vector<16xf32>, vector<16xi32>)
      %masked_sort3A_881 = arith.constant dense<true> : vector<16xi1>
      %masked_sort3A_882, %masked_sort3A_883, %masked_sort3A_884 = tpu.sort %max3A_875, %select_n3A_876 masked %masked_sort3A_881 : (vector<16xf32>, vector<16xi32>, vector<16xi1>) -> (vector<16xi1>, vector<16xf32>, vector<16xi32>)
      %rev3A_885 = arith.constant 15 : i32
      %rev3A_886 = vector.broadcast %rev3A_885 : i32 to vector<16xi32>
      %rev3A_887 = tpu.iota {dimensions = array<i32: 0>} : vector<16xi32>
      %rev3A_888 = arith.subi %rev3A_886, %rev3A_887 : vector<16xi32>
      %rev3A_889 = tpu.dynamic_gather %masked_sort3A_740[%rev3A_888] in [0] : vector<16xf32>, vector<16xi32> -> vector<16xf32>
      %rev3A_890 = arith.constant 15 : i32
      %rev3A_891 = vector.broadcast %rev3A_890 : i32 to vector<16xi32>
      %rev3A_892 = tpu.iota {dimensions = array<i32: 0>} : vector<16xi32>
      %rev3A_893 = arith.subi %rev3A_891, %rev3A_892 : vector<16xi32>
      %rev3A_894 = tpu.dynamic_gather %masked_sort3A_741[%rev3A_893] in [0] : vector<16xi32>, vector<16xi32> -> vector<16xi32>
      %le3A_895 = arith.cmpf ole, %masked_sort3A_733, %rev3A_889 : vector<16xf32>
      %min3A_896 = arith.minimumf %masked_sort3A_733, %rev3A_889 : vector<16xf32>
      %select_n3A_897 = arith.select %le3A_895, %masked_sort3A_734, %rev3A_894 : vector<16xi1>, vector<16xi32>
      %max3A_898 = arith.maximumf %masked_sort3A_733, %rev3A_889 : vector<16xf32>
      %select_n3A_899 = arith.select %le3A_895, %rev3A_894, %masked_sort3A_734 : vector<16xi1>, vector<16xi32>
      %masked_sort3A_900 = arith.constant dense<true> : vector<16xi1>
      %masked_sort3A_901, %masked_sort3A_902, %masked_sort3A_903 = tpu.sort %min3A_896, %select_n3A_897 masked %masked_sort3A_900 : (vector<16xf32>, vector<16xi32>, vector<16xi1>) -> (vector<16xi1>, vector<16xf32>, vector<16xi32>)
      %masked_sort3A_904 = arith.constant dense<true> : vector<16xi1>
      %masked_sort3A_905, %masked_sort3A_906, %masked_sort3A_907 = tpu.sort %max3A_898, %select_n3A_899 masked %masked_sort3A_904 : (vector<16xf32>, vector<16xi32>, vector<16xi1>) -> (vector<16xi1>, vector<16xf32>, vector<16xi32>)
      %rev3A_908 = arith.constant 15 : i32
      %rev3A_909 = vector.broadcast %rev3A_908 : i32 to vector<16xi32>
      %rev3A_910 = tpu.iota {dimensions = array<i32: 0>} : vector<16xi32>
      %rev3A_911 = arith.subi %rev3A_909, %rev3A_910 : vector<16xi32>
      %rev3A_912 = tpu.dynamic_gather %masked_sort3A_754[%rev3A_911] in [0] : vector<16xf32>, vector<16xi32> -> vector<16xf32>
      %rev3A_913 = arith.constant 15 : i32
      %rev3A_914 = vector.broadcast %rev3A_913 : i32 to vector<16xi32>
      %rev3A_915 = tpu.iota {dimensions = array<i32: 0>} : vector<16xi32>
      %rev3A_916 = arith.subi %rev3A_914, %rev3A_915 : vector<16xi32>
      %rev3A_917 = tpu.dynamic_gather %masked_sort3A_755[%rev3A_916] in [0] : vector<16xi32>, vector<16xi32> -> vector<16xi32>
      %le3A_918 = arith.cmpf ole, %masked_sort3A_747, %rev3A_912 : vector<16xf32>
      %min3A_919 = arith.minimumf %masked_sort3A_747, %rev3A_912 : vector<16xf32>
      %select_n3A_920 = arith.select %le3A_918, %masked_sort3A_748, %rev3A_917 : vector<16xi1>, vector<16xi32>
      %max3A_921 = arith.maximumf %masked_sort3A_747, %rev3A_912 : vector<16xf32>
      %select_n3A_922 = arith.select %le3A_918, %rev3A_917, %masked_sort3A_748 : vector<16xi1>, vector<16xi32>
      %masked_sort3A_923 = arith.constant dense<true> : vector<16xi1>
      %masked_sort3A_924, %masked_sort3A_925, %masked_sort3A_926 = tpu.sort %min3A_919, %select_n3A_920 masked %masked_sort3A_923 : (vector<16xf32>, vector<16xi32>, vector<16xi1>) -> (vector<16xi1>, vector<16xf32>, vector<16xi32>)
      %masked_sort3A_927 = arith.constant dense<true> : vector<16xi1>
      %masked_sort3A_928, %masked_sort3A_929, %masked_sort3A_930 = tpu.sort %max3A_921, %select_n3A_922 masked %masked_sort3A_927 : (vector<16xf32>, vector<16xi32>, vector<16xi1>) -> (vector<16xi1>, vector<16xf32>, vector<16xi32>)
      %rev3A_931 = arith.constant 15 : i32
      %rev3A_932 = vector.broadcast %rev3A_931 : i32 to vector<16xi32>
      %rev3A_933 = tpu.iota {dimensions = array<i32: 0>} : vector<16xi32>
      %rev3A_934 = arith.subi %rev3A_932, %rev3A_933 : vector<16xi32>
      %rev3A_935 = tpu.dynamic_gather %masked_sort3A_768[%rev3A_934] in [0] : vector<16xf32>, vector<16xi32> -> vector<16xf32>
      %rev3A_936 = arith.constant 15 : i32
      %rev3A_937 = vector.broadcast %rev3A_936 : i32 to vector<16xi32>
      %rev3A_938 = tpu.iota {dimensions = array<i32: 0>} : vector<16xi32>
      %rev3A_939 = arith.subi %rev3A_937, %rev3A_938 : vector<16xi32>
      %rev3A_940 = tpu.dynamic_gather %masked_sort3A_769[%rev3A_939] in [0] : vector<16xi32>, vector<16xi32> -> vector<16xi32>
      %le3A_941 = arith.cmpf ole, %masked_sort3A_761, %rev3A_935 : vector<16xf32>
      %min3A_942 = arith.minimumf %masked_sort3A_761, %rev3A_935 : vector<16xf32>
      %select_n3A_943 = arith.select %le3A_941, %masked_sort3A_762, %rev3A_940 : vector<16xi1>, vector<16xi32>
      %max3A_944 = arith.maximumf %masked_sort3A_761, %rev3A_935 : vector<16xf32>
      %select_n3A_945 = arith.select %le3A_941, %rev3A_940, %masked_sort3A_762 : vector<16xi1>, vector<16xi32>
      %masked_sort3A_946 = arith.constant dense<true> : vector<16xi1>
      %masked_sort3A_947, %masked_sort3A_948, %masked_sort3A_949 = tpu.sort %min3A_942, %select_n3A_943 masked %masked_sort3A_946 : (vector<16xf32>, vector<16xi32>, vector<16xi1>) -> (vector<16xi1>, vector<16xf32>, vector<16xi32>)
      %masked_sort3A_950 = arith.constant dense<true> : vector<16xi1>
      %masked_sort3A_951, %masked_sort3A_952, %masked_sort3A_953 = tpu.sort %max3A_944, %select_n3A_945 masked %masked_sort3A_950 : (vector<16xf32>, vector<16xi32>, vector<16xi1>) -> (vector<16xi1>, vector<16xf32>, vector<16xi32>)
      %rev3A_954 = arith.constant 15 : i32
      %rev3A_955 = vector.broadcast %rev3A_954 : i32 to vector<16xi32>
      %rev3A_956 = tpu.iota {dimensions = array<i32: 0>} : vector<16xi32>
      %rev3A_957 = arith.subi %rev3A_955, %rev3A_956 : vector<16xi32>
      %rev3A_958 = tpu.dynamic_gather %masked_sort3A_814[%rev3A_957] in [0] : vector<16xf32>, vector<16xi32> -> vector<16xf32>
      %rev3A_959 = arith.constant 15 : i32
      %rev3A_960 = vector.broadcast %rev3A_959 : i32 to vector<16xi32>
      %rev3A_961 = tpu.iota {dimensions = array<i32: 0>} : vector<16xi32>
      %rev3A_962 = arith.subi %rev3A_960, %rev3A_961 : vector<16xi32>
      %rev3A_963 = tpu.dynamic_gather %masked_sort3A_815[%rev3A_962] in [0] : vector<16xi32>, vector<16xi32> -> vector<16xi32>
      %rev3A_964 = arith.constant 15 : i32
      %rev3A_965 = vector.broadcast %rev3A_964 : i32 to vector<16xi32>
      %rev3A_966 = tpu.iota {dimensions = array<i32: 0>} : vector<16xi32>
      %rev3A_967 = arith.subi %rev3A_965, %rev3A_966 : vector<16xi32>
      %rev3A_968 = tpu.dynamic_gather %masked_sort3A_810[%rev3A_967] in [0] : vector<16xf32>, vector<16xi32> -> vector<16xf32>
      %rev3A_969 = arith.constant 15 : i32
      %rev3A_970 = vector.broadcast %rev3A_969 : i32 to vector<16xi32>
      %rev3A_971 = tpu.iota {dimensions = array<i32: 0>} : vector<16xi32>
      %rev3A_972 = arith.subi %rev3A_970, %rev3A_971 : vector<16xi32>
      %rev3A_973 = tpu.dynamic_gather %masked_sort3A_811[%rev3A_972] in [0] : vector<16xi32>, vector<16xi32> -> vector<16xi32>
      %le3A_974 = arith.cmpf ole, %masked_sort3A_787, %rev3A_958 : vector<16xf32>
      %min3A_975 = arith.minimumf %masked_sort3A_787, %rev3A_958 : vector<16xf32>
      %select_n3A_976 = arith.select %le3A_974, %masked_sort3A_788, %rev3A_963 : vector<16xi1>, vector<16xi32>
      %le3A_977 = arith.cmpf ole, %masked_sort3A_791, %rev3A_968 : vector<16xf32>
      %min3A_978 = arith.minimumf %masked_sort3A_791, %rev3A_968 : vector<16xf32>
      %select_n3A_979 = arith.select %le3A_977, %masked_sort3A_792, %rev3A_973 : vector<16xi1>, vector<16xi32>
      %le3A_980 = arith.cmpf ole, %min3A_975, %min3A_978 : vector<16xf32>
      %min3A_981 = arith.minimumf %min3A_975, %min3A_978 : vector<16xf32>
      %select_n3A_982 = arith.select %le3A_980, %select_n3A_976, %select_n3A_979 : vector<16xi1>, vector<16xi32>
      %max3A_983 = arith.maximumf %min3A_975, %min3A_978 : vector<16xf32>
      %select_n3A_984 = arith.select %le3A_980, %select_n3A_979, %select_n3A_976 : vector<16xi1>, vector<16xi32>
      %masked_sort3A_985 = arith.constant dense<true> : vector<16xi1>
      %masked_sort3A_986, %masked_sort3A_987, %masked_sort3A_988 = tpu.sort %min3A_981, %select_n3A_982 masked %masked_sort3A_985 : (vector<16xf32>, vector<16xi32>, vector<16xi1>) -> (vector<16xi1>, vector<16xf32>, vector<16xi32>)
      %masked_sort3A_989 = arith.constant dense<true> : vector<16xi1>
      %masked_sort3A_990, %masked_sort3A_991, %masked_sort3A_992 = tpu.sort %max3A_983, %select_n3A_984 masked %masked_sort3A_989 : (vector<16xf32>, vector<16xi32>, vector<16xi1>) -> (vector<16xi1>, vector<16xf32>, vector<16xi32>)
      %rev3A_993 = arith.constant 15 : i32
      %rev3A_994 = vector.broadcast %rev3A_993 : i32 to vector<16xi32>
      %rev3A_995 = tpu.iota {dimensions = array<i32: 0>} : vector<16xi32>
      %rev3A_996 = arith.subi %rev3A_994, %rev3A_995 : vector<16xi32>
      %rev3A_997 = tpu.dynamic_gather %masked_sort3A_860[%rev3A_996] in [0] : vector<16xf32>, vector<16xi32> -> vector<16xf32>
      %rev3A_998 = arith.constant 15 : i32
      %rev3A_999 = vector.broadcast %rev3A_998 : i32 to vector<16xi32>
      %rev3A_1000 = tpu.iota {dimensions = array<i32: 0>} : vector<16xi32>
      %rev3A_1001 = arith.subi %rev3A_999, %rev3A_1000 : vector<16xi32>
      %rev3A_1002 = tpu.dynamic_gather %masked_sort3A_861[%rev3A_1001] in [0] : vector<16xi32>, vector<16xi32> -> vector<16xi32>
      %rev3A_1003 = arith.constant 15 : i32
      %rev3A_1004 = vector.broadcast %rev3A_1003 : i32 to vector<16xi32>
      %rev3A_1005 = tpu.iota {dimensions = array<i32: 0>} : vector<16xi32>
      %rev3A_1006 = arith.subi %rev3A_1004, %rev3A_1005 : vector<16xi32>
      %rev3A_1007 = tpu.dynamic_gather %masked_sort3A_856[%rev3A_1006] in [0] : vector<16xf32>, vector<16xi32> -> vector<16xf32>
      %rev3A_1008 = arith.constant 15 : i32
      %rev3A_1009 = vector.broadcast %rev3A_1008 : i32 to vector<16xi32>
      %rev3A_1010 = tpu.iota {dimensions = array<i32: 0>} : vector<16xi32>
      %rev3A_1011 = arith.subi %rev3A_1009, %rev3A_1010 : vector<16xi32>
      %rev3A_1012 = tpu.dynamic_gather %masked_sort3A_857[%rev3A_1011] in [0] : vector<16xi32>, vector<16xi32> -> vector<16xi32>
      %le3A_1013 = arith.cmpf ole, %masked_sort3A_833, %rev3A_997 : vector<16xf32>
      %min3A_1014 = arith.minimumf %masked_sort3A_833, %rev3A_997 : vector<16xf32>
      %select_n3A_1015 = arith.select %le3A_1013, %masked_sort3A_834, %rev3A_1002 : vector<16xi1>, vector<16xi32>
      %le3A_1016 = arith.cmpf ole, %masked_sort3A_837, %rev3A_1007 : vector<16xf32>
      %min3A_1017 = arith.minimumf %masked_sort3A_837, %rev3A_1007 : vector<16xf32>
      %select_n3A_1018 = arith.select %le3A_1016, %masked_sort3A_838, %rev3A_1012 : vector<16xi1>, vector<16xi32>
      %le3A_1019 = arith.cmpf ole, %min3A_1014, %min3A_1017 : vector<16xf32>
      %min3A_1020 = arith.minimumf %min3A_1014, %min3A_1017 : vector<16xf32>
      %select_n3A_1021 = arith.select %le3A_1019, %select_n3A_1015, %select_n3A_1018 : vector<16xi1>, vector<16xi32>
      %max3A_1022 = arith.maximumf %min3A_1014, %min3A_1017 : vector<16xf32>
      %select_n3A_1023 = arith.select %le3A_1019, %select_n3A_1018, %select_n3A_1015 : vector<16xi1>, vector<16xi32>
      %masked_sort3A_1024 = arith.constant dense<true> : vector<16xi1>
      %masked_sort3A_1025, %masked_sort3A_1026, %masked_sort3A_1027 = tpu.sort %min3A_1020, %select_n3A_1021 masked %masked_sort3A_1024 : (vector<16xf32>, vector<16xi32>, vector<16xi1>) -> (vector<16xi1>, vector<16xf32>, vector<16xi32>)
      %masked_sort3A_1028 = arith.constant dense<true> : vector<16xi1>
      %masked_sort3A_1029, %masked_sort3A_1030, %masked_sort3A_1031 = tpu.sort %max3A_1022, %select_n3A_1023 masked %masked_sort3A_1028 : (vector<16xf32>, vector<16xi32>, vector<16xi1>) -> (vector<16xi1>, vector<16xf32>, vector<16xi32>)
      %rev3A_1032 = arith.constant 15 : i32
      %rev3A_1033 = vector.broadcast %rev3A_1032 : i32 to vector<16xi32>
      %rev3A_1034 = tpu.iota {dimensions = array<i32: 0>} : vector<16xi32>
      %rev3A_1035 = arith.subi %rev3A_1033, %rev3A_1034 : vector<16xi32>
      %rev3A_1036 = tpu.dynamic_gather %masked_sort3A_906[%rev3A_1035] in [0] : vector<16xf32>, vector<16xi32> -> vector<16xf32>
      %rev3A_1037 = arith.constant 15 : i32
      %rev3A_1038 = vector.broadcast %rev3A_1037 : i32 to vector<16xi32>
      %rev3A_1039 = tpu.iota {dimensions = array<i32: 0>} : vector<16xi32>
      %rev3A_1040 = arith.subi %rev3A_1038, %rev3A_1039 : vector<16xi32>
      %rev3A_1041 = tpu.dynamic_gather %masked_sort3A_907[%rev3A_1040] in [0] : vector<16xi32>, vector<16xi32> -> vector<16xi32>
      %rev3A_1042 = arith.constant 15 : i32
      %rev3A_1043 = vector.broadcast %rev3A_1042 : i32 to vector<16xi32>
      %rev3A_1044 = tpu.iota {dimensions = array<i32: 0>} : vector<16xi32>
      %rev3A_1045 = arith.subi %rev3A_1043, %rev3A_1044 : vector<16xi32>
      %rev3A_1046 = tpu.dynamic_gather %masked_sort3A_902[%rev3A_1045] in [0] : vector<16xf32>, vector<16xi32> -> vector<16xf32>
      %rev3A_1047 = arith.constant 15 : i32
      %rev3A_1048 = vector.broadcast %rev3A_1047 : i32 to vector<16xi32>
      %rev3A_1049 = tpu.iota {dimensions = array<i32: 0>} : vector<16xi32>
      %rev3A_1050 = arith.subi %rev3A_1048, %rev3A_1049 : vector<16xi32>
      %rev3A_1051 = tpu.dynamic_gather %masked_sort3A_903[%rev3A_1050] in [0] : vector<16xi32>, vector<16xi32> -> vector<16xi32>
      %le3A_1052 = arith.cmpf ole, %masked_sort3A_879, %rev3A_1036 : vector<16xf32>
      %min3A_1053 = arith.minimumf %masked_sort3A_879, %rev3A_1036 : vector<16xf32>
      %select_n3A_1054 = arith.select %le3A_1052, %masked_sort3A_880, %rev3A_1041 : vector<16xi1>, vector<16xi32>
      %le3A_1055 = arith.cmpf ole, %masked_sort3A_883, %rev3A_1046 : vector<16xf32>
      %min3A_1056 = arith.minimumf %masked_sort3A_883, %rev3A_1046 : vector<16xf32>
      %select_n3A_1057 = arith.select %le3A_1055, %masked_sort3A_884, %rev3A_1051 : vector<16xi1>, vector<16xi32>
      %le3A_1058 = arith.cmpf ole, %min3A_1053, %min3A_1056 : vector<16xf32>
      %min3A_1059 = arith.minimumf %min3A_1053, %min3A_1056 : vector<16xf32>
      %select_n3A_1060 = arith.select %le3A_1058, %select_n3A_1054, %select_n3A_1057 : vector<16xi1>, vector<16xi32>
      %max3A_1061 = arith.maximumf %min3A_1053, %min3A_1056 : vector<16xf32>
      %select_n3A_1062 = arith.select %le3A_1058, %select_n3A_1057, %select_n3A_1054 : vector<16xi1>, vector<16xi32>
      %masked_sort3A_1063 = arith.constant dense<true> : vector<16xi1>
      %masked_sort3A_1064, %masked_sort3A_1065, %masked_sort3A_1066 = tpu.sort %min3A_1059, %select_n3A_1060 masked %masked_sort3A_1063 : (vector<16xf32>, vector<16xi32>, vector<16xi1>) -> (vector<16xi1>, vector<16xf32>, vector<16xi32>)
      %masked_sort3A_1067 = arith.constant dense<true> : vector<16xi1>
      %masked_sort3A_1068, %masked_sort3A_1069, %masked_sort3A_1070 = tpu.sort %max3A_1061, %select_n3A_1062 masked %masked_sort3A_1067 : (vector<16xf32>, vector<16xi32>, vector<16xi1>) -> (vector<16xi1>, vector<16xf32>, vector<16xi32>)
      %rev3A_1071 = arith.constant 15 : i32
      %rev3A_1072 = vector.broadcast %rev3A_1071 : i32 to vector<16xi32>
      %rev3A_1073 = tpu.iota {dimensions = array<i32: 0>} : vector<16xi32>
      %rev3A_1074 = arith.subi %rev3A_1072, %rev3A_1073 : vector<16xi32>
      %rev3A_1075 = tpu.dynamic_gather %masked_sort3A_952[%rev3A_1074] in [0] : vector<16xf32>, vector<16xi32> -> vector<16xf32>
      %rev3A_1076 = arith.constant 15 : i32
      %rev3A_1077 = vector.broadcast %rev3A_1076 : i32 to vector<16xi32>
      %rev3A_1078 = tpu.iota {dimensions = array<i32: 0>} : vector<16xi32>
      %rev3A_1079 = arith.subi %rev3A_1077, %rev3A_1078 : vector<16xi32>
      %rev3A_1080 = tpu.dynamic_gather %masked_sort3A_953[%rev3A_1079] in [0] : vector<16xi32>, vector<16xi32> -> vector<16xi32>
      %rev3A_1081 = arith.constant 15 : i32
      %rev3A_1082 = vector.broadcast %rev3A_1081 : i32 to vector<16xi32>
      %rev3A_1083 = tpu.iota {dimensions = array<i32: 0>} : vector<16xi32>
      %rev3A_1084 = arith.subi %rev3A_1082, %rev3A_1083 : vector<16xi32>
      %rev3A_1085 = tpu.dynamic_gather %masked_sort3A_948[%rev3A_1084] in [0] : vector<16xf32>, vector<16xi32> -> vector<16xf32>
      %rev3A_1086 = arith.constant 15 : i32
      %rev3A_1087 = vector.broadcast %rev3A_1086 : i32 to vector<16xi32>
      %rev3A_1088 = tpu.iota {dimensions = array<i32: 0>} : vector<16xi32>
      %rev3A_1089 = arith.subi %rev3A_1087, %rev3A_1088 : vector<16xi32>
      %rev3A_1090 = tpu.dynamic_gather %masked_sort3A_949[%rev3A_1089] in [0] : vector<16xi32>, vector<16xi32> -> vector<16xi32>
      %le3A_1091 = arith.cmpf ole, %masked_sort3A_925, %rev3A_1075 : vector<16xf32>
      %min3A_1092 = arith.minimumf %masked_sort3A_925, %rev3A_1075 : vector<16xf32>
      %select_n3A_1093 = arith.select %le3A_1091, %masked_sort3A_926, %rev3A_1080 : vector<16xi1>, vector<16xi32>
      %le3A_1094 = arith.cmpf ole, %masked_sort3A_929, %rev3A_1085 : vector<16xf32>
      %min3A_1095 = arith.minimumf %masked_sort3A_929, %rev3A_1085 : vector<16xf32>
      %select_n3A_1096 = arith.select %le3A_1094, %masked_sort3A_930, %rev3A_1090 : vector<16xi1>, vector<16xi32>
      %le3A_1097 = arith.cmpf ole, %min3A_1092, %min3A_1095 : vector<16xf32>
      %min3A_1098 = arith.minimumf %min3A_1092, %min3A_1095 : vector<16xf32>
      %select_n3A_1099 = arith.select %le3A_1097, %select_n3A_1093, %select_n3A_1096 : vector<16xi1>, vector<16xi32>
      %max3A_1100 = arith.maximumf %min3A_1092, %min3A_1095 : vector<16xf32>
      %select_n3A_1101 = arith.select %le3A_1097, %select_n3A_1096, %select_n3A_1093 : vector<16xi1>, vector<16xi32>
      %masked_sort3A_1102 = arith.constant dense<true> : vector<16xi1>
      %masked_sort3A_1103, %masked_sort3A_1104, %masked_sort3A_1105 = tpu.sort %min3A_1098, %select_n3A_1099 masked %masked_sort3A_1102 : (vector<16xf32>, vector<16xi32>, vector<16xi1>) -> (vector<16xi1>, vector<16xf32>, vector<16xi32>)
      %masked_sort3A_1106 = arith.constant dense<true> : vector<16xi1>
      %masked_sort3A_1107, %masked_sort3A_1108, %masked_sort3A_1109 = tpu.sort %max3A_1100, %select_n3A_1101 masked %masked_sort3A_1106 : (vector<16xf32>, vector<16xi32>, vector<16xi1>) -> (vector<16xi1>, vector<16xf32>, vector<16xi32>)
      %rev3A_1110 = arith.constant 15 : i32
      %rev3A_1111 = vector.broadcast %rev3A_1110 : i32 to vector<16xi32>
      %rev3A_1112 = tpu.iota {dimensions = array<i32: 0>} : vector<16xi32>
      %rev3A_1113 = arith.subi %rev3A_1111, %rev3A_1112 : vector<16xi32>
      %rev3A_1114 = tpu.dynamic_gather %masked_sort3A_1030[%rev3A_1113] in [0] : vector<16xf32>, vector<16xi32> -> vector<16xf32>
      %rev3A_1115 = arith.constant 15 : i32
      %rev3A_1116 = vector.broadcast %rev3A_1115 : i32 to vector<16xi32>
      %rev3A_1117 = tpu.iota {dimensions = array<i32: 0>} : vector<16xi32>
      %rev3A_1118 = arith.subi %rev3A_1116, %rev3A_1117 : vector<16xi32>
      %rev3A_1119 = tpu.dynamic_gather %masked_sort3A_1031[%rev3A_1118] in [0] : vector<16xi32>, vector<16xi32> -> vector<16xi32>
      %rev3A_1120 = arith.constant 15 : i32
      %rev3A_1121 = vector.broadcast %rev3A_1120 : i32 to vector<16xi32>
      %rev3A_1122 = tpu.iota {dimensions = array<i32: 0>} : vector<16xi32>
      %rev3A_1123 = arith.subi %rev3A_1121, %rev3A_1122 : vector<16xi32>
      %rev3A_1124 = tpu.dynamic_gather %masked_sort3A_1026[%rev3A_1123] in [0] : vector<16xf32>, vector<16xi32> -> vector<16xf32>
      %rev3A_1125 = arith.constant 15 : i32
      %rev3A_1126 = vector.broadcast %rev3A_1125 : i32 to vector<16xi32>
      %rev3A_1127 = tpu.iota {dimensions = array<i32: 0>} : vector<16xi32>
      %rev3A_1128 = arith.subi %rev3A_1126, %rev3A_1127 : vector<16xi32>
      %rev3A_1129 = tpu.dynamic_gather %masked_sort3A_1027[%rev3A_1128] in [0] : vector<16xi32>, vector<16xi32> -> vector<16xi32>
      %le3A_1130 = arith.cmpf ole, %masked_sort3A_987, %rev3A_1114 : vector<16xf32>
      %min3A_1131 = arith.minimumf %masked_sort3A_987, %rev3A_1114 : vector<16xf32>
      %select_n3A_1132 = arith.select %le3A_1130, %masked_sort3A_988, %rev3A_1119 : vector<16xi1>, vector<16xi32>
      %le3A_1133 = arith.cmpf ole, %masked_sort3A_991, %rev3A_1124 : vector<16xf32>
      %min3A_1134 = arith.minimumf %masked_sort3A_991, %rev3A_1124 : vector<16xf32>
      %select_n3A_1135 = arith.select %le3A_1133, %masked_sort3A_992, %rev3A_1129 : vector<16xi1>, vector<16xi32>
      %le3A_1136 = arith.cmpf ole, %min3A_1131, %min3A_1134 : vector<16xf32>
      %min3A_1137 = arith.minimumf %min3A_1131, %min3A_1134 : vector<16xf32>
      %select_n3A_1138 = arith.select %le3A_1136, %select_n3A_1132, %select_n3A_1135 : vector<16xi1>, vector<16xi32>
      %max3A_1139 = arith.maximumf %min3A_1131, %min3A_1134 : vector<16xf32>
      %select_n3A_1140 = arith.select %le3A_1136, %select_n3A_1135, %select_n3A_1132 : vector<16xi1>, vector<16xi32>
      %masked_sort3A_1141 = arith.constant dense<true> : vector<16xi1>
      %masked_sort3A_1142, %masked_sort3A_1143, %masked_sort3A_1144 = tpu.sort %min3A_1137, %select_n3A_1138 masked %masked_sort3A_1141 : (vector<16xf32>, vector<16xi32>, vector<16xi1>) -> (vector<16xi1>, vector<16xf32>, vector<16xi32>)
      %masked_sort3A_1145 = arith.constant dense<true> : vector<16xi1>
      %masked_sort3A_1146, %masked_sort3A_1147, %masked_sort3A_1148 = tpu.sort %max3A_1139, %select_n3A_1140 masked %masked_sort3A_1145 : (vector<16xf32>, vector<16xi32>, vector<16xi1>) -> (vector<16xi1>, vector<16xf32>, vector<16xi32>)
      %rev3A_1149 = arith.constant 15 : i32
      %rev3A_1150 = vector.broadcast %rev3A_1149 : i32 to vector<16xi32>
      %rev3A_1151 = tpu.iota {dimensions = array<i32: 0>} : vector<16xi32>
      %rev3A_1152 = arith.subi %rev3A_1150, %rev3A_1151 : vector<16xi32>
      %rev3A_1153 = tpu.dynamic_gather %masked_sort3A_1108[%rev3A_1152] in [0] : vector<16xf32>, vector<16xi32> -> vector<16xf32>
      %rev3A_1154 = arith.constant 15 : i32
      %rev3A_1155 = vector.broadcast %rev3A_1154 : i32 to vector<16xi32>
      %rev3A_1156 = tpu.iota {dimensions = array<i32: 0>} : vector<16xi32>
      %rev3A_1157 = arith.subi %rev3A_1155, %rev3A_1156 : vector<16xi32>
      %rev3A_1158 = tpu.dynamic_gather %masked_sort3A_1109[%rev3A_1157] in [0] : vector<16xi32>, vector<16xi32> -> vector<16xi32>
      %rev3A_1159 = arith.constant 15 : i32
      %rev3A_1160 = vector.broadcast %rev3A_1159 : i32 to vector<16xi32>
      %rev3A_1161 = tpu.iota {dimensions = array<i32: 0>} : vector<16xi32>
      %rev3A_1162 = arith.subi %rev3A_1160, %rev3A_1161 : vector<16xi32>
      %rev3A_1163 = tpu.dynamic_gather %masked_sort3A_1104[%rev3A_1162] in [0] : vector<16xf32>, vector<16xi32> -> vector<16xf32>
      %rev3A_1164 = arith.constant 15 : i32
      %rev3A_1165 = vector.broadcast %rev3A_1164 : i32 to vector<16xi32>
      %rev3A_1166 = tpu.iota {dimensions = array<i32: 0>} : vector<16xi32>
      %rev3A_1167 = arith.subi %rev3A_1165, %rev3A_1166 : vector<16xi32>
      %rev3A_1168 = tpu.dynamic_gather %masked_sort3A_1105[%rev3A_1167] in [0] : vector<16xi32>, vector<16xi32> -> vector<16xi32>
      %le3A_1169 = arith.cmpf ole, %masked_sort3A_1065, %rev3A_1153 : vector<16xf32>
      %min3A_1170 = arith.minimumf %masked_sort3A_1065, %rev3A_1153 : vector<16xf32>
      %select_n3A_1171 = arith.select %le3A_1169, %masked_sort3A_1066, %rev3A_1158 : vector<16xi1>, vector<16xi32>
      %le3A_1172 = arith.cmpf ole, %masked_sort3A_1069, %rev3A_1163 : vector<16xf32>
      %min3A_1173 = arith.minimumf %masked_sort3A_1069, %rev3A_1163 : vector<16xf32>
      %select_n3A_1174 = arith.select %le3A_1172, %masked_sort3A_1070, %rev3A_1168 : vector<16xi1>, vector<16xi32>
      %le3A_1175 = arith.cmpf ole, %min3A_1170, %min3A_1173 : vector<16xf32>
      %min3A_1176 = arith.minimumf %min3A_1170, %min3A_1173 : vector<16xf32>
      %select_n3A_1177 = arith.select %le3A_1175, %select_n3A_1171, %select_n3A_1174 : vector<16xi1>, vector<16xi32>
      %max3A_1178 = arith.maximumf %min3A_1170, %min3A_1173 : vector<16xf32>
      %select_n3A_1179 = arith.select %le3A_1175, %select_n3A_1174, %select_n3A_1171 : vector<16xi1>, vector<16xi32>
      %masked_sort3A_1180 = arith.constant dense<true> : vector<16xi1>
      %masked_sort3A_1181, %masked_sort3A_1182, %masked_sort3A_1183 = tpu.sort %min3A_1176, %select_n3A_1177 masked %masked_sort3A_1180 : (vector<16xf32>, vector<16xi32>, vector<16xi1>) -> (vector<16xi1>, vector<16xf32>, vector<16xi32>)
      %masked_sort3A_1184 = arith.constant dense<true> : vector<16xi1>
      %masked_sort3A_1185, %masked_sort3A_1186, %masked_sort3A_1187 = tpu.sort %max3A_1178, %select_n3A_1179 masked %masked_sort3A_1184 : (vector<16xf32>, vector<16xi32>, vector<16xi1>) -> (vector<16xi1>, vector<16xf32>, vector<16xi32>)
      %rev3A_1188 = arith.constant 15 : i32
      %rev3A_1189 = vector.broadcast %rev3A_1188 : i32 to vector<16xi32>
      %rev3A_1190 = tpu.iota {dimensions = array<i32: 0>} : vector<16xi32>
      %rev3A_1191 = arith.subi %rev3A_1189, %rev3A_1190 : vector<16xi32>
      %rev3A_1192 = tpu.dynamic_gather %masked_sort3A_1186[%rev3A_1191] in [0] : vector<16xf32>, vector<16xi32> -> vector<16xf32>
      %rev3A_1193 = arith.constant 15 : i32
      %rev3A_1194 = vector.broadcast %rev3A_1193 : i32 to vector<16xi32>
      %rev3A_1195 = tpu.iota {dimensions = array<i32: 0>} : vector<16xi32>
      %rev3A_1196 = arith.subi %rev3A_1194, %rev3A_1195 : vector<16xi32>
      %rev3A_1197 = tpu.dynamic_gather %masked_sort3A_1187[%rev3A_1196] in [0] : vector<16xi32>, vector<16xi32> -> vector<16xi32>
      %rev3A_1198 = arith.constant 15 : i32
      %rev3A_1199 = vector.broadcast %rev3A_1198 : i32 to vector<16xi32>
      %rev3A_1200 = tpu.iota {dimensions = array<i32: 0>} : vector<16xi32>
      %rev3A_1201 = arith.subi %rev3A_1199, %rev3A_1200 : vector<16xi32>
      %rev3A_1202 = tpu.dynamic_gather %masked_sort3A_1182[%rev3A_1201] in [0] : vector<16xf32>, vector<16xi32> -> vector<16xf32>
      %rev3A_1203 = arith.constant 15 : i32
      %rev3A_1204 = vector.broadcast %rev3A_1203 : i32 to vector<16xi32>
      %rev3A_1205 = tpu.iota {dimensions = array<i32: 0>} : vector<16xi32>
      %rev3A_1206 = arith.subi %rev3A_1204, %rev3A_1205 : vector<16xi32>
      %rev3A_1207 = tpu.dynamic_gather %masked_sort3A_1183[%rev3A_1206] in [0] : vector<16xi32>, vector<16xi32> -> vector<16xi32>
      %le3A_1208 = arith.cmpf ole, %masked_sort3A_1143, %rev3A_1192 : vector<16xf32>
      %min3A_1209 = arith.minimumf %masked_sort3A_1143, %rev3A_1192 : vector<16xf32>
      %select_n3A_1210 = arith.select %le3A_1208, %masked_sort3A_1144, %rev3A_1197 : vector<16xi1>, vector<16xi32>
      %le3A_1211 = arith.cmpf ole, %masked_sort3A_1147, %rev3A_1202 : vector<16xf32>
      %min3A_1212 = arith.minimumf %masked_sort3A_1147, %rev3A_1202 : vector<16xf32>
      %select_n3A_1213 = arith.select %le3A_1211, %masked_sort3A_1148, %rev3A_1207 : vector<16xi1>, vector<16xi32>
      %le3A_1214 = arith.cmpf ole, %min3A_1209, %min3A_1212 : vector<16xf32>
      %min3A_1215 = arith.minimumf %min3A_1209, %min3A_1212 : vector<16xf32>
      %select_n3A_1216 = arith.select %le3A_1214, %select_n3A_1210, %select_n3A_1213 : vector<16xi1>, vector<16xi32>
      %max3A_1217 = arith.maximumf %min3A_1209, %min3A_1212 : vector<16xf32>
      %select_n3A_1218 = arith.select %le3A_1214, %select_n3A_1213, %select_n3A_1210 : vector<16xi1>, vector<16xi32>
      %masked_sort3A_1219 = arith.constant dense<true> : vector<16xi1>
      %masked_sort3A_1220, %masked_sort3A_1221, %masked_sort3A_1222 = tpu.sort %min3A_1215, %select_n3A_1216 masked %masked_sort3A_1219 : (vector<16xf32>, vector<16xi32>, vector<16xi1>) -> (vector<16xi1>, vector<16xf32>, vector<16xi32>)
      %masked_sort3A_1223 = arith.constant dense<true> : vector<16xi1>
      %masked_sort3A_1224, %masked_sort3A_1225, %masked_sort3A_1226 = tpu.sort %max3A_1217, %select_n3A_1218 masked %masked_sort3A_1223 : (vector<16xf32>, vector<16xi32>, vector<16xi1>) -> (vector<16xi1>, vector<16xf32>, vector<16xi32>)
      %swap3A_1227 = arith.constant 0 : index
      %swap3A_1228 = tpu.vector_load %arg6[%swap3A_1227] {strides = array<i32>} : memref<32xi32, #tpu.memory_space<vmem>>, vector<16xi32>,
      tpu.vector_store %arg6[%swap3A_1227], %masked_sort3A_1222 {strides = array<i32>} : memref<32xi32, #tpu.memory_space<vmem>>, vector<16xi32>,
      %swap3A_1229 = arith.constant 16 : index
      %swap3A_1230 = tpu.vector_load %arg6[%swap3A_1229] {strides = array<i32>} : memref<32xi32, #tpu.memory_space<vmem>>, vector<16xi32>,
      tpu.vector_store %arg6[%swap3A_1229], %masked_sort3A_1226 {strides = array<i32>} : memref<32xi32, #tpu.memory_space<vmem>>, vector<16xi32>,
      %gather3A_1231 = tpu.vector_load_idx %arg6[%mul3A_53] : memref<32xi32, #tpu.memory_space<vmem>>[vector<16xi32>], vector<16xi32>,
      %shift_right_arithmetic3A_1232 = arith.constant 8 : i32
      %shift_right_arithmetic3A_1233 = arith.shrsi %add3A_657, %shift_right_arithmetic3A_1232 : i32
      %shift_left3A_1234 = arith.constant 8 : i32
      %shift_left3A_1235 = arith.shli %shift_right_arithmetic3A_1233, %shift_left3A_1234 : i32
      %add3A_1236 = vector.broadcast %shift_left3A_1235 : i32 to vector<16xi32>
      %add3A_1237 = arith.addi %gather3A_1231, %add3A_1236 : vector<16xi32>
      %broadcast_in_dim3A_1238 = arith.constant 0 : i32
      %broadcast_in_dim3A_1239 = vector.broadcast %broadcast_in_dim3A_1238 : i32 to vector<16xi32>
      %add3A_1240 = vector.broadcast %add3A_657 : i32 to vector<16xi32>
      %add3A_1241 = arith.addi %broadcast_in_dim3A_1239, %add3A_1240 : vector<16xi32>
      %mul3A_1242 = arith.constant 9 : i32
      %mul3A_1243 = arith.muli %add3A_656, %mul3A_1242 : i32
      %swap3A_1244 = arith.index_cast %mul3A_1243 : i32 to index
      %swap3A_1245 = tpu.vector_load %arg7[%swap3A_1244] {strides = array<i32>} : memref<1168xi32, #tpu.memory_space<vmem>>, vector<16xi32>,
      tpu.vector_store %arg7[%swap3A_1244], %add3A_1237 {strides = array<i32>} : memref<1168xi32, #tpu.memory_space<vmem>>, vector<16xi32>,
      %swap3A_1246 = arith.index_cast %mul3A_1243 : i32 to index
      %swap3A_1247 = tpu.vector_load %arg8[%swap3A_1246] {strides = array<i32>} : memref<1168xi32, #tpu.memory_space<vmem>>, vector<16xi32>,
      tpu.vector_store %arg8[%swap3A_1246], %add3A_1241 {strides = array<i32>} : memref<1168xi32, #tpu.memory_space<vmem>>, vector<16xi32>,
    }
    %scan3A_62 = arith.constant 64 : i32
    %scan3A_63 = arith.constant 1 : i32
    %run_scoped3A = arith.constant 0 : i32
    "tpu.region"() ({
      %run_scoped3A_65 = tpu.sem_alloc : memref<!tpu.dma_semaphore, #tpu.memory_space<semaphore_mem>>
      %dma_start3A = arith.constant 0 : i32
      %dma_start3A_66 = tpu.memref_slice %arg7[%dma_start3A] : memref<1168xi32, #tpu.memory_space<vmem>> -> memref<1152xi32, #tpu.memory_space<vmem>>
      %dma_start3A_67 = arith.constant 0 : i32
      %dma_start3A_68 = tpu.memref_slice %arg3[%run_scoped3A, %add3A, %dma_start3A_67] : memref<2x32x1152xi32, #tpu.memory_space<hbm>> -> memref<1x1x1152xi32, #tpu.memory_space<hbm>>
      %dma_start3A_69 = tpu.memref_squeeze %dma_start3A_68 : memref<1x1x1152xi32, #tpu.memory_space<hbm>> -> memref<1152xi32, #tpu.memory_space<hbm>>
      %dma_start3A_70 = arith.constant 0 : i32
      %dma_start3A_71 = tpu.memref_slice %arg3[%run_scoped3A, %add3A, %dma_start3A_70] : memref<2x32x1152xi32, #tpu.memory_space<hbm>> -> memref<1x1x1152xi32, #tpu.memory_space<hbm>>
      %dma_start3A_72 = tpu.memref_squeeze %dma_start3A_71 : memref<1x1x1152xi32, #tpu.memory_space<hbm>> -> memref<1152xi32, #tpu.memory_space<hbm>>
      %dma_start3A_73 = arith.constant 0 : i32
      %dma_start3A_74 = tpu.memref_slice %arg7[%dma_start3A_73] : memref<1168xi32, #tpu.memory_space<vmem>> -> memref<1152xi32, #tpu.memory_space<vmem>>
      tpu.enqueue_dma source(%dma_start3A_74 : memref<1152xi32, #tpu.memory_space<vmem>>) target(%dma_start3A_72 : memref<1152xi32, #tpu.memory_space<hbm>>) target_semaphore(%run_scoped3A_65 : memref<!tpu.dma_semaphore, #tpu.memory_space<semaphore_mem>>)
      %dma_wait3A = arith.constant 0 : i32
      %dma_wait3A_75 = tpu.memref_slice %arg7[%dma_wait3A] : memref<1168xi32, #tpu.memory_space<vmem>> -> memref<1152xi32, #tpu.memory_space<vmem>>
      %dma_wait3A_76 = arith.constant 0 : i32
      %dma_wait3A_77 = tpu.memref_slice %arg3[%run_scoped3A, %add3A, %dma_wait3A_76] : memref<2x32x1152xi32, #tpu.memory_space<hbm>> -> memref<1x1x1152xi32, #tpu.memory_space<hbm>>
      %dma_wait3A_78 = tpu.memref_squeeze %dma_wait3A_77 : memref<1x1x1152xi32, #tpu.memory_space<hbm>> -> memref<1152xi32, #tpu.memory_space<hbm>>
      %dma_wait3A_79 = arith.constant 0 : i32
      %dma_wait3A_80 = tpu.memref_slice %arg3[%run_scoped3A, %add3A, %dma_wait3A_79] : memref<2x32x1152xi32, #tpu.memory_space<hbm>> -> memref<1x1x1152xi32, #tpu.memory_space<hbm>>
      %dma_wait3A_81 = tpu.memref_squeeze %dma_wait3A_80 : memref<1x1x1152xi32, #tpu.memory_space<hbm>> -> memref<1152xi32, #tpu.memory_space<hbm>>
      %dma_wait3A_82 = arith.constant 0 : i32
      %dma_wait3A_83 = tpu.memref_slice %arg7[%dma_wait3A_82] : memref<1168xi32, #tpu.memory_space<vmem>> -> memref<1152xi32, #tpu.memory_space<vmem>>
      tpu.wait_dma2 semaphore(%run_scoped3A_65 : memref<!tpu.dma_semaphore, #tpu.memory_space<semaphore_mem>>) src(%dma_wait3A_83 : memref<1152xi32, #tpu.memory_space<vmem>>) dst(%dma_wait3A_81 : memref<1152xi32, #tpu.memory_space<hbm>>)
      tpu.yield
    }) : () -> ()
    %run_scoped3A_64 = arith.constant 1 : i32
    "tpu.region"() ({
      %run_scoped3A_65 = tpu.sem_alloc : memref<!tpu.dma_semaphore, #tpu.memory_space<semaphore_mem>>
      %dma_start3A = arith.constant 0 : i32
      %dma_start3A_66 = tpu.memref_slice %arg8[%dma_start3A] : memref<1168xi32, #tpu.memory_space<vmem>> -> memref<1152xi32, #tpu.memory_space<vmem>>
      %dma_start3A_67 = arith.constant 0 : i32
      %dma_start3A_68 = tpu.memref_slice %arg3[%run_scoped3A_64, %add3A, %dma_start3A_67] : memref<2x32x1152xi32, #tpu.memory_space<hbm>> -> memref<1x1x1152xi32, #tpu.memory_space<hbm>>
      %dma_start3A_69 = tpu.memref_squeeze %dma_start3A_68 : memref<1x1x1152xi32, #tpu.memory_space<hbm>> -> memref<1152xi32, #tpu.memory_space<hbm>>
      %dma_start3A_70 = arith.constant 0 : i32
      %dma_start3A_71 = tpu.memref_slice %arg3[%run_scoped3A_64, %add3A, %dma_start3A_70] : memref<2x32x1152xi32, #tpu.memory_space<hbm>> -> memref<1x1x1152xi32, #tpu.memory_space<hbm>>
      %dma_start3A_72 = tpu.memref_squeeze %dma_start3A_71 : memref<1x1x1152xi32, #tpu.memory_space<hbm>> -> memref<1152xi32, #tpu.memory_space<hbm>>
      %dma_start3A_73 = arith.constant 0 : i32
      %dma_start3A_74 = tpu.memref_slice %arg8[%dma_start3A_73] : memref<1168xi32, #tpu.memory_space<vmem>> -> memref<1152xi32, #tpu.memory_space<vmem>>
      tpu.enqueue_dma source(%dma_start3A_74 : memref<1152xi32, #tpu.memory_space<vmem>>) target(%dma_start3A_72 : memref<1152xi32, #tpu.memory_space<hbm>>) target_semaphore(%run_scoped3A_65 : memref<!tpu.dma_semaphore, #tpu.memory_space<semaphore_mem>>)
      %dma_wait3A = arith.constant 0 : i32
      %dma_wait3A_75 = tpu.memref_slice %arg8[%dma_wait3A] : memref<1168xi32, #tpu.memory_space<vmem>> -> memref<1152xi32, #tpu.memory_space<vmem>>
      %dma_wait3A_76 = arith.constant 0 : i32
      %dma_wait3A_77 = tpu.memref_slice %arg3[%run_scoped3A_64, %add3A, %dma_wait3A_76] : memref<2x32x1152xi32, #tpu.memory_space<hbm>> -> memref<1x1x1152xi32, #tpu.memory_space<hbm>>
      %dma_wait3A_78 = tpu.memref_squeeze %dma_wait3A_77 : memref<1x1x1152xi32, #tpu.memory_space<hbm>> -> memref<1152xi32, #tpu.memory_space<hbm>>
      %dma_wait3A_79 = arith.constant 0 : i32
      %dma_wait3A_80 = tpu.memref_slice %arg3[%run_scoped3A_64, %add3A, %dma_wait3A_79] : memref<2x32x1152xi32, #tpu.memory_space<hbm>> -> memref<1x1x1152xi32, #tpu.memory_space<hbm>>
      %dma_wait3A_81 = tpu.memref_squeeze %dma_wait3A_80 : memref<1x1x1152xi32, #tpu.memory_space<hbm>> -> memref<1152xi32, #tpu.memory_space<hbm>>
      %dma_wait3A_82 = arith.constant 0 : i32
      %dma_wait3A_83 = tpu.memref_slice %arg8[%dma_wait3A_82] : memref<1168xi32, #tpu.memory_space<vmem>> -> memref<1152xi32, #tpu.memory_space<vmem>>
      tpu.wait_dma2 semaphore(%run_scoped3A_65 : memref<!tpu.dma_semaphore, #tpu.memory_space<semaphore_mem>>) src(%dma_wait3A_83 : memref<1152xi32, #tpu.memory_space<vmem>>) dst(%dma_wait3A_81 : memref<1152xi32, #tpu.memory_space<hbm>>)
      tpu.yield
    }) : () -> ()
    return
  }
}

#map = affine_map<(d0, d1) -> (0, 0)>
#map1 = affine_map<(d0, d1) -> (0, 0, 0)>
module attributes {stable_mosaic.version = 14 : i64} {
  func.func @_topk_body(%arg0: i32, %arg1: i32, %arg2: memref<12288x256xf32, #tpu.memory_space<hbm>>, %arg3: memref<2x32x3456xi32, #tpu.memory_space<hbm>>, %arg4: memref<128x256xf32, #tpu.memory_space<vmem>>, %arg5: memref<32xi32, #tpu.memory_space<vmem>>, %arg6: memref<32xi32, #tpu.memory_space<vmem>>, %arg7: memref<3472xi32, #tpu.memory_space<vmem>>, %arg8: memref<3472xi32, #tpu.memory_space<vmem>>, %arg9: memref<!tpu.dma_semaphore, #tpu.memory_space<semaphore_mem>>) attributes {dimension_semantics = [#tpu.dimension_semantics<core_parallel>, #tpu.dimension_semantics<subcore_parallel>], iteration_bounds = array<i64: 2, 16>, scalar_prefetch = 0 : i64, scratch_operands = 6 : i64, tpu.core_type = #tpu.core_type<sc_vector_subcore>, window_params = [{transform_indices = #map}, {transform_indices = #map1}]} {
    %mul3A = arith.constant 2 : i32
    %mul3A_0 = arith.muli %arg1, %mul3A : i32
    %add3A = arith.addi %mul3A_0, %arg0 : i32
    %mul3A_1 = arith.constant 384 : i32
    %mul3A_2 = arith.muli %add3A, %mul3A_1 : i32
    %iota3A = tpu.iota {dimensions = array<i32: 0>} : vector<16xi32>
    %add3A_3 = arith.constant 0 : i32
    %add3A_4 = vector.broadcast %add3A_3 : i32 to vector<16xi32>
    %add3A_5 = arith.addi %iota3A, %add3A_4 : vector<16xi32>
    %add3A_6 = arith.constant 16 : i32
    %add3A_7 = vector.broadcast %add3A_6 : i32 to vector<16xi32>
    %add3A_8 = arith.addi %iota3A, %add3A_7 : vector<16xi32>
    %add3A_9 = arith.constant 32 : i32
    %add3A_10 = vector.broadcast %add3A_9 : i32 to vector<16xi32>
    %add3A_11 = arith.addi %iota3A, %add3A_10 : vector<16xi32>
    %add3A_12 = arith.constant 48 : i32
    %add3A_13 = vector.broadcast %add3A_12 : i32 to vector<16xi32>
    %add3A_14 = arith.addi %iota3A, %add3A_13 : vector<16xi32>
    %add3A_15 = arith.constant 64 : i32
    %add3A_16 = vector.broadcast %add3A_15 : i32 to vector<16xi32>
    %add3A_17 = arith.addi %iota3A, %add3A_16 : vector<16xi32>
    %add3A_18 = arith.constant 80 : i32
    %add3A_19 = vector.broadcast %add3A_18 : i32 to vector<16xi32>
    %add3A_20 = arith.addi %iota3A, %add3A_19 : vector<16xi32>
    %add3A_21 = arith.constant 96 : i32
    %add3A_22 = vector.broadcast %add3A_21 : i32 to vector<16xi32>
    %add3A_23 = arith.addi %iota3A, %add3A_22 : vector<16xi32>
    %add3A_24 = arith.constant 112 : i32
    %add3A_25 = vector.broadcast %add3A_24 : i32 to vector<16xi32>
    %add3A_26 = arith.addi %iota3A, %add3A_25 : vector<16xi32>
    %add3A_27 = arith.constant 128 : i32
    %add3A_28 = vector.broadcast %add3A_27 : i32 to vector<16xi32>
    %add3A_29 = arith.addi %iota3A, %add3A_28 : vector<16xi32>
    %add3A_30 = arith.constant 144 : i32
    %add3A_31 = vector.broadcast %add3A_30 : i32 to vector<16xi32>
    %add3A_32 = arith.addi %iota3A, %add3A_31 : vector<16xi32>
    %add3A_33 = arith.constant 160 : i32
    %add3A_34 = vector.broadcast %add3A_33 : i32 to vector<16xi32>
    %add3A_35 = arith.addi %iota3A, %add3A_34 : vector<16xi32>
    %add3A_36 = arith.constant 176 : i32
    %add3A_37 = vector.broadcast %add3A_36 : i32 to vector<16xi32>
    %add3A_38 = arith.addi %iota3A, %add3A_37 : vector<16xi32>
    %add3A_39 = arith.constant 192 : i32
    %add3A_40 = vector.broadcast %add3A_39 : i32 to vector<16xi32>
    %add3A_41 = arith.addi %iota3A, %add3A_40 : vector<16xi32>
    %add3A_42 = arith.constant 208 : i32
    %add3A_43 = vector.broadcast %add3A_42 : i32 to vector<16xi32>
    %add3A_44 = arith.addi %iota3A, %add3A_43 : vector<16xi32>
    %add3A_45 = arith.constant 224 : i32
    %add3A_46 = vector.broadcast %add3A_45 : i32 to vector<16xi32>
    %add3A_47 = arith.addi %iota3A, %add3A_46 : vector<16xi32>
    %add3A_48 = arith.constant 240 : i32
    %add3A_49 = vector.broadcast %add3A_48 : i32 to vector<16xi32>
    %add3A_50 = arith.addi %iota3A, %add3A_49 : vector<16xi32>
    %mul3A_51 = arith.constant 2 : i32
    %mul3A_52 = vector.broadcast %mul3A_51 : i32 to vector<16xi32>
    %mul3A_53 = arith.muli %iota3A, %mul3A_52 : vector<16xi32>
    %scan3A = arith.constant 0 : i32
    %scan3A_54 = arith.constant 0 : i32
    %scan3A_55 = arith.constant 3 : i32
    %scan3A_56 = arith.addi %scan3A_54, %scan3A_55 : i32
    %scan3A_57 = arith.constant 1 : i32
    scf.for %scan3A_60 = %scan3A_54 to %scan3A_56 step %scan3A_57  : i32 {
      %mul3A_61 = arith.constant 128 : i32
      %mul3A_62 = arith.muli %scan3A_60, %mul3A_61 : i32
      %add3A_63 = arith.addi %mul3A_2, %mul3A_62 : i32
      "tpu.region"() ({
        %run_scoped3A_69 = tpu.sem_alloc : memref<!tpu.dma_semaphore, #tpu.memory_space<semaphore_mem>>
        %dma_start3A = arith.constant 0 : i32
        %dma_start3A_70 = tpu.memref_slice %arg2[%add3A_63, %dma_start3A] : memref<12288x256xf32, #tpu.memory_space<hbm>> -> memref<128x256xf32, #tpu.memory_space<hbm>>
        %dma_start3A_71 = arith.constant 0 : i32
        %dma_start3A_72 = tpu.memref_slice %arg2[%add3A_63, %dma_start3A_71] : memref<12288x256xf32, #tpu.memory_space<hbm>> -> memref<128x256xf32, #tpu.memory_space<hbm>>
        tpu.enqueue_dma source(%dma_start3A_72 : memref<128x256xf32, #tpu.memory_space<hbm>>) target(%arg4 : memref<128x256xf32, #tpu.memory_space<vmem>>) target_semaphore(%run_scoped3A_69 : memref<!tpu.dma_semaphore, #tpu.memory_space<semaphore_mem>>)
        %dma_wait3A = arith.constant 0 : i32
        %dma_wait3A_73 = tpu.memref_slice %arg2[%add3A_63, %dma_wait3A] : memref<12288x256xf32, #tpu.memory_space<hbm>> -> memref<128x256xf32, #tpu.memory_space<hbm>>
        %dma_wait3A_74 = arith.constant 0 : i32
        %dma_wait3A_75 = tpu.memref_slice %arg2[%add3A_63, %dma_wait3A_74] : memref<12288x256xf32, #tpu.memory_space<hbm>> -> memref<128x256xf32, #tpu.memory_space<hbm>>
        tpu.wait_dma2 semaphore(%run_scoped3A_69 : memref<!tpu.dma_semaphore, #tpu.memory_space<semaphore_mem>>) src(%dma_wait3A_75 : memref<128x256xf32, #tpu.memory_space<hbm>>) dst(%arg4 : memref<128x256xf32, #tpu.memory_space<vmem>>)
        tpu.yield
      }) : () -> ()
      %scan3A_64 = arith.constant 0 : i32
      %scan3A_65 = arith.constant 64 : i32
      %scan3A_66 = arith.addi %scan3A_64, %scan3A_65 : i32
      %scan3A_67 = arith.constant 1 : i32
      scf.for %scan3A_69 = %scan3A_64 to %scan3A_66 step %scan3A_67  : i32 {
        %mul3A_70 = arith.constant 2 : i32
        %mul3A_71 = arith.muli %scan3A_69, %mul3A_70 : i32
        %mul3A_72 = arith.constant 128 : i32
        %mul3A_73 = arith.muli %scan3A_60, %mul3A_72 : i32
        %add3A_74 = arith.addi %mul3A_73, %mul3A_71 : i32
        %add3A_75 = arith.addi %mul3A_2, %add3A_74 : i32
        %get3A = arith.index_cast %mul3A_71 : i32 to index
        %get3A_76 = arith.constant 0 : index
        %get3A_77 = tpu.vector_load %arg4[%get3A, %get3A_76] {strides = array<i32>} : memref<128x256xf32, #tpu.memory_space<vmem>>, vector<16xf32>,
        %masked_sort3A = arith.constant dense<true> : vector<16xi1>
        %masked_sort3A_78, %masked_sort3A_79, %masked_sort3A_80 = tpu.sort %get3A_77, %add3A_5 masked %masked_sort3A : (vector<16xf32>, vector<16xi32>, vector<16xi1>) -> (vector<16xi1>, vector<16xf32>, vector<16xi32>)
        %get3A_81 = arith.index_cast %mul3A_71 : i32 to index
        %get3A_82 = arith.constant 16 : index
        %get3A_83 = tpu.vector_load %arg4[%get3A_81, %get3A_82] {strides = array<i32>} : memref<128x256xf32, #tpu.memory_space<vmem>>, vector<16xf32>,
        %masked_sort3A_84 = arith.constant dense<true> : vector<16xi1>
        %masked_sort3A_85, %masked_sort3A_86, %masked_sort3A_87 = tpu.sort %get3A_83, %add3A_8 masked %masked_sort3A_84 : (vector<16xf32>, vector<16xi32>, vector<16xi1>) -> (vector<16xi1>, vector<16xf32>, vector<16xi32>)
        %get3A_88 = arith.index_cast %mul3A_71 : i32 to index
        %get3A_89 = arith.constant 32 : index
        %get3A_90 = tpu.vector_load %arg4[%get3A_88, %get3A_89] {strides = array<i32>} : memref<128x256xf32, #tpu.memory_space<vmem>>, vector<16xf32>,
        %masked_sort3A_91 = arith.constant dense<true> : vector<16xi1>
        %masked_sort3A_92, %masked_sort3A_93, %masked_sort3A_94 = tpu.sort %get3A_90, %add3A_11 masked %masked_sort3A_91 : (vector<16xf32>, vector<16xi32>, vector<16xi1>) -> (vector<16xi1>, vector<16xf32>, vector<16xi32>)
        %get3A_95 = arith.index_cast %mul3A_71 : i32 to index
        %get3A_96 = arith.constant 48 : index
        %get3A_97 = tpu.vector_load %arg4[%get3A_95, %get3A_96] {strides = array<i32>} : memref<128x256xf32, #tpu.memory_space<vmem>>, vector<16xf32>,
        %masked_sort3A_98 = arith.constant dense<true> : vector<16xi1>
        %masked_sort3A_99, %masked_sort3A_100, %masked_sort3A_101 = tpu.sort %get3A_97, %add3A_14 masked %masked_sort3A_98 : (vector<16xf32>, vector<16xi32>, vector<16xi1>) -> (vector<16xi1>, vector<16xf32>, vector<16xi32>)
        %get3A_102 = arith.index_cast %mul3A_71 : i32 to index
        %get3A_103 = arith.constant 64 : index
        %get3A_104 = tpu.vector_load %arg4[%get3A_102, %get3A_103] {strides = array<i32>} : memref<128x256xf32, #tpu.memory_space<vmem>>, vector<16xf32>,
        %masked_sort3A_105 = arith.constant dense<true> : vector<16xi1>
        %masked_sort3A_106, %masked_sort3A_107, %masked_sort3A_108 = tpu.sort %get3A_104, %add3A_17 masked %masked_sort3A_105 : (vector<16xf32>, vector<16xi32>, vector<16xi1>) -> (vector<16xi1>, vector<16xf32>, vector<16xi32>)
        %get3A_109 = arith.index_cast %mul3A_71 : i32 to index
        %get3A_110 = arith.constant 80 : index
        %get3A_111 = tpu.vector_load %arg4[%get3A_109, %get3A_110] {strides = array<i32>} : memref<128x256xf32, #tpu.memory_space<vmem>>, vector<16xf32>,
        %masked_sort3A_112 = arith.constant dense<true> : vector<16xi1>
        %masked_sort3A_113, %masked_sort3A_114, %masked_sort3A_115 = tpu.sort %get3A_111, %add3A_20 masked %masked_sort3A_112 : (vector<16xf32>, vector<16xi32>, vector<16xi1>) -> (vector<16xi1>, vector<16xf32>, vector<16xi32>)
        %get3A_116 = arith.index_cast %mul3A_71 : i32 to index
        %get3A_117 = arith.constant 96 : index
        %get3A_118 = tpu.vector_load %arg4[%get3A_116, %get3A_117] {strides = array<i32>} : memref<128x256xf32, #tpu.memory_space<vmem>>, vector<16xf32>,
        %masked_sort3A_119 = arith.constant dense<true> : vector<16xi1>
        %masked_sort3A_120, %masked_sort3A_121, %masked_sort3A_122 = tpu.sort %get3A_118, %add3A_23 masked %masked_sort3A_119 : (vector<16xf32>, vector<16xi32>, vector<16xi1>) -> (vector<16xi1>, vector<16xf32>, vector<16xi32>)
        %get3A_123 = arith.index_cast %mul3A_71 : i32 to index
        %get3A_124 = arith.constant 112 : index
        %get3A_125 = tpu.vector_load %arg4[%get3A_123, %get3A_124] {strides = array<i32>} : memref<128x256xf32, #tpu.memory_space<vmem>>, vector<16xf32>,
        %masked_sort3A_126 = arith.constant dense<true> : vector<16xi1>
        %masked_sort3A_127, %masked_sort3A_128, %masked_sort3A_129 = tpu.sort %get3A_125, %add3A_26 masked %masked_sort3A_126 : (vector<16xf32>, vector<16xi32>, vector<16xi1>) -> (vector<16xi1>, vector<16xf32>, vector<16xi32>)
        %get3A_130 = arith.index_cast %mul3A_71 : i32 to index
        %get3A_131 = arith.constant 128 : index
        %get3A_132 = tpu.vector_load %arg4[%get3A_130, %get3A_131] {strides = array<i32>} : memref<128x256xf32, #tpu.memory_space<vmem>>, vector<16xf32>,
        %masked_sort3A_133 = arith.constant dense<true> : vector<16xi1>
        %masked_sort3A_134, %masked_sort3A_135, %masked_sort3A_136 = tpu.sort %get3A_132, %add3A_29 masked %masked_sort3A_133 : (vector<16xf32>, vector<16xi32>, vector<16xi1>) -> (vector<16xi1>, vector<16xf32>, vector<16xi32>)
        %get3A_137 = arith.index_cast %mul3A_71 : i32 to index
        %get3A_138 = arith.constant 144 : index
        %get3A_139 = tpu.vector_load %arg4[%get3A_137, %get3A_138] {strides = array<i32>} : memref<128x256xf32, #tpu.memory_space<vmem>>, vector<16xf32>,
        %masked_sort3A_140 = arith.constant dense<true> : vector<16xi1>
        %masked_sort3A_141, %masked_sort3A_142, %masked_sort3A_143 = tpu.sort %get3A_139, %add3A_32 masked %masked_sort3A_140 : (vector<16xf32>, vector<16xi32>, vector<16xi1>) -> (vector<16xi1>, vector<16xf32>, vector<16xi32>)
        %get3A_144 = arith.index_cast %mul3A_71 : i32 to index
        %get3A_145 = arith.constant 160 : index
        %get3A_146 = tpu.vector_load %arg4[%get3A_144, %get3A_145] {strides = array<i32>} : memref<128x256xf32, #tpu.memory_space<vmem>>, vector<16xf32>,
        %masked_sort3A_147 = arith.constant dense<true> : vector<16xi1>
        %masked_sort3A_148, %masked_sort3A_149, %masked_sort3A_150 = tpu.sort %get3A_146, %add3A_35 masked %masked_sort3A_147 : (vector<16xf32>, vector<16xi32>, vector<16xi1>) -> (vector<16xi1>, vector<16xf32>, vector<16xi32>)
        %get3A_151 = arith.index_cast %mul3A_71 : i32 to index
        %get3A_152 = arith.constant 176 : index
        %get3A_153 = tpu.vector_load %arg4[%get3A_151, %get3A_152] {strides = array<i32>} : memref<128x256xf32, #tpu.memory_space<vmem>>, vector<16xf32>,
        %masked_sort3A_154 = arith.constant dense<true> : vector<16xi1>
        %masked_sort3A_155, %masked_sort3A_156, %masked_sort3A_157 = tpu.sort %get3A_153, %add3A_38 masked %masked_sort3A_154 : (vector<16xf32>, vector<16xi32>, vector<16xi1>) -> (vector<16xi1>, vector<16xf32>, vector<16xi32>)
        %get3A_158 = arith.index_cast %mul3A_71 : i32 to index
        %get3A_159 = arith.constant 192 : index
        %get3A_160 = tpu.vector_load %arg4[%get3A_158, %get3A_159] {strides = array<i32>} : memref<128x256xf32, #tpu.memory_space<vmem>>, vector<16xf32>,
        %masked_sort3A_161 = arith.constant dense<true> : vector<16xi1>
        %masked_sort3A_162, %masked_sort3A_163, %masked_sort3A_164 = tpu.sort %get3A_160, %add3A_41 masked %masked_sort3A_161 : (vector<16xf32>, vector<16xi32>, vector<16xi1>) -> (vector<16xi1>, vector<16xf32>, vector<16xi32>)
        %get3A_165 = arith.index_cast %mul3A_71 : i32 to index
        %get3A_166 = arith.constant 208 : index
        %get3A_167 = tpu.vector_load %arg4[%get3A_165, %get3A_166] {strides = array<i32>} : memref<128x256xf32, #tpu.memory_space<vmem>>, vector<16xf32>,
        %masked_sort3A_168 = arith.constant dense<true> : vector<16xi1>
        %masked_sort3A_169, %masked_sort3A_170, %masked_sort3A_171 = tpu.sort %get3A_167, %add3A_44 masked %masked_sort3A_168 : (vector<16xf32>, vector<16xi32>, vector<16xi1>) -> (vector<16xi1>, vector<16xf32>, vector<16xi32>)
        %get3A_172 = arith.index_cast %mul3A_71 : i32 to index
        %get3A_173 = arith.constant 224 : index
        %get3A_174 = tpu.vector_load %arg4[%get3A_172, %get3A_173] {strides = array<i32>} : memref<128x256xf32, #tpu.memory_space<vmem>>, vector<16xf32>,
        %masked_sort3A_175 = arith.constant dense<true> : vector<16xi1>
        %masked_sort3A_176, %masked_sort3A_177, %masked_sort3A_178 = tpu.sort %get3A_174, %add3A_47 masked %masked_sort3A_175 : (vector<16xf32>, vector<16xi32>, vector<16xi1>) -> (vector<16xi1>, vector<16xf32>, vector<16xi32>)
        %get3A_179 = arith.index_cast %mul3A_71 : i32 to index
        %get3A_180 = arith.constant 240 : index
        %get3A_181 = tpu.vector_load %arg4[%get3A_179, %get3A_180] {strides = array<i32>} : memref<128x256xf32, #tpu.memory_space<vmem>>, vector<16xf32>,
        %masked_sort3A_182 = arith.constant dense<true> : vector<16xi1>
        %masked_sort3A_183, %masked_sort3A_184, %masked_sort3A_185 = tpu.sort %get3A_181, %add3A_50 masked %masked_sort3A_182 : (vector<16xf32>, vector<16xi32>, vector<16xi1>) -> (vector<16xi1>, vector<16xf32>, vector<16xi32>)
        %rev3A = arith.constant 15 : i32
        %rev3A_186 = vector.broadcast %rev3A : i32 to vector<16xi32>
        %rev3A_187 = tpu.iota {dimensions = array<i32: 0>} : vector<16xi32>
        %rev3A_188 = arith.subi %rev3A_186, %rev3A_187 : vector<16xi32>
        %rev3A_189 = tpu.dynamic_gather %masked_sort3A_86[%rev3A_188] in [0] : vector<16xf32>, vector<16xi32> -> vector<16xf32>
        %rev3A_190 = arith.constant 15 : i32
        %rev3A_191 = vector.broadcast %rev3A_190 : i32 to vector<16xi32>
        %rev3A_192 = tpu.iota {dimensions = array<i32: 0>} : vector<16xi32>
        %rev3A_193 = arith.subi %rev3A_191, %rev3A_192 : vector<16xi32>
        %rev3A_194 = tpu.dynamic_gather %masked_sort3A_87[%rev3A_193] in [0] : vector<16xi32>, vector<16xi32> -> vector<16xi32>
        %le3A = arith.cmpf ole, %masked_sort3A_79, %rev3A_189 : vector<16xf32>
        %min3A = arith.minimumf %masked_sort3A_79, %rev3A_189 : vector<16xf32>
        %select_n3A = arith.select %le3A, %masked_sort3A_80, %rev3A_194 : vector<16xi1>, vector<16xi32>
        %max3A = arith.maximumf %masked_sort3A_79, %rev3A_189 : vector<16xf32>
        %select_n3A_195 = arith.select %le3A, %rev3A_194, %masked_sort3A_80 : vector<16xi1>, vector<16xi32>
        %masked_sort3A_196 = arith.constant dense<true> : vector<16xi1>
        %masked_sort3A_197, %masked_sort3A_198, %masked_sort3A_199 = tpu.sort %min3A, %select_n3A masked %masked_sort3A_196 : (vector<16xf32>, vector<16xi32>, vector<16xi1>) -> (vector<16xi1>, vector<16xf32>, vector<16xi32>)
        %masked_sort3A_200 = arith.constant dense<true> : vector<16xi1>
        %masked_sort3A_201, %masked_sort3A_202, %masked_sort3A_203 = tpu.sort %max3A, %select_n3A_195 masked %masked_sort3A_200 : (vector<16xf32>, vector<16xi32>, vector<16xi1>) -> (vector<16xi1>, vector<16xf32>, vector<16xi32>)
        %rev3A_204 = arith.constant 15 : i32
        %rev3A_205 = vector.broadcast %rev3A_204 : i32 to vector<16xi32>
        %rev3A_206 = tpu.iota {dimensions = array<i32: 0>} : vector<16xi32>
        %rev3A_207 = arith.subi %rev3A_205, %rev3A_206 : vector<16xi32>
        %rev3A_208 = tpu.dynamic_gather %masked_sort3A_100[%rev3A_207] in [0] : vector<16xf32>, vector<16xi32> -> vector<16xf32>
        %rev3A_209 = arith.constant 15 : i32
        %rev3A_210 = vector.broadcast %rev3A_209 : i32 to vector<16xi32>
        %rev3A_211 = tpu.iota {dimensions = array<i32: 0>} : vector<16xi32>
        %rev3A_212 = arith.subi %rev3A_210, %rev3A_211 : vector<16xi32>
        %rev3A_213 = tpu.dynamic_gather %masked_sort3A_101[%rev3A_212] in [0] : vector<16xi32>, vector<16xi32> -> vector<16xi32>
        %le3A_214 = arith.cmpf ole, %masked_sort3A_93, %rev3A_208 : vector<16xf32>
        %min3A_215 = arith.minimumf %masked_sort3A_93, %rev3A_208 : vector<16xf32>
        %select_n3A_216 = arith.select %le3A_214, %masked_sort3A_94, %rev3A_213 : vector<16xi1>, vector<16xi32>
        %max3A_217 = arith.maximumf %masked_sort3A_93, %rev3A_208 : vector<16xf32>
        %select_n3A_218 = arith.select %le3A_214, %rev3A_213, %masked_sort3A_94 : vector<16xi1>, vector<16xi32>
        %masked_sort3A_219 = arith.constant dense<true> : vector<16xi1>
        %masked_sort3A_220, %masked_sort3A_221, %masked_sort3A_222 = tpu.sort %min3A_215, %select_n3A_216 masked %masked_sort3A_219 : (vector<16xf32>, vector<16xi32>, vector<16xi1>) -> (vector<16xi1>, vector<16xf32>, vector<16xi32>)
        %masked_sort3A_223 = arith.constant dense<true> : vector<16xi1>
        %masked_sort3A_224, %masked_sort3A_225, %masked_sort3A_226 = tpu.sort %max3A_217, %select_n3A_218 masked %masked_sort3A_223 : (vector<16xf32>, vector<16xi32>, vector<16xi1>) -> (vector<16xi1>, vector<16xf32>, vector<16xi32>)
        %rev3A_227 = arith.constant 15 : i32
        %rev3A_228 = vector.broadcast %rev3A_227 : i32 to vector<16xi32>
        %rev3A_229 = tpu.iota {dimensions = array<i32: 0>} : vector<16xi32>
        %rev3A_230 = arith.subi %rev3A_228, %rev3A_229 : vector<16xi32>
        %rev3A_231 = tpu.dynamic_gather %masked_sort3A_114[%rev3A_230] in [0] : vector<16xf32>, vector<16xi32> -> vector<16xf32>
        %rev3A_232 = arith.constant 15 : i32
        %rev3A_233 = vector.broadcast %rev3A_232 : i32 to vector<16xi32>
        %rev3A_234 = tpu.iota {dimensions = array<i32: 0>} : vector<16xi32>
        %rev3A_235 = arith.subi %rev3A_233, %rev3A_234 : vector<16xi32>
        %rev3A_236 = tpu.dynamic_gather %masked_sort3A_115[%rev3A_235] in [0] : vector<16xi32>, vector<16xi32> -> vector<16xi32>
        %le3A_237 = arith.cmpf ole, %masked_sort3A_107, %rev3A_231 : vector<16xf32>
        %min3A_238 = arith.minimumf %masked_sort3A_107, %rev3A_231 : vector<16xf32>
        %select_n3A_239 = arith.select %le3A_237, %masked_sort3A_108, %rev3A_236 : vector<16xi1>, vector<16xi32>
        %max3A_240 = arith.maximumf %masked_sort3A_107, %rev3A_231 : vector<16xf32>
        %select_n3A_241 = arith.select %le3A_237, %rev3A_236, %masked_sort3A_108 : vector<16xi1>, vector<16xi32>
        %masked_sort3A_242 = arith.constant dense<true> : vector<16xi1>
        %masked_sort3A_243, %masked_sort3A_244, %masked_sort3A_245 = tpu.sort %min3A_238, %select_n3A_239 masked %masked_sort3A_242 : (vector<16xf32>, vector<16xi32>, vector<16xi1>) -> (vector<16xi1>, vector<16xf32>, vector<16xi32>)
        %masked_sort3A_246 = arith.constant dense<true> : vector<16xi1>
        %masked_sort3A_247, %masked_sort3A_248, %masked_sort3A_249 = tpu.sort %max3A_240, %select_n3A_241 masked %masked_sort3A_246 : (vector<16xf32>, vector<16xi32>, vector<16xi1>) -> (vector<16xi1>, vector<16xf32>, vector<16xi32>)
        %rev3A_250 = arith.constant 15 : i32
        %rev3A_251 = vector.broadcast %rev3A_250 : i32 to vector<16xi32>
        %rev3A_252 = tpu.iota {dimensions = array<i32: 0>} : vector<16xi32>
        %rev3A_253 = arith.subi %rev3A_251, %rev3A_252 : vector<16xi32>
        %rev3A_254 = tpu.dynamic_gather %masked_sort3A_128[%rev3A_253] in [0] : vector<16xf32>, vector<16xi32> -> vector<16xf32>
        %rev3A_255 = arith.constant 15 : i32
        %rev3A_256 = vector.broadcast %rev3A_255 : i32 to vector<16xi32>
        %rev3A_257 = tpu.iota {dimensions = array<i32: 0>} : vector<16xi32>
        %rev3A_258 = arith.subi %rev3A_256, %rev3A_257 : vector<16xi32>
        %rev3A_259 = tpu.dynamic_gather %masked_sort3A_129[%rev3A_258] in [0] : vector<16xi32>, vector<16xi32> -> vector<16xi32>
        %le3A_260 = arith.cmpf ole, %masked_sort3A_121, %rev3A_254 : vector<16xf32>
        %min3A_261 = arith.minimumf %masked_sort3A_121, %rev3A_254 : vector<16xf32>
        %select_n3A_262 = arith.select %le3A_260, %masked_sort3A_122, %rev3A_259 : vector<16xi1>, vector<16xi32>
        %max3A_263 = arith.maximumf %masked_sort3A_121, %rev3A_254 : vector<16xf32>
        %select_n3A_264 = arith.select %le3A_260, %rev3A_259, %masked_sort3A_122 : vector<16xi1>, vector<16xi32>
        %masked_sort3A_265 = arith.constant dense<true> : vector<16xi1>
        %masked_sort3A_266, %masked_sort3A_267, %masked_sort3A_268 = tpu.sort %min3A_261, %select_n3A_262 masked %masked_sort3A_265 : (vector<16xf32>, vector<16xi32>, vector<16xi1>) -> (vector<16xi1>, vector<16xf32>, vector<16xi32>)
        %masked_sort3A_269 = arith.constant dense<true> : vector<16xi1>
        %masked_sort3A_270, %masked_sort3A_271, %masked_sort3A_272 = tpu.sort %max3A_263, %select_n3A_264 masked %masked_sort3A_269 : (vector<16xf32>, vector<16xi32>, vector<16xi1>) -> (vector<16xi1>, vector<16xf32>, vector<16xi32>)
        %rev3A_273 = arith.constant 15 : i32
        %rev3A_274 = vector.broadcast %rev3A_273 : i32 to vector<16xi32>
        %rev3A_275 = tpu.iota {dimensions = array<i32: 0>} : vector<16xi32>
        %rev3A_276 = arith.subi %rev3A_274, %rev3A_275 : vector<16xi32>
        %rev3A_277 = tpu.dynamic_gather %masked_sort3A_142[%rev3A_276] in [0] : vector<16xf32>, vector<16xi32> -> vector<16xf32>
        %rev3A_278 = arith.constant 15 : i32
        %rev3A_279 = vector.broadcast %rev3A_278 : i32 to vector<16xi32>
        %rev3A_280 = tpu.iota {dimensions = array<i32: 0>} : vector<16xi32>
        %rev3A_281 = arith.subi %rev3A_279, %rev3A_280 : vector<16xi32>
        %rev3A_282 = tpu.dynamic_gather %masked_sort3A_143[%rev3A_281] in [0] : vector<16xi32>, vector<16xi32> -> vector<16xi32>
        %le3A_283 = arith.cmpf ole, %masked_sort3A_135, %rev3A_277 : vector<16xf32>
        %min3A_284 = arith.minimumf %masked_sort3A_135, %rev3A_277 : vector<16xf32>
        %select_n3A_285 = arith.select %le3A_283, %masked_sort3A_136, %rev3A_282 : vector<16xi1>, vector<16xi32>
        %max3A_286 = arith.maximumf %masked_sort3A_135, %rev3A_277 : vector<16xf32>
        %select_n3A_287 = arith.select %le3A_283, %rev3A_282, %masked_sort3A_136 : vector<16xi1>, vector<16xi32>
        %masked_sort3A_288 = arith.constant dense<true> : vector<16xi1>
        %masked_sort3A_289, %masked_sort3A_290, %masked_sort3A_291 = tpu.sort %min3A_284, %select_n3A_285 masked %masked_sort3A_288 : (vector<16xf32>, vector<16xi32>, vector<16xi1>) -> (vector<16xi1>, vector<16xf32>, vector<16xi32>)
        %masked_sort3A_292 = arith.constant dense<true> : vector<16xi1>
        %masked_sort3A_293, %masked_sort3A_294, %masked_sort3A_295 = tpu.sort %max3A_286, %select_n3A_287 masked %masked_sort3A_292 : (vector<16xf32>, vector<16xi32>, vector<16xi1>) -> (vector<16xi1>, vector<16xf32>, vector<16xi32>)
        %rev3A_296 = arith.constant 15 : i32
        %rev3A_297 = vector.broadcast %rev3A_296 : i32 to vector<16xi32>
        %rev3A_298 = tpu.iota {dimensions = array<i32: 0>} : vector<16xi32>
        %rev3A_299 = arith.subi %rev3A_297, %rev3A_298 : vector<16xi32>
        %rev3A_300 = tpu.dynamic_gather %masked_sort3A_156[%rev3A_299] in [0] : vector<16xf32>, vector<16xi32> -> vector<16xf32>
        %rev3A_301 = arith.constant 15 : i32
        %rev3A_302 = vector.broadcast %rev3A_301 : i32 to vector<16xi32>
        %rev3A_303 = tpu.iota {dimensions = array<i32: 0>} : vector<16xi32>
        %rev3A_304 = arith.subi %rev3A_302, %rev3A_303 : vector<16xi32>
        %rev3A_305 = tpu.dynamic_gather %masked_sort3A_157[%rev3A_304] in [0] : vector<16xi32>, vector<16xi32> -> vector<16xi32>
        %le3A_306 = arith.cmpf ole, %masked_sort3A_149, %rev3A_300 : vector<16xf32>
        %min3A_307 = arith.minimumf %masked_sort3A_149, %rev3A_300 : vector<16xf32>
        %select_n3A_308 = arith.select %le3A_306, %masked_sort3A_150, %rev3A_305 : vector<16xi1>, vector<16xi32>
        %max3A_309 = arith.maximumf %masked_sort3A_149, %rev3A_300 : vector<16xf32>
        %select_n3A_310 = arith.select %le3A_306, %rev3A_305, %masked_sort3A_150 : vector<16xi1>, vector<16xi32>
        %masked_sort3A_311 = arith.constant dense<true> : vector<16xi1>
        %masked_sort3A_312, %masked_sort3A_313, %masked_sort3A_314 = tpu.sort %min3A_307, %select_n3A_308 masked %masked_sort3A_311 : (vector<16xf32>, vector<16xi32>, vector<16xi1>) -> (vector<16xi1>, vector<16xf32>, vector<16xi32>)
        %masked_sort3A_315 = arith.constant dense<true> : vector<16xi1>
        %masked_sort3A_316, %masked_sort3A_317, %masked_sort3A_318 = tpu.sort %max3A_309, %select_n3A_310 masked %masked_sort3A_315 : (vector<16xf32>, vector<16xi32>, vector<16xi1>) -> (vector<16xi1>, vector<16xf32>, vector<16xi32>)
        %rev3A_319 = arith.constant 15 : i32
        %rev3A_320 = vector.broadcast %rev3A_319 : i32 to vector<16xi32>
        %rev3A_321 = tpu.iota {dimensions = array<i32: 0>} : vector<16xi32>
        %rev3A_322 = arith.subi %rev3A_320, %rev3A_321 : vector<16xi32>
        %rev3A_323 = tpu.dynamic_gather %masked_sort3A_170[%rev3A_322] in [0] : vector<16xf32>, vector<16xi32> -> vector<16xf32>
        %rev3A_324 = arith.constant 15 : i32
        %rev3A_325 = vector.broadcast %rev3A_324 : i32 to vector<16xi32>
        %rev3A_326 = tpu.iota {dimensions = array<i32: 0>} : vector<16xi32>
        %rev3A_327 = arith.subi %rev3A_325, %rev3A_326 : vector<16xi32>
        %rev3A_328 = tpu.dynamic_gather %masked_sort3A_171[%rev3A_327] in [0] : vector<16xi32>, vector<16xi32> -> vector<16xi32>
        %le3A_329 = arith.cmpf ole, %masked_sort3A_163, %rev3A_323 : vector<16xf32>
        %min3A_330 = arith.minimumf %masked_sort3A_163, %rev3A_323 : vector<16xf32>
        %select_n3A_331 = arith.select %le3A_329, %masked_sort3A_164, %rev3A_328 : vector<16xi1>, vector<16xi32>
        %max3A_332 = arith.maximumf %masked_sort3A_163, %rev3A_323 : vector<16xf32>
        %select_n3A_333 = arith.select %le3A_329, %rev3A_328, %masked_sort3A_164 : vector<16xi1>, vector<16xi32>
        %masked_sort3A_334 = arith.constant dense<true> : vector<16xi1>
        %masked_sort3A_335, %masked_sort3A_336, %masked_sort3A_337 = tpu.sort %min3A_330, %select_n3A_331 masked %masked_sort3A_334 : (vector<16xf32>, vector<16xi32>, vector<16xi1>) -> (vector<16xi1>, vector<16xf32>, vector<16xi32>)
        %masked_sort3A_338 = arith.constant dense<true> : vector<16xi1>
        %masked_sort3A_339, %masked_sort3A_340, %masked_sort3A_341 = tpu.sort %max3A_332, %select_n3A_333 masked %masked_sort3A_338 : (vector<16xf32>, vector<16xi32>, vector<16xi1>) -> (vector<16xi1>, vector<16xf32>, vector<16xi32>)
        %rev3A_342 = arith.constant 15 : i32
        %rev3A_343 = vector.broadcast %rev3A_342 : i32 to vector<16xi32>
        %rev3A_344 = tpu.iota {dimensions = array<i32: 0>} : vector<16xi32>
        %rev3A_345 = arith.subi %rev3A_343, %rev3A_344 : vector<16xi32>
        %rev3A_346 = tpu.dynamic_gather %masked_sort3A_184[%rev3A_345] in [0] : vector<16xf32>, vector<16xi32> -> vector<16xf32>
        %rev3A_347 = arith.constant 15 : i32
        %rev3A_348 = vector.broadcast %rev3A_347 : i32 to vector<16xi32>
        %rev3A_349 = tpu.iota {dimensions = array<i32: 0>} : vector<16xi32>
        %rev3A_350 = arith.subi %rev3A_348, %rev3A_349 : vector<16xi32>
        %rev3A_351 = tpu.dynamic_gather %masked_sort3A_185[%rev3A_350] in [0] : vector<16xi32>, vector<16xi32> -> vector<16xi32>
        %le3A_352 = arith.cmpf ole, %masked_sort3A_177, %rev3A_346 : vector<16xf32>
        %min3A_353 = arith.minimumf %masked_sort3A_177, %rev3A_346 : vector<16xf32>
        %select_n3A_354 = arith.select %le3A_352, %masked_sort3A_178, %rev3A_351 : vector<16xi1>, vector<16xi32>
        %max3A_355 = arith.maximumf %masked_sort3A_177, %rev3A_346 : vector<16xf32>
        %select_n3A_356 = arith.select %le3A_352, %rev3A_351, %masked_sort3A_178 : vector<16xi1>, vector<16xi32>
        %masked_sort3A_357 = arith.constant dense<true> : vector<16xi1>
        %masked_sort3A_358, %masked_sort3A_359, %masked_sort3A_360 = tpu.sort %min3A_353, %select_n3A_354 masked %masked_sort3A_357 : (vector<16xf32>, vector<16xi32>, vector<16xi1>) -> (vector<16xi1>, vector<16xf32>, vector<16xi32>)
        %masked_sort3A_361 = arith.constant dense<true> : vector<16xi1>
        %masked_sort3A_362, %masked_sort3A_363, %masked_sort3A_364 = tpu.sort %max3A_355, %select_n3A_356 masked %masked_sort3A_361 : (vector<16xf32>, vector<16xi32>, vector<16xi1>) -> (vector<16xi1>, vector<16xf32>, vector<16xi32>)
        %rev3A_365 = arith.constant 15 : i32
        %rev3A_366 = vector.broadcast %rev3A_365 : i32 to vector<16xi32>
        %rev3A_367 = tpu.iota {dimensions = array<i32: 0>} : vector<16xi32>
        %rev3A_368 = arith.subi %rev3A_366, %rev3A_367 : vector<16xi32>
        %rev3A_369 = tpu.dynamic_gather %masked_sort3A_225[%rev3A_368] in [0] : vector<16xf32>, vector<16xi32> -> vector<16xf32>
        %rev3A_370 = arith.constant 15 : i32
        %rev3A_371 = vector.broadcast %rev3A_370 : i32 to vector<16xi32>
        %rev3A_372 = tpu.iota {dimensions = array<i32: 0>} : vector<16xi32>
        %rev3A_373 = arith.subi %rev3A_371, %rev3A_372 : vector<16xi32>
        %rev3A_374 = tpu.dynamic_gather %masked_sort3A_226[%rev3A_373] in [0] : vector<16xi32>, vector<16xi32> -> vector<16xi32>
        %rev3A_375 = arith.constant 15 : i32
        %rev3A_376 = vector.broadcast %rev3A_375 : i32 to vector<16xi32>
        %rev3A_377 = tpu.iota {dimensions = array<i32: 0>} : vector<16xi32>
        %rev3A_378 = arith.subi %rev3A_376, %rev3A_377 : vector<16xi32>
        %rev3A_379 = tpu.dynamic_gather %masked_sort3A_221[%rev3A_378] in [0] : vector<16xf32>, vector<16xi32> -> vector<16xf32>
        %rev3A_380 = arith.constant 15 : i32
        %rev3A_381 = vector.broadcast %rev3A_380 : i32 to vector<16xi32>
        %rev3A_382 = tpu.iota {dimensions = array<i32: 0>} : vector<16xi32>
        %rev3A_383 = arith.subi %rev3A_381, %rev3A_382 : vector<16xi32>
        %rev3A_384 = tpu.dynamic_gather %masked_sort3A_222[%rev3A_383] in [0] : vector<16xi32>, vector<16xi32> -> vector<16xi32>
        %le3A_385 = arith.cmpf ole, %masked_sort3A_198, %rev3A_369 : vector<16xf32>
        %min3A_386 = arith.minimumf %masked_sort3A_198, %rev3A_369 : vector<16xf32>
        %select_n3A_387 = arith.select %le3A_385, %masked_sort3A_199, %rev3A_374 : vector<16xi1>, vector<16xi32>
        %le3A_388 = arith.cmpf ole, %masked_sort3A_202, %rev3A_379 : vector<16xf32>
        %min3A_389 = arith.minimumf %masked_sort3A_202, %rev3A_379 : vector<16xf32>
        %select_n3A_390 = arith.select %le3A_388, %masked_sort3A_203, %rev3A_384 : vector<16xi1>, vector<16xi32>
        %le3A_391 = arith.cmpf ole, %min3A_386, %min3A_389 : vector<16xf32>
        %min3A_392 = arith.minimumf %min3A_386, %min3A_389 : vector<16xf32>
        %select_n3A_393 = arith.select %le3A_391, %select_n3A_387, %select_n3A_390 : vector<16xi1>, vector<16xi32>
        %max3A_394 = arith.maximumf %min3A_386, %min3A_389 : vector<16xf32>
        %select_n3A_395 = arith.select %le3A_391, %select_n3A_390, %select_n3A_387 : vector<16xi1>, vector<16xi32>
        %masked_sort3A_396 = arith.constant dense<true> : vector<16xi1>
        %masked_sort3A_397, %masked_sort3A_398, %masked_sort3A_399 = tpu.sort %min3A_392, %select_n3A_393 masked %masked_sort3A_396 : (vector<16xf32>, vector<16xi32>, vector<16xi1>) -> (vector<16xi1>, vector<16xf32>, vector<16xi32>)
        %masked_sort3A_400 = arith.constant dense<true> : vector<16xi1>
        %masked_sort3A_401, %masked_sort3A_402, %masked_sort3A_403 = tpu.sort %max3A_394, %select_n3A_395 masked %masked_sort3A_400 : (vector<16xf32>, vector<16xi32>, vector<16xi1>) -> (vector<16xi1>, vector<16xf32>, vector<16xi32>)
        %rev3A_404 = arith.constant 15 : i32
        %rev3A_405 = vector.broadcast %rev3A_404 : i32 to vector<16xi32>
        %rev3A_406 = tpu.iota {dimensions = array<i32: 0>} : vector<16xi32>
        %rev3A_407 = arith.subi %rev3A_405, %rev3A_406 : vector<16xi32>
        %rev3A_408 = tpu.dynamic_gather %masked_sort3A_271[%rev3A_407] in [0] : vector<16xf32>, vector<16xi32> -> vector<16xf32>
        %rev3A_409 = arith.constant 15 : i32
        %rev3A_410 = vector.broadcast %rev3A_409 : i32 to vector<16xi32>
        %rev3A_411 = tpu.iota {dimensions = array<i32: 0>} : vector<16xi32>
        %rev3A_412 = arith.subi %rev3A_410, %rev3A_411 : vector<16xi32>
        %rev3A_413 = tpu.dynamic_gather %masked_sort3A_272[%rev3A_412] in [0] : vector<16xi32>, vector<16xi32> -> vector<16xi32>
        %rev3A_414 = arith.constant 15 : i32
        %rev3A_415 = vector.broadcast %rev3A_414 : i32 to vector<16xi32>
        %rev3A_416 = tpu.iota {dimensions = array<i32: 0>} : vector<16xi32>
        %rev3A_417 = arith.subi %rev3A_415, %rev3A_416 : vector<16xi32>
        %rev3A_418 = tpu.dynamic_gather %masked_sort3A_267[%rev3A_417] in [0] : vector<16xf32>, vector<16xi32> -> vector<16xf32>
        %rev3A_419 = arith.constant 15 : i32
        %rev3A_420 = vector.broadcast %rev3A_419 : i32 to vector<16xi32>
        %rev3A_421 = tpu.iota {dimensions = array<i32: 0>} : vector<16xi32>
        %rev3A_422 = arith.subi %rev3A_420, %rev3A_421 : vector<16xi32>
        %rev3A_423 = tpu.dynamic_gather %masked_sort3A_268[%rev3A_422] in [0] : vector<16xi32>, vector<16xi32> -> vector<16xi32>
        %le3A_424 = arith.cmpf ole, %masked_sort3A_244, %rev3A_408 : vector<16xf32>
        %min3A_425 = arith.minimumf %masked_sort3A_244, %rev3A_408 : vector<16xf32>
        %select_n3A_426 = arith.select %le3A_424, %masked_sort3A_245, %rev3A_413 : vector<16xi1>, vector<16xi32>
        %le3A_427 = arith.cmpf ole, %masked_sort3A_248, %rev3A_418 : vector<16xf32>
        %min3A_428 = arith.minimumf %masked_sort3A_248, %rev3A_418 : vector<16xf32>
        %select_n3A_429 = arith.select %le3A_427, %masked_sort3A_249, %rev3A_423 : vector<16xi1>, vector<16xi32>
        %le3A_430 = arith.cmpf ole, %min3A_425, %min3A_428 : vector<16xf32>
        %min3A_431 = arith.minimumf %min3A_425, %min3A_428 : vector<16xf32>
        %select_n3A_432 = arith.select %le3A_430, %select_n3A_426, %select_n3A_429 : vector<16xi1>, vector<16xi32>
        %max3A_433 = arith.maximumf %min3A_425, %min3A_428 : vector<16xf32>
        %select_n3A_434 = arith.select %le3A_430, %select_n3A_429, %select_n3A_426 : vector<16xi1>, vector<16xi32>
        %masked_sort3A_435 = arith.constant dense<true> : vector<16xi1>
        %masked_sort3A_436, %masked_sort3A_437, %masked_sort3A_438 = tpu.sort %min3A_431, %select_n3A_432 masked %masked_sort3A_435 : (vector<16xf32>, vector<16xi32>, vector<16xi1>) -> (vector<16xi1>, vector<16xf32>, vector<16xi32>)
        %masked_sort3A_439 = arith.constant dense<true> : vector<16xi1>
        %masked_sort3A_440, %masked_sort3A_441, %masked_sort3A_442 = tpu.sort %max3A_433, %select_n3A_434 masked %masked_sort3A_439 : (vector<16xf32>, vector<16xi32>, vector<16xi1>) -> (vector<16xi1>, vector<16xf32>, vector<16xi32>)
        %rev3A_443 = arith.constant 15 : i32
        %rev3A_444 = vector.broadcast %rev3A_443 : i32 to vector<16xi32>
        %rev3A_445 = tpu.iota {dimensions = array<i32: 0>} : vector<16xi32>
        %rev3A_446 = arith.subi %rev3A_444, %rev3A_445 : vector<16xi32>
        %rev3A_447 = tpu.dynamic_gather %masked_sort3A_317[%rev3A_446] in [0] : vector<16xf32>, vector<16xi32> -> vector<16xf32>
        %rev3A_448 = arith.constant 15 : i32
        %rev3A_449 = vector.broadcast %rev3A_448 : i32 to vector<16xi32>
        %rev3A_450 = tpu.iota {dimensions = array<i32: 0>} : vector<16xi32>
        %rev3A_451 = arith.subi %rev3A_449, %rev3A_450 : vector<16xi32>
        %rev3A_452 = tpu.dynamic_gather %masked_sort3A_318[%rev3A_451] in [0] : vector<16xi32>, vector<16xi32> -> vector<16xi32>
        %rev3A_453 = arith.constant 15 : i32
        %rev3A_454 = vector.broadcast %rev3A_453 : i32 to vector<16xi32>
        %rev3A_455 = tpu.iota {dimensions = array<i32: 0>} : vector<16xi32>
        %rev3A_456 = arith.subi %rev3A_454, %rev3A_455 : vector<16xi32>
        %rev3A_457 = tpu.dynamic_gather %masked_sort3A_313[%rev3A_456] in [0] : vector<16xf32>, vector<16xi32> -> vector<16xf32>
        %rev3A_458 = arith.constant 15 : i32
        %rev3A_459 = vector.broadcast %rev3A_458 : i32 to vector<16xi32>
        %rev3A_460 = tpu.iota {dimensions = array<i32: 0>} : vector<16xi32>
        %rev3A_461 = arith.subi %rev3A_459, %rev3A_460 : vector<16xi32>
        %rev3A_462 = tpu.dynamic_gather %masked_sort3A_314[%rev3A_461] in [0] : vector<16xi32>, vector<16xi32> -> vector<16xi32>
        %le3A_463 = arith.cmpf ole, %masked_sort3A_290, %rev3A_447 : vector<16xf32>
        %min3A_464 = arith.minimumf %masked_sort3A_290, %rev3A_447 : vector<16xf32>
        %select_n3A_465 = arith.select %le3A_463, %masked_sort3A_291, %rev3A_452 : vector<16xi1>, vector<16xi32>
        %le3A_466 = arith.cmpf ole, %masked_sort3A_294, %rev3A_457 : vector<16xf32>
        %min3A_467 = arith.minimumf %masked_sort3A_294, %rev3A_457 : vector<16xf32>
        %select_n3A_468 = arith.select %le3A_466, %masked_sort3A_295, %rev3A_462 : vector<16xi1>, vector<16xi32>
        %le3A_469 = arith.cmpf ole, %min3A_464, %min3A_467 : vector<16xf32>
        %min3A_470 = arith.minimumf %min3A_464, %min3A_467 : vector<16xf32>
        %select_n3A_471 = arith.select %le3A_469, %select_n3A_465, %select_n3A_468 : vector<16xi1>, vector<16xi32>
        %max3A_472 = arith.maximumf %min3A_464, %min3A_467 : vector<16xf32>
        %select_n3A_473 = arith.select %le3A_469, %select_n3A_468, %select_n3A_465 : vector<16xi1>, vector<16xi32>
        %masked_sort3A_474 = arith.constant dense<true> : vector<16xi1>
        %masked_sort3A_475, %masked_sort3A_476, %masked_sort3A_477 = tpu.sort %min3A_470, %select_n3A_471 masked %masked_sort3A_474 : (vector<16xf32>, vector<16xi32>, vector<16xi1>) -> (vector<16xi1>, vector<16xf32>, vector<16xi32>)
        %masked_sort3A_478 = arith.constant dense<true> : vector<16xi1>
        %masked_sort3A_479, %masked_sort3A_480, %masked_sort3A_481 = tpu.sort %max3A_472, %select_n3A_473 masked %masked_sort3A_478 : (vector<16xf32>, vector<16xi32>, vector<16xi1>) -> (vector<16xi1>, vector<16xf32>, vector<16xi32>)
        %rev3A_482 = arith.constant 15 : i32
        %rev3A_483 = vector.broadcast %rev3A_482 : i32 to vector<16xi32>
        %rev3A_484 = tpu.iota {dimensions = array<i32: 0>} : vector<16xi32>
        %rev3A_485 = arith.subi %rev3A_483, %rev3A_484 : vector<16xi32>
        %rev3A_486 = tpu.dynamic_gather %masked_sort3A_363[%rev3A_485] in [0] : vector<16xf32>, vector<16xi32> -> vector<16xf32>
        %rev3A_487 = arith.constant 15 : i32
        %rev3A_488 = vector.broadcast %rev3A_487 : i32 to vector<16xi32>
        %rev3A_489 = tpu.iota {dimensions = array<i32: 0>} : vector<16xi32>
        %rev3A_490 = arith.subi %rev3A_488, %rev3A_489 : vector<16xi32>
        %rev3A_491 = tpu.dynamic_gather %masked_sort3A_364[%rev3A_490] in [0] : vector<16xi32>, vector<16xi32> -> vector<16xi32>
        %rev3A_492 = arith.constant 15 : i32
        %rev3A_493 = vector.broadcast %rev3A_492 : i32 to vector<16xi32>
        %rev3A_494 = tpu.iota {dimensions = array<i32: 0>} : vector<16xi32>
        %rev3A_495 = arith.subi %rev3A_493, %rev3A_494 : vector<16xi32>
        %rev3A_496 = tpu.dynamic_gather %masked_sort3A_359[%rev3A_495] in [0] : vector<16xf32>, vector<16xi32> -> vector<16xf32>
        %rev3A_497 = arith.constant 15 : i32
        %rev3A_498 = vector.broadcast %rev3A_497 : i32 to vector<16xi32>
        %rev3A_499 = tpu.iota {dimensions = array<i32: 0>} : vector<16xi32>
        %rev3A_500 = arith.subi %rev3A_498, %rev3A_499 : vector<16xi32>
        %rev3A_501 = tpu.dynamic_gather %masked_sort3A_360[%rev3A_500] in [0] : vector<16xi32>, vector<16xi32> -> vector<16xi32>
        %le3A_502 = arith.cmpf ole, %masked_sort3A_336, %rev3A_486 : vector<16xf32>
        %min3A_503 = arith.minimumf %masked_sort3A_336, %rev3A_486 : vector<16xf32>
        %select_n3A_504 = arith.select %le3A_502, %masked_sort3A_337, %rev3A_491 : vector<16xi1>, vector<16xi32>
        %le3A_505 = arith.cmpf ole, %masked_sort3A_340, %rev3A_496 : vector<16xf32>
        %min3A_506 = arith.minimumf %masked_sort3A_340, %rev3A_496 : vector<16xf32>
        %select_n3A_507 = arith.select %le3A_505, %masked_sort3A_341, %rev3A_501 : vector<16xi1>, vector<16xi32>
        %le3A_508 = arith.cmpf ole, %min3A_503, %min3A_506 : vector<16xf32>
        %min3A_509 = arith.minimumf %min3A_503, %min3A_506 : vector<16xf32>
        %select_n3A_510 = arith.select %le3A_508, %select_n3A_504, %select_n3A_507 : vector<16xi1>, vector<16xi32>
        %max3A_511 = arith.maximumf %min3A_503, %min3A_506 : vector<16xf32>
        %select_n3A_512 = arith.select %le3A_508, %select_n3A_507, %select_n3A_504 : vector<16xi1>, vector<16xi32>
        %masked_sort3A_513 = arith.constant dense<true> : vector<16xi1>
        %masked_sort3A_514, %masked_sort3A_515, %masked_sort3A_516 = tpu.sort %min3A_509, %select_n3A_510 masked %masked_sort3A_513 : (vector<16xf32>, vector<16xi32>, vector<16xi1>) -> (vector<16xi1>, vector<16xf32>, vector<16xi32>)
        %masked_sort3A_517 = arith.constant dense<true> : vector<16xi1>
        %masked_sort3A_518, %masked_sort3A_519, %masked_sort3A_520 = tpu.sort %max3A_511, %select_n3A_512 masked %masked_sort3A_517 : (vector<16xf32>, vector<16xi32>, vector<16xi1>) -> (vector<16xi1>, vector<16xf32>, vector<16xi32>)
        %rev3A_521 = arith.constant 15 : i32
        %rev3A_522 = vector.broadcast %rev3A_521 : i32 to vector<16xi32>
        %rev3A_523 = tpu.iota {dimensions = array<i32: 0>} : vector<16xi32>
        %rev3A_524 = arith.subi %rev3A_522, %rev3A_523 : vector<16xi32>
        %rev3A_525 = tpu.dynamic_gather %masked_sort3A_441[%rev3A_524] in [0] : vector<16xf32>, vector<16xi32> -> vector<16xf32>
        %rev3A_526 = arith.constant 15 : i32
        %rev3A_527 = vector.broadcast %rev3A_526 : i32 to vector<16xi32>
        %rev3A_528 = tpu.iota {dimensions = array<i32: 0>} : vector<16xi32>
        %rev3A_529 = arith.subi %rev3A_527, %rev3A_528 : vector<16xi32>
        %rev3A_530 = tpu.dynamic_gather %masked_sort3A_442[%rev3A_529] in [0] : vector<16xi32>, vector<16xi32> -> vector<16xi32>
        %rev3A_531 = arith.constant 15 : i32
        %rev3A_532 = vector.broadcast %rev3A_531 : i32 to vector<16xi32>
        %rev3A_533 = tpu.iota {dimensions = array<i32: 0>} : vector<16xi32>
        %rev3A_534 = arith.subi %rev3A_532, %rev3A_533 : vector<16xi32>
        %rev3A_535 = tpu.dynamic_gather %masked_sort3A_437[%rev3A_534] in [0] : vector<16xf32>, vector<16xi32> -> vector<16xf32>
        %rev3A_536 = arith.constant 15 : i32
        %rev3A_537 = vector.broadcast %rev3A_536 : i32 to vector<16xi32>
        %rev3A_538 = tpu.iota {dimensions = array<i32: 0>} : vector<16xi32>
        %rev3A_539 = arith.subi %rev3A_537, %rev3A_538 : vector<16xi32>
        %rev3A_540 = tpu.dynamic_gather %masked_sort3A_438[%rev3A_539] in [0] : vector<16xi32>, vector<16xi32> -> vector<16xi32>
        %le3A_541 = arith.cmpf ole, %masked_sort3A_398, %rev3A_525 : vector<16xf32>
        %min3A_542 = arith.minimumf %masked_sort3A_398, %rev3A_525 : vector<16xf32>
        %select_n3A_543 = arith.select %le3A_541, %masked_sort3A_399, %rev3A_530 : vector<16xi1>, vector<16xi32>
        %le3A_544 = arith.cmpf ole, %masked_sort3A_402, %rev3A_535 : vector<16xf32>
        %min3A_545 = arith.minimumf %masked_sort3A_402, %rev3A_535 : vector<16xf32>
        %select_n3A_546 = arith.select %le3A_544, %masked_sort3A_403, %rev3A_540 : vector<16xi1>, vector<16xi32>
        %le3A_547 = arith.cmpf ole, %min3A_542, %min3A_545 : vector<16xf32>
        %min3A_548 = arith.minimumf %min3A_542, %min3A_545 : vector<16xf32>
        %select_n3A_549 = arith.select %le3A_547, %select_n3A_543, %select_n3A_546 : vector<16xi1>, vector<16xi32>
        %max3A_550 = arith.maximumf %min3A_542, %min3A_545 : vector<16xf32>
        %select_n3A_551 = arith.select %le3A_547, %select_n3A_546, %select_n3A_543 : vector<16xi1>, vector<16xi32>
        %masked_sort3A_552 = arith.constant dense<true> : vector<16xi1>
        %masked_sort3A_553, %masked_sort3A_554, %masked_sort3A_555 = tpu.sort %min3A_548, %select_n3A_549 masked %masked_sort3A_552 : (vector<16xf32>, vector<16xi32>, vector<16xi1>) -> (vector<16xi1>, vector<16xf32>, vector<16xi32>)
        %masked_sort3A_556 = arith.constant dense<true> : vector<16xi1>
        %masked_sort3A_557, %masked_sort3A_558, %masked_sort3A_559 = tpu.sort %max3A_550, %select_n3A_551 masked %masked_sort3A_556 : (vector<16xf32>, vector<16xi32>, vector<16xi1>) -> (vector<16xi1>, vector<16xf32>, vector<16xi32>)
        %rev3A_560 = arith.constant 15 : i32
        %rev3A_561 = vector.broadcast %rev3A_560 : i32 to vector<16xi32>
        %rev3A_562 = tpu.iota {dimensions = array<i32: 0>} : vector<16xi32>
        %rev3A_563 = arith.subi %rev3A_561, %rev3A_562 : vector<16xi32>
        %rev3A_564 = tpu.dynamic_gather %masked_sort3A_519[%rev3A_563] in [0] : vector<16xf32>, vector<16xi32> -> vector<16xf32>
        %rev3A_565 = arith.constant 15 : i32
        %rev3A_566 = vector.broadcast %rev3A_565 : i32 to vector<16xi32>
        %rev3A_567 = tpu.iota {dimensions = array<i32: 0>} : vector<16xi32>
        %rev3A_568 = arith.subi %rev3A_566, %rev3A_567 : vector<16xi32>
        %rev3A_569 = tpu.dynamic_gather %masked_sort3A_520[%rev3A_568] in [0] : vector<16xi32>, vector<16xi32> -> vector<16xi32>
        %rev3A_570 = arith.constant 15 : i32
        %rev3A_571 = vector.broadcast %rev3A_570 : i32 to vector<16xi32>
        %rev3A_572 = tpu.iota {dimensions = array<i32: 0>} : vector<16xi32>
        %rev3A_573 = arith.subi %rev3A_571, %rev3A_572 : vector<16xi32>
        %rev3A_574 = tpu.dynamic_gather %masked_sort3A_515[%rev3A_573] in [0] : vector<16xf32>, vector<16xi32> -> vector<16xf32>
        %rev3A_575 = arith.constant 15 : i32
        %rev3A_576 = vector.broadcast %rev3A_575 : i32 to vector<16xi32>
        %rev3A_577 = tpu.iota {dimensions = array<i32: 0>} : vector<16xi32>
        %rev3A_578 = arith.subi %rev3A_576, %rev3A_577 : vector<16xi32>
        %rev3A_579 = tpu.dynamic_gather %masked_sort3A_516[%rev3A_578] in [0] : vector<16xi32>, vector<16xi32> -> vector<16xi32>
        %le3A_580 = arith.cmpf ole, %masked_sort3A_476, %rev3A_564 : vector<16xf32>
        %min3A_581 = arith.minimumf %masked_sort3A_476, %rev3A_564 : vector<16xf32>
        %select_n3A_582 = arith.select %le3A_580, %masked_sort3A_477, %rev3A_569 : vector<16xi1>, vector<16xi32>
        %le3A_583 = arith.cmpf ole, %masked_sort3A_480, %rev3A_574 : vector<16xf32>
        %min3A_584 = arith.minimumf %masked_sort3A_480, %rev3A_574 : vector<16xf32>
        %select_n3A_585 = arith.select %le3A_583, %masked_sort3A_481, %rev3A_579 : vector<16xi1>, vector<16xi32>
        %le3A_586 = arith.cmpf ole, %min3A_581, %min3A_584 : vector<16xf32>
        %min3A_587 = arith.minimumf %min3A_581, %min3A_584 : vector<16xf32>
        %select_n3A_588 = arith.select %le3A_586, %select_n3A_582, %select_n3A_585 : vector<16xi1>, vector<16xi32>
        %max3A_589 = arith.maximumf %min3A_581, %min3A_584 : vector<16xf32>
        %select_n3A_590 = arith.select %le3A_586, %select_n3A_585, %select_n3A_582 : vector<16xi1>, vector<16xi32>
        %masked_sort3A_591 = arith.constant dense<true> : vector<16xi1>
        %masked_sort3A_592, %masked_sort3A_593, %masked_sort3A_594 = tpu.sort %min3A_587, %select_n3A_588 masked %masked_sort3A_591 : (vector<16xf32>, vector<16xi32>, vector<16xi1>) -> (vector<16xi1>, vector<16xf32>, vector<16xi32>)
        %masked_sort3A_595 = arith.constant dense<true> : vector<16xi1>
        %masked_sort3A_596, %masked_sort3A_597, %masked_sort3A_598 = tpu.sort %max3A_589, %select_n3A_590 masked %masked_sort3A_595 : (vector<16xf32>, vector<16xi32>, vector<16xi1>) -> (vector<16xi1>, vector<16xf32>, vector<16xi32>)
        %rev3A_599 = arith.constant 15 : i32
        %rev3A_600 = vector.broadcast %rev3A_599 : i32 to vector<16xi32>
        %rev3A_601 = tpu.iota {dimensions = array<i32: 0>} : vector<16xi32>
        %rev3A_602 = arith.subi %rev3A_600, %rev3A_601 : vector<16xi32>
        %rev3A_603 = tpu.dynamic_gather %masked_sort3A_597[%rev3A_602] in [0] : vector<16xf32>, vector<16xi32> -> vector<16xf32>
        %rev3A_604 = arith.constant 15 : i32
        %rev3A_605 = vector.broadcast %rev3A_604 : i32 to vector<16xi32>
        %rev3A_606 = tpu.iota {dimensions = array<i32: 0>} : vector<16xi32>
        %rev3A_607 = arith.subi %rev3A_605, %rev3A_606 : vector<16xi32>
        %rev3A_608 = tpu.dynamic_gather %masked_sort3A_598[%rev3A_607] in [0] : vector<16xi32>, vector<16xi32> -> vector<16xi32>
        %rev3A_609 = arith.constant 15 : i32
        %rev3A_610 = vector.broadcast %rev3A_609 : i32 to vector<16xi32>
        %rev3A_611 = tpu.iota {dimensions = array<i32: 0>} : vector<16xi32>
        %rev3A_612 = arith.subi %rev3A_610, %rev3A_611 : vector<16xi32>
        %rev3A_613 = tpu.dynamic_gather %masked_sort3A_593[%rev3A_612] in [0] : vector<16xf32>, vector<16xi32> -> vector<16xf32>
        %rev3A_614 = arith.constant 15 : i32
        %rev3A_615 = vector.broadcast %rev3A_614 : i32 to vector<16xi32>
        %rev3A_616 = tpu.iota {dimensions = array<i32: 0>} : vector<16xi32>
        %rev3A_617 = arith.subi %rev3A_615, %rev3A_616 : vector<16xi32>
        %rev3A_618 = tpu.dynamic_gather %masked_sort3A_594[%rev3A_617] in [0] : vector<16xi32>, vector<16xi32> -> vector<16xi32>
        %le3A_619 = arith.cmpf ole, %masked_sort3A_554, %rev3A_603 : vector<16xf32>
        %min3A_620 = arith.minimumf %masked_sort3A_554, %rev3A_603 : vector<16xf32>
        %select_n3A_621 = arith.select %le3A_619, %masked_sort3A_555, %rev3A_608 : vector<16xi1>, vector<16xi32>
        %le3A_622 = arith.cmpf ole, %masked_sort3A_558, %rev3A_613 : vector<16xf32>
        %min3A_623 = arith.minimumf %masked_sort3A_558, %rev3A_613 : vector<16xf32>
        %select_n3A_624 = arith.select %le3A_622, %masked_sort3A_559, %rev3A_618 : vector<16xi1>, vector<16xi32>
        %le3A_625 = arith.cmpf ole, %min3A_620, %min3A_623 : vector<16xf32>
        %min3A_626 = arith.minimumf %min3A_620, %min3A_623 : vector<16xf32>
        %select_n3A_627 = arith.select %le3A_625, %select_n3A_621, %select_n3A_624 : vector<16xi1>, vector<16xi32>
        %max3A_628 = arith.maximumf %min3A_620, %min3A_623 : vector<16xf32>
        %select_n3A_629 = arith.select %le3A_625, %select_n3A_624, %select_n3A_621 : vector<16xi1>, vector<16xi32>
        %masked_sort3A_630 = arith.constant dense<true> : vector<16xi1>
        %masked_sort3A_631, %masked_sort3A_632, %masked_sort3A_633 = tpu.sort %min3A_626, %select_n3A_627 masked %masked_sort3A_630 : (vector<16xf32>, vector<16xi32>, vector<16xi1>) -> (vector<16xi1>, vector<16xf32>, vector<16xi32>)
        %masked_sort3A_634 = arith.constant dense<true> : vector<16xi1>
        %masked_sort3A_635, %masked_sort3A_636, %masked_sort3A_637 = tpu.sort %max3A_628, %select_n3A_629 masked %masked_sort3A_634 : (vector<16xf32>, vector<16xi32>, vector<16xi1>) -> (vector<16xi1>, vector<16xf32>, vector<16xi32>)
        %swap3A = arith.constant 0 : index
        %swap3A_638 = tpu.vector_load %arg5[%swap3A] {strides = array<i32>} : memref<32xi32, #tpu.memory_space<vmem>>, vector<16xi32>,
        tpu.vector_store %arg5[%swap3A], %masked_sort3A_633 {strides = array<i32>} : memref<32xi32, #tpu.memory_space<vmem>>, vector<16xi32>,
        %swap3A_639 = arith.constant 16 : index
        %swap3A_640 = tpu.vector_load %arg5[%swap3A_639] {strides = array<i32>} : memref<32xi32, #tpu.memory_space<vmem>>, vector<16xi32>,
        tpu.vector_store %arg5[%swap3A_639], %masked_sort3A_637 {strides = array<i32>} : memref<32xi32, #tpu.memory_space<vmem>>, vector<16xi32>,
        %gather3A = tpu.vector_load_idx %arg5[%mul3A_53] : memref<32xi32, #tpu.memory_space<vmem>>[vector<16xi32>], vector<16xi32>,
        %shift_right_arithmetic3A = arith.constant 8 : i32
        %shift_right_arithmetic3A_641 = arith.shrsi %add3A_75, %shift_right_arithmetic3A : i32
        %shift_left3A = arith.constant 8 : i32
        %shift_left3A_642 = arith.shli %shift_right_arithmetic3A_641, %shift_left3A : i32
        %add3A_643 = vector.broadcast %shift_left3A_642 : i32 to vector<16xi32>
        %add3A_644 = arith.addi %gather3A, %add3A_643 : vector<16xi32>
        %broadcast_in_dim3A = arith.constant 0 : i32
        %broadcast_in_dim3A_645 = vector.broadcast %broadcast_in_dim3A : i32 to vector<16xi32>
        %add3A_646 = vector.broadcast %add3A_75 : i32 to vector<16xi32>
        %add3A_647 = arith.addi %broadcast_in_dim3A_645, %add3A_646 : vector<16xi32>
        %mul3A_648 = arith.constant 9 : i32
        %mul3A_649 = arith.muli %add3A_74, %mul3A_648 : i32
        %swap3A_650 = arith.index_cast %mul3A_649 : i32 to index
        %swap3A_651 = tpu.vector_load %arg7[%swap3A_650] {strides = array<i32>} : memref<3472xi32, #tpu.memory_space<vmem>>, vector<16xi32>,
        tpu.vector_store %arg7[%swap3A_650], %add3A_644 {strides = array<i32>} : memref<3472xi32, #tpu.memory_space<vmem>>, vector<16xi32>,
        %swap3A_652 = arith.index_cast %mul3A_649 : i32 to index
        %swap3A_653 = tpu.vector_load %arg8[%swap3A_652] {strides = array<i32>} : memref<3472xi32, #tpu.memory_space<vmem>>, vector<16xi32>,
        tpu.vector_store %arg8[%swap3A_652], %add3A_647 {strides = array<i32>} : memref<3472xi32, #tpu.memory_space<vmem>>, vector<16xi32>,
        %mul3A_654 = arith.constant 2 : i32
        %mul3A_655 = arith.muli %scan3A_69, %mul3A_654 : i32
        %add3A_656 = arith.constant 1 : i32
        %add3A_657 = arith.addi %mul3A_655, %add3A_656 : i32
        %mul3A_658 = arith.constant 128 : i32
        %mul3A_659 = arith.muli %scan3A_60, %mul3A_658 : i32
        %add3A_660 = arith.addi %mul3A_659, %add3A_657 : i32
        %add3A_661 = arith.addi %mul3A_2, %add3A_660 : i32
        %get3A_662 = arith.index_cast %add3A_657 : i32 to index
        %get3A_663 = arith.constant 0 : index
        %get3A_664 = tpu.vector_load %arg4[%get3A_662, %get3A_663] {strides = array<i32>} : memref<128x256xf32, #tpu.memory_space<vmem>>, vector<16xf32>,
        %masked_sort3A_665 = arith.constant dense<true> : vector<16xi1>
        %masked_sort3A_666, %masked_sort3A_667, %masked_sort3A_668 = tpu.sort %get3A_664, %add3A_5 masked %masked_sort3A_665 : (vector<16xf32>, vector<16xi32>, vector<16xi1>) -> (vector<16xi1>, vector<16xf32>, vector<16xi32>)
        %get3A_669 = arith.index_cast %add3A_657 : i32 to index
        %get3A_670 = arith.constant 16 : index
        %get3A_671 = tpu.vector_load %arg4[%get3A_669, %get3A_670] {strides = array<i32>} : memref<128x256xf32, #tpu.memory_space<vmem>>, vector<16xf32>,
        %masked_sort3A_672 = arith.constant dense<true> : vector<16xi1>
        %masked_sort3A_673, %masked_sort3A_674, %masked_sort3A_675 = tpu.sort %get3A_671, %add3A_8 masked %masked_sort3A_672 : (vector<16xf32>, vector<16xi32>, vector<16xi1>) -> (vector<16xi1>, vector<16xf32>, vector<16xi32>)
        %get3A_676 = arith.index_cast %add3A_657 : i32 to index
        %get3A_677 = arith.constant 32 : index
        %get3A_678 = tpu.vector_load %arg4[%get3A_676, %get3A_677] {strides = array<i32>} : memref<128x256xf32, #tpu.memory_space<vmem>>, vector<16xf32>,
        %masked_sort3A_679 = arith.constant dense<true> : vector<16xi1>
        %masked_sort3A_680, %masked_sort3A_681, %masked_sort3A_682 = tpu.sort %get3A_678, %add3A_11 masked %masked_sort3A_679 : (vector<16xf32>, vector<16xi32>, vector<16xi1>) -> (vector<16xi1>, vector<16xf32>, vector<16xi32>)
        %get3A_683 = arith.index_cast %add3A_657 : i32 to index
        %get3A_684 = arith.constant 48 : index
        %get3A_685 = tpu.vector_load %arg4[%get3A_683, %get3A_684] {strides = array<i32>} : memref<128x256xf32, #tpu.memory_space<vmem>>, vector<16xf32>,
        %masked_sort3A_686 = arith.constant dense<true> : vector<16xi1>
        %masked_sort3A_687, %masked_sort3A_688, %masked_sort3A_689 = tpu.sort %get3A_685, %add3A_14 masked %masked_sort3A_686 : (vector<16xf32>, vector<16xi32>, vector<16xi1>) -> (vector<16xi1>, vector<16xf32>, vector<16xi32>)
        %get3A_690 = arith.index_cast %add3A_657 : i32 to index
        %get3A_691 = arith.constant 64 : index
        %get3A_692 = tpu.vector_load %arg4[%get3A_690, %get3A_691] {strides = array<i32>} : memref<128x256xf32, #tpu.memory_space<vmem>>, vector<16xf32>,
        %masked_sort3A_693 = arith.constant dense<true> : vector<16xi1>
        %masked_sort3A_694, %masked_sort3A_695, %masked_sort3A_696 = tpu.sort %get3A_692, %add3A_17 masked %masked_sort3A_693 : (vector<16xf32>, vector<16xi32>, vector<16xi1>) -> (vector<16xi1>, vector<16xf32>, vector<16xi32>)
        %get3A_697 = arith.index_cast %add3A_657 : i32 to index
        %get3A_698 = arith.constant 80 : index
        %get3A_699 = tpu.vector_load %arg4[%get3A_697, %get3A_698] {strides = array<i32>} : memref<128x256xf32, #tpu.memory_space<vmem>>, vector<16xf32>,
        %masked_sort3A_700 = arith.constant dense<true> : vector<16xi1>
        %masked_sort3A_701, %masked_sort3A_702, %masked_sort3A_703 = tpu.sort %get3A_699, %add3A_20 masked %masked_sort3A_700 : (vector<16xf32>, vector<16xi32>, vector<16xi1>) -> (vector<16xi1>, vector<16xf32>, vector<16xi32>)
        %get3A_704 = arith.index_cast %add3A_657 : i32 to index
        %get3A_705 = arith.constant 96 : index
        %get3A_706 = tpu.vector_load %arg4[%get3A_704, %get3A_705] {strides = array<i32>} : memref<128x256xf32, #tpu.memory_space<vmem>>, vector<16xf32>,
        %masked_sort3A_707 = arith.constant dense<true> : vector<16xi1>
        %masked_sort3A_708, %masked_sort3A_709, %masked_sort3A_710 = tpu.sort %get3A_706, %add3A_23 masked %masked_sort3A_707 : (vector<16xf32>, vector<16xi32>, vector<16xi1>) -> (vector<16xi1>, vector<16xf32>, vector<16xi32>)
        %get3A_711 = arith.index_cast %add3A_657 : i32 to index
        %get3A_712 = arith.constant 112 : index
        %get3A_713 = tpu.vector_load %arg4[%get3A_711, %get3A_712] {strides = array<i32>} : memref<128x256xf32, #tpu.memory_space<vmem>>, vector<16xf32>,
        %masked_sort3A_714 = arith.constant dense<true> : vector<16xi1>
        %masked_sort3A_715, %masked_sort3A_716, %masked_sort3A_717 = tpu.sort %get3A_713, %add3A_26 masked %masked_sort3A_714 : (vector<16xf32>, vector<16xi32>, vector<16xi1>) -> (vector<16xi1>, vector<16xf32>, vector<16xi32>)
        %get3A_718 = arith.index_cast %add3A_657 : i32 to index
        %get3A_719 = arith.constant 128 : index
        %get3A_720 = tpu.vector_load %arg4[%get3A_718, %get3A_719] {strides = array<i32>} : memref<128x256xf32, #tpu.memory_space<vmem>>, vector<16xf32>,
        %masked_sort3A_721 = arith.constant dense<true> : vector<16xi1>
        %masked_sort3A_722, %masked_sort3A_723, %masked_sort3A_724 = tpu.sort %get3A_720, %add3A_29 masked %masked_sort3A_721 : (vector<16xf32>, vector<16xi32>, vector<16xi1>) -> (vector<16xi1>, vector<16xf32>, vector<16xi32>)
        %get3A_725 = arith.index_cast %add3A_657 : i32 to index
        %get3A_726 = arith.constant 144 : index
        %get3A_727 = tpu.vector_load %arg4[%get3A_725, %get3A_726] {strides = array<i32>} : memref<128x256xf32, #tpu.memory_space<vmem>>, vector<16xf32>,
        %masked_sort3A_728 = arith.constant dense<true> : vector<16xi1>
        %masked_sort3A_729, %masked_sort3A_730, %masked_sort3A_731 = tpu.sort %get3A_727, %add3A_32 masked %masked_sort3A_728 : (vector<16xf32>, vector<16xi32>, vector<16xi1>) -> (vector<16xi1>, vector<16xf32>, vector<16xi32>)
        %get3A_732 = arith.index_cast %add3A_657 : i32 to index
        %get3A_733 = arith.constant 160 : index
        %get3A_734 = tpu.vector_load %arg4[%get3A_732, %get3A_733] {strides = array<i32>} : memref<128x256xf32, #tpu.memory_space<vmem>>, vector<16xf32>,
        %masked_sort3A_735 = arith.constant dense<true> : vector<16xi1>
        %masked_sort3A_736, %masked_sort3A_737, %masked_sort3A_738 = tpu.sort %get3A_734, %add3A_35 masked %masked_sort3A_735 : (vector<16xf32>, vector<16xi32>, vector<16xi1>) -> (vector<16xi1>, vector<16xf32>, vector<16xi32>)
        %get3A_739 = arith.index_cast %add3A_657 : i32 to index
        %get3A_740 = arith.constant 176 : index
        %get3A_741 = tpu.vector_load %arg4[%get3A_739, %get3A_740] {strides = array<i32>} : memref<128x256xf32, #tpu.memory_space<vmem>>, vector<16xf32>,
        %masked_sort3A_742 = arith.constant dense<true> : vector<16xi1>
        %masked_sort3A_743, %masked_sort3A_744, %masked_sort3A_745 = tpu.sort %get3A_741, %add3A_38 masked %masked_sort3A_742 : (vector<16xf32>, vector<16xi32>, vector<16xi1>) -> (vector<16xi1>, vector<16xf32>, vector<16xi32>)
        %get3A_746 = arith.index_cast %add3A_657 : i32 to index
        %get3A_747 = arith.constant 192 : index
        %get3A_748 = tpu.vector_load %arg4[%get3A_746, %get3A_747] {strides = array<i32>} : memref<128x256xf32, #tpu.memory_space<vmem>>, vector<16xf32>,
        %masked_sort3A_749 = arith.constant dense<true> : vector<16xi1>
        %masked_sort3A_750, %masked_sort3A_751, %masked_sort3A_752 = tpu.sort %get3A_748, %add3A_41 masked %masked_sort3A_749 : (vector<16xf32>, vector<16xi32>, vector<16xi1>) -> (vector<16xi1>, vector<16xf32>, vector<16xi32>)
        %get3A_753 = arith.index_cast %add3A_657 : i32 to index
        %get3A_754 = arith.constant 208 : index
        %get3A_755 = tpu.vector_load %arg4[%get3A_753, %get3A_754] {strides = array<i32>} : memref<128x256xf32, #tpu.memory_space<vmem>>, vector<16xf32>,
        %masked_sort3A_756 = arith.constant dense<true> : vector<16xi1>
        %masked_sort3A_757, %masked_sort3A_758, %masked_sort3A_759 = tpu.sort %get3A_755, %add3A_44 masked %masked_sort3A_756 : (vector<16xf32>, vector<16xi32>, vector<16xi1>) -> (vector<16xi1>, vector<16xf32>, vector<16xi32>)
        %get3A_760 = arith.index_cast %add3A_657 : i32 to index
        %get3A_761 = arith.constant 224 : index
        %get3A_762 = tpu.vector_load %arg4[%get3A_760, %get3A_761] {strides = array<i32>} : memref<128x256xf32, #tpu.memory_space<vmem>>, vector<16xf32>,
        %masked_sort3A_763 = arith.constant dense<true> : vector<16xi1>
        %masked_sort3A_764, %masked_sort3A_765, %masked_sort3A_766 = tpu.sort %get3A_762, %add3A_47 masked %masked_sort3A_763 : (vector<16xf32>, vector<16xi32>, vector<16xi1>) -> (vector<16xi1>, vector<16xf32>, vector<16xi32>)
        %get3A_767 = arith.index_cast %add3A_657 : i32 to index
        %get3A_768 = arith.constant 240 : index
        %get3A_769 = tpu.vector_load %arg4[%get3A_767, %get3A_768] {strides = array<i32>} : memref<128x256xf32, #tpu.memory_space<vmem>>, vector<16xf32>,
        %masked_sort3A_770 = arith.constant dense<true> : vector<16xi1>
        %masked_sort3A_771, %masked_sort3A_772, %masked_sort3A_773 = tpu.sort %get3A_769, %add3A_50 masked %masked_sort3A_770 : (vector<16xf32>, vector<16xi32>, vector<16xi1>) -> (vector<16xi1>, vector<16xf32>, vector<16xi32>)
        %rev3A_774 = arith.constant 15 : i32
        %rev3A_775 = vector.broadcast %rev3A_774 : i32 to vector<16xi32>
        %rev3A_776 = tpu.iota {dimensions = array<i32: 0>} : vector<16xi32>
        %rev3A_777 = arith.subi %rev3A_775, %rev3A_776 : vector<16xi32>
        %rev3A_778 = tpu.dynamic_gather %masked_sort3A_674[%rev3A_777] in [0] : vector<16xf32>, vector<16xi32> -> vector<16xf32>
        %rev3A_779 = arith.constant 15 : i32
        %rev3A_780 = vector.broadcast %rev3A_779 : i32 to vector<16xi32>
        %rev3A_781 = tpu.iota {dimensions = array<i32: 0>} : vector<16xi32>
        %rev3A_782 = arith.subi %rev3A_780, %rev3A_781 : vector<16xi32>
        %rev3A_783 = tpu.dynamic_gather %masked_sort3A_675[%rev3A_782] in [0] : vector<16xi32>, vector<16xi32> -> vector<16xi32>
        %le3A_784 = arith.cmpf ole, %masked_sort3A_667, %rev3A_778 : vector<16xf32>
        %min3A_785 = arith.minimumf %masked_sort3A_667, %rev3A_778 : vector<16xf32>
        %select_n3A_786 = arith.select %le3A_784, %masked_sort3A_668, %rev3A_783 : vector<16xi1>, vector<16xi32>
        %max3A_787 = arith.maximumf %masked_sort3A_667, %rev3A_778 : vector<16xf32>
        %select_n3A_788 = arith.select %le3A_784, %rev3A_783, %masked_sort3A_668 : vector<16xi1>, vector<16xi32>
        %masked_sort3A_789 = arith.constant dense<true> : vector<16xi1>
        %masked_sort3A_790, %masked_sort3A_791, %masked_sort3A_792 = tpu.sort %min3A_785, %select_n3A_786 masked %masked_sort3A_789 : (vector<16xf32>, vector<16xi32>, vector<16xi1>) -> (vector<16xi1>, vector<16xf32>, vector<16xi32>)
        %masked_sort3A_793 = arith.constant dense<true> : vector<16xi1>
        %masked_sort3A_794, %masked_sort3A_795, %masked_sort3A_796 = tpu.sort %max3A_787, %select_n3A_788 masked %masked_sort3A_793 : (vector<16xf32>, vector<16xi32>, vector<16xi1>) -> (vector<16xi1>, vector<16xf32>, vector<16xi32>)
        %rev3A_797 = arith.constant 15 : i32
        %rev3A_798 = vector.broadcast %rev3A_797 : i32 to vector<16xi32>
        %rev3A_799 = tpu.iota {dimensions = array<i32: 0>} : vector<16xi32>
        %rev3A_800 = arith.subi %rev3A_798, %rev3A_799 : vector<16xi32>
        %rev3A_801 = tpu.dynamic_gather %masked_sort3A_688[%rev3A_800] in [0] : vector<16xf32>, vector<16xi32> -> vector<16xf32>
        %rev3A_802 = arith.constant 15 : i32
        %rev3A_803 = vector.broadcast %rev3A_802 : i32 to vector<16xi32>
        %rev3A_804 = tpu.iota {dimensions = array<i32: 0>} : vector<16xi32>
        %rev3A_805 = arith.subi %rev3A_803, %rev3A_804 : vector<16xi32>
        %rev3A_806 = tpu.dynamic_gather %masked_sort3A_689[%rev3A_805] in [0] : vector<16xi32>, vector<16xi32> -> vector<16xi32>
        %le3A_807 = arith.cmpf ole, %masked_sort3A_681, %rev3A_801 : vector<16xf32>
        %min3A_808 = arith.minimumf %masked_sort3A_681, %rev3A_801 : vector<16xf32>
        %select_n3A_809 = arith.select %le3A_807, %masked_sort3A_682, %rev3A_806 : vector<16xi1>, vector<16xi32>
        %max3A_810 = arith.maximumf %masked_sort3A_681, %rev3A_801 : vector<16xf32>
        %select_n3A_811 = arith.select %le3A_807, %rev3A_806, %masked_sort3A_682 : vector<16xi1>, vector<16xi32>
        %masked_sort3A_812 = arith.constant dense<true> : vector<16xi1>
        %masked_sort3A_813, %masked_sort3A_814, %masked_sort3A_815 = tpu.sort %min3A_808, %select_n3A_809 masked %masked_sort3A_812 : (vector<16xf32>, vector<16xi32>, vector<16xi1>) -> (vector<16xi1>, vector<16xf32>, vector<16xi32>)
        %masked_sort3A_816 = arith.constant dense<true> : vector<16xi1>
        %masked_sort3A_817, %masked_sort3A_818, %masked_sort3A_819 = tpu.sort %max3A_810, %select_n3A_811 masked %masked_sort3A_816 : (vector<16xf32>, vector<16xi32>, vector<16xi1>) -> (vector<16xi1>, vector<16xf32>, vector<16xi32>)
        %rev3A_820 = arith.constant 15 : i32
        %rev3A_821 = vector.broadcast %rev3A_820 : i32 to vector<16xi32>
        %rev3A_822 = tpu.iota {dimensions = array<i32: 0>} : vector<16xi32>
        %rev3A_823 = arith.subi %rev3A_821, %rev3A_822 : vector<16xi32>
        %rev3A_824 = tpu.dynamic_gather %masked_sort3A_702[%rev3A_823] in [0] : vector<16xf32>, vector<16xi32> -> vector<16xf32>
        %rev3A_825 = arith.constant 15 : i32
        %rev3A_826 = vector.broadcast %rev3A_825 : i32 to vector<16xi32>
        %rev3A_827 = tpu.iota {dimensions = array<i32: 0>} : vector<16xi32>
        %rev3A_828 = arith.subi %rev3A_826, %rev3A_827 : vector<16xi32>
        %rev3A_829 = tpu.dynamic_gather %masked_sort3A_703[%rev3A_828] in [0] : vector<16xi32>, vector<16xi32> -> vector<16xi32>
        %le3A_830 = arith.cmpf ole, %masked_sort3A_695, %rev3A_824 : vector<16xf32>
        %min3A_831 = arith.minimumf %masked_sort3A_695, %rev3A_824 : vector<16xf32>
        %select_n3A_832 = arith.select %le3A_830, %masked_sort3A_696, %rev3A_829 : vector<16xi1>, vector<16xi32>
        %max3A_833 = arith.maximumf %masked_sort3A_695, %rev3A_824 : vector<16xf32>
        %select_n3A_834 = arith.select %le3A_830, %rev3A_829, %masked_sort3A_696 : vector<16xi1>, vector<16xi32>
        %masked_sort3A_835 = arith.constant dense<true> : vector<16xi1>
        %masked_sort3A_836, %masked_sort3A_837, %masked_sort3A_838 = tpu.sort %min3A_831, %select_n3A_832 masked %masked_sort3A_835 : (vector<16xf32>, vector<16xi32>, vector<16xi1>) -> (vector<16xi1>, vector<16xf32>, vector<16xi32>)
        %masked_sort3A_839 = arith.constant dense<true> : vector<16xi1>
        %masked_sort3A_840, %masked_sort3A_841, %masked_sort3A_842 = tpu.sort %max3A_833, %select_n3A_834 masked %masked_sort3A_839 : (vector<16xf32>, vector<16xi32>, vector<16xi1>) -> (vector<16xi1>, vector<16xf32>, vector<16xi32>)
        %rev3A_843 = arith.constant 15 : i32
        %rev3A_844 = vector.broadcast %rev3A_843 : i32 to vector<16xi32>
        %rev3A_845 = tpu.iota {dimensions = array<i32: 0>} : vector<16xi32>
        %rev3A_846 = arith.subi %rev3A_844, %rev3A_845 : vector<16xi32>
        %rev3A_847 = tpu.dynamic_gather %masked_sort3A_716[%rev3A_846] in [0] : vector<16xf32>, vector<16xi32> -> vector<16xf32>
        %rev3A_848 = arith.constant 15 : i32
        %rev3A_849 = vector.broadcast %rev3A_848 : i32 to vector<16xi32>
        %rev3A_850 = tpu.iota {dimensions = array<i32: 0>} : vector<16xi32>
        %rev3A_851 = arith.subi %rev3A_849, %rev3A_850 : vector<16xi32>
        %rev3A_852 = tpu.dynamic_gather %masked_sort3A_717[%rev3A_851] in [0] : vector<16xi32>, vector<16xi32> -> vector<16xi32>
        %le3A_853 = arith.cmpf ole, %masked_sort3A_709, %rev3A_847 : vector<16xf32>
        %min3A_854 = arith.minimumf %masked_sort3A_709, %rev3A_847 : vector<16xf32>
        %select_n3A_855 = arith.select %le3A_853, %masked_sort3A_710, %rev3A_852 : vector<16xi1>, vector<16xi32>
        %max3A_856 = arith.maximumf %masked_sort3A_709, %rev3A_847 : vector<16xf32>
        %select_n3A_857 = arith.select %le3A_853, %rev3A_852, %masked_sort3A_710 : vector<16xi1>, vector<16xi32>
        %masked_sort3A_858 = arith.constant dense<true> : vector<16xi1>
        %masked_sort3A_859, %masked_sort3A_860, %masked_sort3A_861 = tpu.sort %min3A_854, %select_n3A_855 masked %masked_sort3A_858 : (vector<16xf32>, vector<16xi32>, vector<16xi1>) -> (vector<16xi1>, vector<16xf32>, vector<16xi32>)
        %masked_sort3A_862 = arith.constant dense<true> : vector<16xi1>
        %masked_sort3A_863, %masked_sort3A_864, %masked_sort3A_865 = tpu.sort %max3A_856, %select_n3A_857 masked %masked_sort3A_862 : (vector<16xf32>, vector<16xi32>, vector<16xi1>) -> (vector<16xi1>, vector<16xf32>, vector<16xi32>)
        %rev3A_866 = arith.constant 15 : i32
        %rev3A_867 = vector.broadcast %rev3A_866 : i32 to vector<16xi32>
        %rev3A_868 = tpu.iota {dimensions = array<i32: 0>} : vector<16xi32>
        %rev3A_869 = arith.subi %rev3A_867, %rev3A_868 : vector<16xi32>
        %rev3A_870 = tpu.dynamic_gather %masked_sort3A_730[%rev3A_869] in [0] : vector<16xf32>, vector<16xi32> -> vector<16xf32>
        %rev3A_871 = arith.constant 15 : i32
        %rev3A_872 = vector.broadcast %rev3A_871 : i32 to vector<16xi32>
        %rev3A_873 = tpu.iota {dimensions = array<i32: 0>} : vector<16xi32>
        %rev3A_874 = arith.subi %rev3A_872, %rev3A_873 : vector<16xi32>
        %rev3A_875 = tpu.dynamic_gather %masked_sort3A_731[%rev3A_874] in [0] : vector<16xi32>, vector<16xi32> -> vector<16xi32>
        %le3A_876 = arith.cmpf ole, %masked_sort3A_723, %rev3A_870 : vector<16xf32>
        %min3A_877 = arith.minimumf %masked_sort3A_723, %rev3A_870 : vector<16xf32>
        %select_n3A_878 = arith.select %le3A_876, %masked_sort3A_724, %rev3A_875 : vector<16xi1>, vector<16xi32>
        %max3A_879 = arith.maximumf %masked_sort3A_723, %rev3A_870 : vector<16xf32>
        %select_n3A_880 = arith.select %le3A_876, %rev3A_875, %masked_sort3A_724 : vector<16xi1>, vector<16xi32>
        %masked_sort3A_881 = arith.constant dense<true> : vector<16xi1>
        %masked_sort3A_882, %masked_sort3A_883, %masked_sort3A_884 = tpu.sort %min3A_877, %select_n3A_878 masked %masked_sort3A_881 : (vector<16xf32>, vector<16xi32>, vector<16xi1>) -> (vector<16xi1>, vector<16xf32>, vector<16xi32>)
        %masked_sort3A_885 = arith.constant dense<true> : vector<16xi1>
        %masked_sort3A_886, %masked_sort3A_887, %masked_sort3A_888 = tpu.sort %max3A_879, %select_n3A_880 masked %masked_sort3A_885 : (vector<16xf32>, vector<16xi32>, vector<16xi1>) -> (vector<16xi1>, vector<16xf32>, vector<16xi32>)
        %rev3A_889 = arith.constant 15 : i32
        %rev3A_890 = vector.broadcast %rev3A_889 : i32 to vector<16xi32>
        %rev3A_891 = tpu.iota {dimensions = array<i32: 0>} : vector<16xi32>
        %rev3A_892 = arith.subi %rev3A_890, %rev3A_891 : vector<16xi32>
        %rev3A_893 = tpu.dynamic_gather %masked_sort3A_744[%rev3A_892] in [0] : vector<16xf32>, vector<16xi32> -> vector<16xf32>
        %rev3A_894 = arith.constant 15 : i32
        %rev3A_895 = vector.broadcast %rev3A_894 : i32 to vector<16xi32>
        %rev3A_896 = tpu.iota {dimensions = array<i32: 0>} : vector<16xi32>
        %rev3A_897 = arith.subi %rev3A_895, %rev3A_896 : vector<16xi32>
        %rev3A_898 = tpu.dynamic_gather %masked_sort3A_745[%rev3A_897] in [0] : vector<16xi32>, vector<16xi32> -> vector<16xi32>
        %le3A_899 = arith.cmpf ole, %masked_sort3A_737, %rev3A_893 : vector<16xf32>
        %min3A_900 = arith.minimumf %masked_sort3A_737, %rev3A_893 : vector<16xf32>
        %select_n3A_901 = arith.select %le3A_899, %masked_sort3A_738, %rev3A_898 : vector<16xi1>, vector<16xi32>
        %max3A_902 = arith.maximumf %masked_sort3A_737, %rev3A_893 : vector<16xf32>
        %select_n3A_903 = arith.select %le3A_899, %rev3A_898, %masked_sort3A_738 : vector<16xi1>, vector<16xi32>
        %masked_sort3A_904 = arith.constant dense<true> : vector<16xi1>
        %masked_sort3A_905, %masked_sort3A_906, %masked_sort3A_907 = tpu.sort %min3A_900, %select_n3A_901 masked %masked_sort3A_904 : (vector<16xf32>, vector<16xi32>, vector<16xi1>) -> (vector<16xi1>, vector<16xf32>, vector<16xi32>)
        %masked_sort3A_908 = arith.constant dense<true> : vector<16xi1>
        %masked_sort3A_909, %masked_sort3A_910, %masked_sort3A_911 = tpu.sort %max3A_902, %select_n3A_903 masked %masked_sort3A_908 : (vector<16xf32>, vector<16xi32>, vector<16xi1>) -> (vector<16xi1>, vector<16xf32>, vector<16xi32>)
        %rev3A_912 = arith.constant 15 : i32
        %rev3A_913 = vector.broadcast %rev3A_912 : i32 to vector<16xi32>
        %rev3A_914 = tpu.iota {dimensions = array<i32: 0>} : vector<16xi32>
        %rev3A_915 = arith.subi %rev3A_913, %rev3A_914 : vector<16xi32>
        %rev3A_916 = tpu.dynamic_gather %masked_sort3A_758[%rev3A_915] in [0] : vector<16xf32>, vector<16xi32> -> vector<16xf32>
        %rev3A_917 = arith.constant 15 : i32
        %rev3A_918 = vector.broadcast %rev3A_917 : i32 to vector<16xi32>
        %rev3A_919 = tpu.iota {dimensions = array<i32: 0>} : vector<16xi32>
        %rev3A_920 = arith.subi %rev3A_918, %rev3A_919 : vector<16xi32>
        %rev3A_921 = tpu.dynamic_gather %masked_sort3A_759[%rev3A_920] in [0] : vector<16xi32>, vector<16xi32> -> vector<16xi32>
        %le3A_922 = arith.cmpf ole, %masked_sort3A_751, %rev3A_916 : vector<16xf32>
        %min3A_923 = arith.minimumf %masked_sort3A_751, %rev3A_916 : vector<16xf32>
        %select_n3A_924 = arith.select %le3A_922, %masked_sort3A_752, %rev3A_921 : vector<16xi1>, vector<16xi32>
        %max3A_925 = arith.maximumf %masked_sort3A_751, %rev3A_916 : vector<16xf32>
        %select_n3A_926 = arith.select %le3A_922, %rev3A_921, %masked_sort3A_752 : vector<16xi1>, vector<16xi32>
        %masked_sort3A_927 = arith.constant dense<true> : vector<16xi1>
        %masked_sort3A_928, %masked_sort3A_929, %masked_sort3A_930 = tpu.sort %min3A_923, %select_n3A_924 masked %masked_sort3A_927 : (vector<16xf32>, vector<16xi32>, vector<16xi1>) -> (vector<16xi1>, vector<16xf32>, vector<16xi32>)
        %masked_sort3A_931 = arith.constant dense<true> : vector<16xi1>
        %masked_sort3A_932, %masked_sort3A_933, %masked_sort3A_934 = tpu.sort %max3A_925, %select_n3A_926 masked %masked_sort3A_931 : (vector<16xf32>, vector<16xi32>, vector<16xi1>) -> (vector<16xi1>, vector<16xf32>, vector<16xi32>)
        %rev3A_935 = arith.constant 15 : i32
        %rev3A_936 = vector.broadcast %rev3A_935 : i32 to vector<16xi32>
        %rev3A_937 = tpu.iota {dimensions = array<i32: 0>} : vector<16xi32>
        %rev3A_938 = arith.subi %rev3A_936, %rev3A_937 : vector<16xi32>
        %rev3A_939 = tpu.dynamic_gather %masked_sort3A_772[%rev3A_938] in [0] : vector<16xf32>, vector<16xi32> -> vector<16xf32>
        %rev3A_940 = arith.constant 15 : i32
        %rev3A_941 = vector.broadcast %rev3A_940 : i32 to vector<16xi32>
        %rev3A_942 = tpu.iota {dimensions = array<i32: 0>} : vector<16xi32>
        %rev3A_943 = arith.subi %rev3A_941, %rev3A_942 : vector<16xi32>
        %rev3A_944 = tpu.dynamic_gather %masked_sort3A_773[%rev3A_943] in [0] : vector<16xi32>, vector<16xi32> -> vector<16xi32>
        %le3A_945 = arith.cmpf ole, %masked_sort3A_765, %rev3A_939 : vector<16xf32>
        %min3A_946 = arith.minimumf %masked_sort3A_765, %rev3A_939 : vector<16xf32>
        %select_n3A_947 = arith.select %le3A_945, %masked_sort3A_766, %rev3A_944 : vector<16xi1>, vector<16xi32>
        %max3A_948 = arith.maximumf %masked_sort3A_765, %rev3A_939 : vector<16xf32>
        %select_n3A_949 = arith.select %le3A_945, %rev3A_944, %masked_sort3A_766 : vector<16xi1>, vector<16xi32>
        %masked_sort3A_950 = arith.constant dense<true> : vector<16xi1>
        %masked_sort3A_951, %masked_sort3A_952, %masked_sort3A_953 = tpu.sort %min3A_946, %select_n3A_947 masked %masked_sort3A_950 : (vector<16xf32>, vector<16xi32>, vector<16xi1>) -> (vector<16xi1>, vector<16xf32>, vector<16xi32>)
        %masked_sort3A_954 = arith.constant dense<true> : vector<16xi1>
        %masked_sort3A_955, %masked_sort3A_956, %masked_sort3A_957 = tpu.sort %max3A_948, %select_n3A_949 masked %masked_sort3A_954 : (vector<16xf32>, vector<16xi32>, vector<16xi1>) -> (vector<16xi1>, vector<16xf32>, vector<16xi32>)
        %rev3A_958 = arith.constant 15 : i32
        %rev3A_959 = vector.broadcast %rev3A_958 : i32 to vector<16xi32>
        %rev3A_960 = tpu.iota {dimensions = array<i32: 0>} : vector<16xi32>
        %rev3A_961 = arith.subi %rev3A_959, %rev3A_960 : vector<16xi32>
        %rev3A_962 = tpu.dynamic_gather %masked_sort3A_818[%rev3A_961] in [0] : vector<16xf32>, vector<16xi32> -> vector<16xf32>
        %rev3A_963 = arith.constant 15 : i32
        %rev3A_964 = vector.broadcast %rev3A_963 : i32 to vector<16xi32>
        %rev3A_965 = tpu.iota {dimensions = array<i32: 0>} : vector<16xi32>
        %rev3A_966 = arith.subi %rev3A_964, %rev3A_965 : vector<16xi32>
        %rev3A_967 = tpu.dynamic_gather %masked_sort3A_819[%rev3A_966] in [0] : vector<16xi32>, vector<16xi32> -> vector<16xi32>
        %rev3A_968 = arith.constant 15 : i32
        %rev3A_969 = vector.broadcast %rev3A_968 : i32 to vector<16xi32>
        %rev3A_970 = tpu.iota {dimensions = array<i32: 0>} : vector<16xi32>
        %rev3A_971 = arith.subi %rev3A_969, %rev3A_970 : vector<16xi32>
        %rev3A_972 = tpu.dynamic_gather %masked_sort3A_814[%rev3A_971] in [0] : vector<16xf32>, vector<16xi32> -> vector<16xf32>
        %rev3A_973 = arith.constant 15 : i32
        %rev3A_974 = vector.broadcast %rev3A_973 : i32 to vector<16xi32>
        %rev3A_975 = tpu.iota {dimensions = array<i32: 0>} : vector<16xi32>
        %rev3A_976 = arith.subi %rev3A_974, %rev3A_975 : vector<16xi32>
        %rev3A_977 = tpu.dynamic_gather %masked_sort3A_815[%rev3A_976] in [0] : vector<16xi32>, vector<16xi32> -> vector<16xi32>
        %le3A_978 = arith.cmpf ole, %masked_sort3A_791, %rev3A_962 : vector<16xf32>
        %min3A_979 = arith.minimumf %masked_sort3A_791, %rev3A_962 : vector<16xf32>
        %select_n3A_980 = arith.select %le3A_978, %masked_sort3A_792, %rev3A_967 : vector<16xi1>, vector<16xi32>
        %le3A_981 = arith.cmpf ole, %masked_sort3A_795, %rev3A_972 : vector<16xf32>
        %min3A_982 = arith.minimumf %masked_sort3A_795, %rev3A_972 : vector<16xf32>
        %select_n3A_983 = arith.select %le3A_981, %masked_sort3A_796, %rev3A_977 : vector<16xi1>, vector<16xi32>
        %le3A_984 = arith.cmpf ole, %min3A_979, %min3A_982 : vector<16xf32>
        %min3A_985 = arith.minimumf %min3A_979, %min3A_982 : vector<16xf32>
        %select_n3A_986 = arith.select %le3A_984, %select_n3A_980, %select_n3A_983 : vector<16xi1>, vector<16xi32>
        %max3A_987 = arith.maximumf %min3A_979, %min3A_982 : vector<16xf32>
        %select_n3A_988 = arith.select %le3A_984, %select_n3A_983, %select_n3A_980 : vector<16xi1>, vector<16xi32>
        %masked_sort3A_989 = arith.constant dense<true> : vector<16xi1>
        %masked_sort3A_990, %masked_sort3A_991, %masked_sort3A_992 = tpu.sort %min3A_985, %select_n3A_986 masked %masked_sort3A_989 : (vector<16xf32>, vector<16xi32>, vector<16xi1>) -> (vector<16xi1>, vector<16xf32>, vector<16xi32>)
        %masked_sort3A_993 = arith.constant dense<true> : vector<16xi1>
        %masked_sort3A_994, %masked_sort3A_995, %masked_sort3A_996 = tpu.sort %max3A_987, %select_n3A_988 masked %masked_sort3A_993 : (vector<16xf32>, vector<16xi32>, vector<16xi1>) -> (vector<16xi1>, vector<16xf32>, vector<16xi32>)
        %rev3A_997 = arith.constant 15 : i32
        %rev3A_998 = vector.broadcast %rev3A_997 : i32 to vector<16xi32>
        %rev3A_999 = tpu.iota {dimensions = array<i32: 0>} : vector<16xi32>
        %rev3A_1000 = arith.subi %rev3A_998, %rev3A_999 : vector<16xi32>
        %rev3A_1001 = tpu.dynamic_gather %masked_sort3A_864[%rev3A_1000] in [0] : vector<16xf32>, vector<16xi32> -> vector<16xf32>
        %rev3A_1002 = arith.constant 15 : i32
        %rev3A_1003 = vector.broadcast %rev3A_1002 : i32 to vector<16xi32>
        %rev3A_1004 = tpu.iota {dimensions = array<i32: 0>} : vector<16xi32>
        %rev3A_1005 = arith.subi %rev3A_1003, %rev3A_1004 : vector<16xi32>
        %rev3A_1006 = tpu.dynamic_gather %masked_sort3A_865[%rev3A_1005] in [0] : vector<16xi32>, vector<16xi32> -> vector<16xi32>
        %rev3A_1007 = arith.constant 15 : i32
        %rev3A_1008 = vector.broadcast %rev3A_1007 : i32 to vector<16xi32>
        %rev3A_1009 = tpu.iota {dimensions = array<i32: 0>} : vector<16xi32>
        %rev3A_1010 = arith.subi %rev3A_1008, %rev3A_1009 : vector<16xi32>
        %rev3A_1011 = tpu.dynamic_gather %masked_sort3A_860[%rev3A_1010] in [0] : vector<16xf32>, vector<16xi32> -> vector<16xf32>
        %rev3A_1012 = arith.constant 15 : i32
        %rev3A_1013 = vector.broadcast %rev3A_1012 : i32 to vector<16xi32>
        %rev3A_1014 = tpu.iota {dimensions = array<i32: 0>} : vector<16xi32>
        %rev3A_1015 = arith.subi %rev3A_1013, %rev3A_1014 : vector<16xi32>
        %rev3A_1016 = tpu.dynamic_gather %masked_sort3A_861[%rev3A_1015] in [0] : vector<16xi32>, vector<16xi32> -> vector<16xi32>
        %le3A_1017 = arith.cmpf ole, %masked_sort3A_837, %rev3A_1001 : vector<16xf32>
        %min3A_1018 = arith.minimumf %masked_sort3A_837, %rev3A_1001 : vector<16xf32>
        %select_n3A_1019 = arith.select %le3A_1017, %masked_sort3A_838, %rev3A_1006 : vector<16xi1>, vector<16xi32>
        %le3A_1020 = arith.cmpf ole, %masked_sort3A_841, %rev3A_1011 : vector<16xf32>
        %min3A_1021 = arith.minimumf %masked_sort3A_841, %rev3A_1011 : vector<16xf32>
        %select_n3A_1022 = arith.select %le3A_1020, %masked_sort3A_842, %rev3A_1016 : vector<16xi1>, vector<16xi32>
        %le3A_1023 = arith.cmpf ole, %min3A_1018, %min3A_1021 : vector<16xf32>
        %min3A_1024 = arith.minimumf %min3A_1018, %min3A_1021 : vector<16xf32>
        %select_n3A_1025 = arith.select %le3A_1023, %select_n3A_1019, %select_n3A_1022 : vector<16xi1>, vector<16xi32>
        %max3A_1026 = arith.maximumf %min3A_1018, %min3A_1021 : vector<16xf32>
        %select_n3A_1027 = arith.select %le3A_1023, %select_n3A_1022, %select_n3A_1019 : vector<16xi1>, vector<16xi32>
        %masked_sort3A_1028 = arith.constant dense<true> : vector<16xi1>
        %masked_sort3A_1029, %masked_sort3A_1030, %masked_sort3A_1031 = tpu.sort %min3A_1024, %select_n3A_1025 masked %masked_sort3A_1028 : (vector<16xf32>, vector<16xi32>, vector<16xi1>) -> (vector<16xi1>, vector<16xf32>, vector<16xi32>)
        %masked_sort3A_1032 = arith.constant dense<true> : vector<16xi1>
        %masked_sort3A_1033, %masked_sort3A_1034, %masked_sort3A_1035 = tpu.sort %max3A_1026, %select_n3A_1027 masked %masked_sort3A_1032 : (vector<16xf32>, vector<16xi32>, vector<16xi1>) -> (vector<16xi1>, vector<16xf32>, vector<16xi32>)
        %rev3A_1036 = arith.constant 15 : i32
        %rev3A_1037 = vector.broadcast %rev3A_1036 : i32 to vector<16xi32>
        %rev3A_1038 = tpu.iota {dimensions = array<i32: 0>} : vector<16xi32>
        %rev3A_1039 = arith.subi %rev3A_1037, %rev3A_1038 : vector<16xi32>
        %rev3A_1040 = tpu.dynamic_gather %masked_sort3A_910[%rev3A_1039] in [0] : vector<16xf32>, vector<16xi32> -> vector<16xf32>
        %rev3A_1041 = arith.constant 15 : i32
        %rev3A_1042 = vector.broadcast %rev3A_1041 : i32 to vector<16xi32>
        %rev3A_1043 = tpu.iota {dimensions = array<i32: 0>} : vector<16xi32>
        %rev3A_1044 = arith.subi %rev3A_1042, %rev3A_1043 : vector<16xi32>
        %rev3A_1045 = tpu.dynamic_gather %masked_sort3A_911[%rev3A_1044] in [0] : vector<16xi32>, vector<16xi32> -> vector<16xi32>
        %rev3A_1046 = arith.constant 15 : i32
        %rev3A_1047 = vector.broadcast %rev3A_1046 : i32 to vector<16xi32>
        %rev3A_1048 = tpu.iota {dimensions = array<i32: 0>} : vector<16xi32>
        %rev3A_1049 = arith.subi %rev3A_1047, %rev3A_1048 : vector<16xi32>
        %rev3A_1050 = tpu.dynamic_gather %masked_sort3A_906[%rev3A_1049] in [0] : vector<16xf32>, vector<16xi32> -> vector<16xf32>
        %rev3A_1051 = arith.constant 15 : i32
        %rev3A_1052 = vector.broadcast %rev3A_1051 : i32 to vector<16xi32>
        %rev3A_1053 = tpu.iota {dimensions = array<i32: 0>} : vector<16xi32>
        %rev3A_1054 = arith.subi %rev3A_1052, %rev3A_1053 : vector<16xi32>
        %rev3A_1055 = tpu.dynamic_gather %masked_sort3A_907[%rev3A_1054] in [0] : vector<16xi32>, vector<16xi32> -> vector<16xi32>
        %le3A_1056 = arith.cmpf ole, %masked_sort3A_883, %rev3A_1040 : vector<16xf32>
        %min3A_1057 = arith.minimumf %masked_sort3A_883, %rev3A_1040 : vector<16xf32>
        %select_n3A_1058 = arith.select %le3A_1056, %masked_sort3A_884, %rev3A_1045 : vector<16xi1>, vector<16xi32>
        %le3A_1059 = arith.cmpf ole, %masked_sort3A_887, %rev3A_1050 : vector<16xf32>
        %min3A_1060 = arith.minimumf %masked_sort3A_887, %rev3A_1050 : vector<16xf32>
        %select_n3A_1061 = arith.select %le3A_1059, %masked_sort3A_888, %rev3A_1055 : vector<16xi1>, vector<16xi32>
        %le3A_1062 = arith.cmpf ole, %min3A_1057, %min3A_1060 : vector<16xf32>
        %min3A_1063 = arith.minimumf %min3A_1057, %min3A_1060 : vector<16xf32>
        %select_n3A_1064 = arith.select %le3A_1062, %select_n3A_1058, %select_n3A_1061 : vector<16xi1>, vector<16xi32>
        %max3A_1065 = arith.maximumf %min3A_1057, %min3A_1060 : vector<16xf32>
        %select_n3A_1066 = arith.select %le3A_1062, %select_n3A_1061, %select_n3A_1058 : vector<16xi1>, vector<16xi32>
        %masked_sort3A_1067 = arith.constant dense<true> : vector<16xi1>
        %masked_sort3A_1068, %masked_sort3A_1069, %masked_sort3A_1070 = tpu.sort %min3A_1063, %select_n3A_1064 masked %masked_sort3A_1067 : (vector<16xf32>, vector<16xi32>, vector<16xi1>) -> (vector<16xi1>, vector<16xf32>, vector<16xi32>)
        %masked_sort3A_1071 = arith.constant dense<true> : vector<16xi1>
        %masked_sort3A_1072, %masked_sort3A_1073, %masked_sort3A_1074 = tpu.sort %max3A_1065, %select_n3A_1066 masked %masked_sort3A_1071 : (vector<16xf32>, vector<16xi32>, vector<16xi1>) -> (vector<16xi1>, vector<16xf32>, vector<16xi32>)
        %rev3A_1075 = arith.constant 15 : i32
        %rev3A_1076 = vector.broadcast %rev3A_1075 : i32 to vector<16xi32>
        %rev3A_1077 = tpu.iota {dimensions = array<i32: 0>} : vector<16xi32>
        %rev3A_1078 = arith.subi %rev3A_1076, %rev3A_1077 : vector<16xi32>
        %rev3A_1079 = tpu.dynamic_gather %masked_sort3A_956[%rev3A_1078] in [0] : vector<16xf32>, vector<16xi32> -> vector<16xf32>
        %rev3A_1080 = arith.constant 15 : i32
        %rev3A_1081 = vector.broadcast %rev3A_1080 : i32 to vector<16xi32>
        %rev3A_1082 = tpu.iota {dimensions = array<i32: 0>} : vector<16xi32>
        %rev3A_1083 = arith.subi %rev3A_1081, %rev3A_1082 : vector<16xi32>
        %rev3A_1084 = tpu.dynamic_gather %masked_sort3A_957[%rev3A_1083] in [0] : vector<16xi32>, vector<16xi32> -> vector<16xi32>
        %rev3A_1085 = arith.constant 15 : i32
        %rev3A_1086 = vector.broadcast %rev3A_1085 : i32 to vector<16xi32>
        %rev3A_1087 = tpu.iota {dimensions = array<i32: 0>} : vector<16xi32>
        %rev3A_1088 = arith.subi %rev3A_1086, %rev3A_1087 : vector<16xi32>
        %rev3A_1089 = tpu.dynamic_gather %masked_sort3A_952[%rev3A_1088] in [0] : vector<16xf32>, vector<16xi32> -> vector<16xf32>
        %rev3A_1090 = arith.constant 15 : i32
        %rev3A_1091 = vector.broadcast %rev3A_1090 : i32 to vector<16xi32>
        %rev3A_1092 = tpu.iota {dimensions = array<i32: 0>} : vector<16xi32>
        %rev3A_1093 = arith.subi %rev3A_1091, %rev3A_1092 : vector<16xi32>
        %rev3A_1094 = tpu.dynamic_gather %masked_sort3A_953[%rev3A_1093] in [0] : vector<16xi32>, vector<16xi32> -> vector<16xi32>
        %le3A_1095 = arith.cmpf ole, %masked_sort3A_929, %rev3A_1079 : vector<16xf32>
        %min3A_1096 = arith.minimumf %masked_sort3A_929, %rev3A_1079 : vector<16xf32>
        %select_n3A_1097 = arith.select %le3A_1095, %masked_sort3A_930, %rev3A_1084 : vector<16xi1>, vector<16xi32>
        %le3A_1098 = arith.cmpf ole, %masked_sort3A_933, %rev3A_1089 : vector<16xf32>
        %min3A_1099 = arith.minimumf %masked_sort3A_933, %rev3A_1089 : vector<16xf32>
        %select_n3A_1100 = arith.select %le3A_1098, %masked_sort3A_934, %rev3A_1094 : vector<16xi1>, vector<16xi32>
        %le3A_1101 = arith.cmpf ole, %min3A_1096, %min3A_1099 : vector<16xf32>
        %min3A_1102 = arith.minimumf %min3A_1096, %min3A_1099 : vector<16xf32>
        %select_n3A_1103 = arith.select %le3A_1101, %select_n3A_1097, %select_n3A_1100 : vector<16xi1>, vector<16xi32>
        %max3A_1104 = arith.maximumf %min3A_1096, %min3A_1099 : vector<16xf32>
        %select_n3A_1105 = arith.select %le3A_1101, %select_n3A_1100, %select_n3A_1097 : vector<16xi1>, vector<16xi32>
        %masked_sort3A_1106 = arith.constant dense<true> : vector<16xi1>
        %masked_sort3A_1107, %masked_sort3A_1108, %masked_sort3A_1109 = tpu.sort %min3A_1102, %select_n3A_1103 masked %masked_sort3A_1106 : (vector<16xf32>, vector<16xi32>, vector<16xi1>) -> (vector<16xi1>, vector<16xf32>, vector<16xi32>)
        %masked_sort3A_1110 = arith.constant dense<true> : vector<16xi1>
        %masked_sort3A_1111, %masked_sort3A_1112, %masked_sort3A_1113 = tpu.sort %max3A_1104, %select_n3A_1105 masked %masked_sort3A_1110 : (vector<16xf32>, vector<16xi32>, vector<16xi1>) -> (vector<16xi1>, vector<16xf32>, vector<16xi32>)
        %rev3A_1114 = arith.constant 15 : i32
        %rev3A_1115 = vector.broadcast %rev3A_1114 : i32 to vector<16xi32>
        %rev3A_1116 = tpu.iota {dimensions = array<i32: 0>} : vector<16xi32>
        %rev3A_1117 = arith.subi %rev3A_1115, %rev3A_1116 : vector<16xi32>
        %rev3A_1118 = tpu.dynamic_gather %masked_sort3A_1034[%rev3A_1117] in [0] : vector<16xf32>, vector<16xi32> -> vector<16xf32>
        %rev3A_1119 = arith.constant 15 : i32
        %rev3A_1120 = vector.broadcast %rev3A_1119 : i32 to vector<16xi32>
        %rev3A_1121 = tpu.iota {dimensions = array<i32: 0>} : vector<16xi32>
        %rev3A_1122 = arith.subi %rev3A_1120, %rev3A_1121 : vector<16xi32>
        %rev3A_1123 = tpu.dynamic_gather %masked_sort3A_1035[%rev3A_1122] in [0] : vector<16xi32>, vector<16xi32> -> vector<16xi32>
        %rev3A_1124 = arith.constant 15 : i32
        %rev3A_1125 = vector.broadcast %rev3A_1124 : i32 to vector<16xi32>
        %rev3A_1126 = tpu.iota {dimensions = array<i32: 0>} : vector<16xi32>
        %rev3A_1127 = arith.subi %rev3A_1125, %rev3A_1126 : vector<16xi32>
        %rev3A_1128 = tpu.dynamic_gather %masked_sort3A_1030[%rev3A_1127] in [0] : vector<16xf32>, vector<16xi32> -> vector<16xf32>
        %rev3A_1129 = arith.constant 15 : i32
        %rev3A_1130 = vector.broadcast %rev3A_1129 : i32 to vector<16xi32>
        %rev3A_1131 = tpu.iota {dimensions = array<i32: 0>} : vector<16xi32>
        %rev3A_1132 = arith.subi %rev3A_1130, %rev3A_1131 : vector<16xi32>
        %rev3A_1133 = tpu.dynamic_gather %masked_sort3A_1031[%rev3A_1132] in [0] : vector<16xi32>, vector<16xi32> -> vector<16xi32>
        %le3A_1134 = arith.cmpf ole, %masked_sort3A_991, %rev3A_1118 : vector<16xf32>
        %min3A_1135 = arith.minimumf %masked_sort3A_991, %rev3A_1118 : vector<16xf32>
        %select_n3A_1136 = arith.select %le3A_1134, %masked_sort3A_992, %rev3A_1123 : vector<16xi1>, vector<16xi32>
        %le3A_1137 = arith.cmpf ole, %masked_sort3A_995, %rev3A_1128 : vector<16xf32>
        %min3A_1138 = arith.minimumf %masked_sort3A_995, %rev3A_1128 : vector<16xf32>
        %select_n3A_1139 = arith.select %le3A_1137, %masked_sort3A_996, %rev3A_1133 : vector<16xi1>, vector<16xi32>
        %le3A_1140 = arith.cmpf ole, %min3A_1135, %min3A_1138 : vector<16xf32>
        %min3A_1141 = arith.minimumf %min3A_1135, %min3A_1138 : vector<16xf32>
        %select_n3A_1142 = arith.select %le3A_1140, %select_n3A_1136, %select_n3A_1139 : vector<16xi1>, vector<16xi32>
        %max3A_1143 = arith.maximumf %min3A_1135, %min3A_1138 : vector<16xf32>
        %select_n3A_1144 = arith.select %le3A_1140, %select_n3A_1139, %select_n3A_1136 : vector<16xi1>, vector<16xi32>
        %masked_sort3A_1145 = arith.constant dense<true> : vector<16xi1>
        %masked_sort3A_1146, %masked_sort3A_1147, %masked_sort3A_1148 = tpu.sort %min3A_1141, %select_n3A_1142 masked %masked_sort3A_1145 : (vector<16xf32>, vector<16xi32>, vector<16xi1>) -> (vector<16xi1>, vector<16xf32>, vector<16xi32>)
        %masked_sort3A_1149 = arith.constant dense<true> : vector<16xi1>
        %masked_sort3A_1150, %masked_sort3A_1151, %masked_sort3A_1152 = tpu.sort %max3A_1143, %select_n3A_1144 masked %masked_sort3A_1149 : (vector<16xf32>, vector<16xi32>, vector<16xi1>) -> (vector<16xi1>, vector<16xf32>, vector<16xi32>)
        %rev3A_1153 = arith.constant 15 : i32
        %rev3A_1154 = vector.broadcast %rev3A_1153 : i32 to vector<16xi32>
        %rev3A_1155 = tpu.iota {dimensions = array<i32: 0>} : vector<16xi32>
        %rev3A_1156 = arith.subi %rev3A_1154, %rev3A_1155 : vector<16xi32>
        %rev3A_1157 = tpu.dynamic_gather %masked_sort3A_1112[%rev3A_1156] in [0] : vector<16xf32>, vector<16xi32> -> vector<16xf32>
        %rev3A_1158 = arith.constant 15 : i32
        %rev3A_1159 = vector.broadcast %rev3A_1158 : i32 to vector<16xi32>
        %rev3A_1160 = tpu.iota {dimensions = array<i32: 0>} : vector<16xi32>
        %rev3A_1161 = arith.subi %rev3A_1159, %rev3A_1160 : vector<16xi32>
        %rev3A_1162 = tpu.dynamic_gather %masked_sort3A_1113[%rev3A_1161] in [0] : vector<16xi32>, vector<16xi32> -> vector<16xi32>
        %rev3A_1163 = arith.constant 15 : i32
        %rev3A_1164 = vector.broadcast %rev3A_1163 : i32 to vector<16xi32>
        %rev3A_1165 = tpu.iota {dimensions = array<i32: 0>} : vector<16xi32>
        %rev3A_1166 = arith.subi %rev3A_1164, %rev3A_1165 : vector<16xi32>
        %rev3A_1167 = tpu.dynamic_gather %masked_sort3A_1108[%rev3A_1166] in [0] : vector<16xf32>, vector<16xi32> -> vector<16xf32>
        %rev3A_1168 = arith.constant 15 : i32
        %rev3A_1169 = vector.broadcast %rev3A_1168 : i32 to vector<16xi32>
        %rev3A_1170 = tpu.iota {dimensions = array<i32: 0>} : vector<16xi32>
        %rev3A_1171 = arith.subi %rev3A_1169, %rev3A_1170 : vector<16xi32>
        %rev3A_1172 = tpu.dynamic_gather %masked_sort3A_1109[%rev3A_1171] in [0] : vector<16xi32>, vector<16xi32> -> vector<16xi32>
        %le3A_1173 = arith.cmpf ole, %masked_sort3A_1069, %rev3A_1157 : vector<16xf32>
        %min3A_1174 = arith.minimumf %masked_sort3A_1069, %rev3A_1157 : vector<16xf32>
        %select_n3A_1175 = arith.select %le3A_1173, %masked_sort3A_1070, %rev3A_1162 : vector<16xi1>, vector<16xi32>
        %le3A_1176 = arith.cmpf ole, %masked_sort3A_1073, %rev3A_1167 : vector<16xf32>
        %min3A_1177 = arith.minimumf %masked_sort3A_1073, %rev3A_1167 : vector<16xf32>
        %select_n3A_1178 = arith.select %le3A_1176, %masked_sort3A_1074, %rev3A_1172 : vector<16xi1>, vector<16xi32>
        %le3A_1179 = arith.cmpf ole, %min3A_1174, %min3A_1177 : vector<16xf32>
        %min3A_1180 = arith.minimumf %min3A_1174, %min3A_1177 : vector<16xf32>
        %select_n3A_1181 = arith.select %le3A_1179, %select_n3A_1175, %select_n3A_1178 : vector<16xi1>, vector<16xi32>
        %max3A_1182 = arith.maximumf %min3A_1174, %min3A_1177 : vector<16xf32>
        %select_n3A_1183 = arith.select %le3A_1179, %select_n3A_1178, %select_n3A_1175 : vector<16xi1>, vector<16xi32>
        %masked_sort3A_1184 = arith.constant dense<true> : vector<16xi1>
        %masked_sort3A_1185, %masked_sort3A_1186, %masked_sort3A_1187 = tpu.sort %min3A_1180, %select_n3A_1181 masked %masked_sort3A_1184 : (vector<16xf32>, vector<16xi32>, vector<16xi1>) -> (vector<16xi1>, vector<16xf32>, vector<16xi32>)
        %masked_sort3A_1188 = arith.constant dense<true> : vector<16xi1>
        %masked_sort3A_1189, %masked_sort3A_1190, %masked_sort3A_1191 = tpu.sort %max3A_1182, %select_n3A_1183 masked %masked_sort3A_1188 : (vector<16xf32>, vector<16xi32>, vector<16xi1>) -> (vector<16xi1>, vector<16xf32>, vector<16xi32>)
        %rev3A_1192 = arith.constant 15 : i32
        %rev3A_1193 = vector.broadcast %rev3A_1192 : i32 to vector<16xi32>
        %rev3A_1194 = tpu.iota {dimensions = array<i32: 0>} : vector<16xi32>
        %rev3A_1195 = arith.subi %rev3A_1193, %rev3A_1194 : vector<16xi32>
        %rev3A_1196 = tpu.dynamic_gather %masked_sort3A_1190[%rev3A_1195] in [0] : vector<16xf32>, vector<16xi32> -> vector<16xf32>
        %rev3A_1197 = arith.constant 15 : i32
        %rev3A_1198 = vector.broadcast %rev3A_1197 : i32 to vector<16xi32>
        %rev3A_1199 = tpu.iota {dimensions = array<i32: 0>} : vector<16xi32>
        %rev3A_1200 = arith.subi %rev3A_1198, %rev3A_1199 : vector<16xi32>
        %rev3A_1201 = tpu.dynamic_gather %masked_sort3A_1191[%rev3A_1200] in [0] : vector<16xi32>, vector<16xi32> -> vector<16xi32>
        %rev3A_1202 = arith.constant 15 : i32
        %rev3A_1203 = vector.broadcast %rev3A_1202 : i32 to vector<16xi32>
        %rev3A_1204 = tpu.iota {dimensions = array<i32: 0>} : vector<16xi32>
        %rev3A_1205 = arith.subi %rev3A_1203, %rev3A_1204 : vector<16xi32>
        %rev3A_1206 = tpu.dynamic_gather %masked_sort3A_1186[%rev3A_1205] in [0] : vector<16xf32>, vector<16xi32> -> vector<16xf32>
        %rev3A_1207 = arith.constant 15 : i32
        %rev3A_1208 = vector.broadcast %rev3A_1207 : i32 to vector<16xi32>
        %rev3A_1209 = tpu.iota {dimensions = array<i32: 0>} : vector<16xi32>
        %rev3A_1210 = arith.subi %rev3A_1208, %rev3A_1209 : vector<16xi32>
        %rev3A_1211 = tpu.dynamic_gather %masked_sort3A_1187[%rev3A_1210] in [0] : vector<16xi32>, vector<16xi32> -> vector<16xi32>
        %le3A_1212 = arith.cmpf ole, %masked_sort3A_1147, %rev3A_1196 : vector<16xf32>
        %min3A_1213 = arith.minimumf %masked_sort3A_1147, %rev3A_1196 : vector<16xf32>
        %select_n3A_1214 = arith.select %le3A_1212, %masked_sort3A_1148, %rev3A_1201 : vector<16xi1>, vector<16xi32>
        %le3A_1215 = arith.cmpf ole, %masked_sort3A_1151, %rev3A_1206 : vector<16xf32>
        %min3A_1216 = arith.minimumf %masked_sort3A_1151, %rev3A_1206 : vector<16xf32>
        %select_n3A_1217 = arith.select %le3A_1215, %masked_sort3A_1152, %rev3A_1211 : vector<16xi1>, vector<16xi32>
        %le3A_1218 = arith.cmpf ole, %min3A_1213, %min3A_1216 : vector<16xf32>
        %min3A_1219 = arith.minimumf %min3A_1213, %min3A_1216 : vector<16xf32>
        %select_n3A_1220 = arith.select %le3A_1218, %select_n3A_1214, %select_n3A_1217 : vector<16xi1>, vector<16xi32>
        %max3A_1221 = arith.maximumf %min3A_1213, %min3A_1216 : vector<16xf32>
        %select_n3A_1222 = arith.select %le3A_1218, %select_n3A_1217, %select_n3A_1214 : vector<16xi1>, vector<16xi32>
        %masked_sort3A_1223 = arith.constant dense<true> : vector<16xi1>
        %masked_sort3A_1224, %masked_sort3A_1225, %masked_sort3A_1226 = tpu.sort %min3A_1219, %select_n3A_1220 masked %masked_sort3A_1223 : (vector<16xf32>, vector<16xi32>, vector<16xi1>) -> (vector<16xi1>, vector<16xf32>, vector<16xi32>)
        %masked_sort3A_1227 = arith.constant dense<true> : vector<16xi1>
        %masked_sort3A_1228, %masked_sort3A_1229, %masked_sort3A_1230 = tpu.sort %max3A_1221, %select_n3A_1222 masked %masked_sort3A_1227 : (vector<16xf32>, vector<16xi32>, vector<16xi1>) -> (vector<16xi1>, vector<16xf32>, vector<16xi32>)
        %swap3A_1231 = arith.constant 0 : index
        %swap3A_1232 = tpu.vector_load %arg6[%swap3A_1231] {strides = array<i32>} : memref<32xi32, #tpu.memory_space<vmem>>, vector<16xi32>,
        tpu.vector_store %arg6[%swap3A_1231], %masked_sort3A_1226 {strides = array<i32>} : memref<32xi32, #tpu.memory_space<vmem>>, vector<16xi32>,
        %swap3A_1233 = arith.constant 16 : index
        %swap3A_1234 = tpu.vector_load %arg6[%swap3A_1233] {strides = array<i32>} : memref<32xi32, #tpu.memory_space<vmem>>, vector<16xi32>,
        tpu.vector_store %arg6[%swap3A_1233], %masked_sort3A_1230 {strides = array<i32>} : memref<32xi32, #tpu.memory_space<vmem>>, vector<16xi32>,
        %gather3A_1235 = tpu.vector_load_idx %arg6[%mul3A_53] : memref<32xi32, #tpu.memory_space<vmem>>[vector<16xi32>], vector<16xi32>,
        %shift_right_arithmetic3A_1236 = arith.constant 8 : i32
        %shift_right_arithmetic3A_1237 = arith.shrsi %add3A_661, %shift_right_arithmetic3A_1236 : i32
        %shift_left3A_1238 = arith.constant 8 : i32
        %shift_left3A_1239 = arith.shli %shift_right_arithmetic3A_1237, %shift_left3A_1238 : i32
        %add3A_1240 = vector.broadcast %shift_left3A_1239 : i32 to vector<16xi32>
        %add3A_1241 = arith.addi %gather3A_1235, %add3A_1240 : vector<16xi32>
        %broadcast_in_dim3A_1242 = arith.constant 0 : i32
        %broadcast_in_dim3A_1243 = vector.broadcast %broadcast_in_dim3A_1242 : i32 to vector<16xi32>
        %add3A_1244 = vector.broadcast %add3A_661 : i32 to vector<16xi32>
        %add3A_1245 = arith.addi %broadcast_in_dim3A_1243, %add3A_1244 : vector<16xi32>
        %mul3A_1246 = arith.constant 9 : i32
        %mul3A_1247 = arith.muli %add3A_660, %mul3A_1246 : i32
        %swap3A_1248 = arith.index_cast %mul3A_1247 : i32 to index
        %swap3A_1249 = tpu.vector_load %arg7[%swap3A_1248] {strides = array<i32>} : memref<3472xi32, #tpu.memory_space<vmem>>, vector<16xi32>,
        tpu.vector_store %arg7[%swap3A_1248], %add3A_1241 {strides = array<i32>} : memref<3472xi32, #tpu.memory_space<vmem>>, vector<16xi32>,
        %swap3A_1250 = arith.index_cast %mul3A_1247 : i32 to index
        %swap3A_1251 = tpu.vector_load %arg8[%swap3A_1250] {strides = array<i32>} : memref<3472xi32, #tpu.memory_space<vmem>>, vector<16xi32>,
        tpu.vector_store %arg8[%swap3A_1250], %add3A_1245 {strides = array<i32>} : memref<3472xi32, #tpu.memory_space<vmem>>, vector<16xi32>,
      }
      %scan3A_68 = arith.constant 64 : i32
    }
    %scan3A_58 = arith.constant 3 : i32
    %run_scoped3A = arith.constant 0 : i32
    "tpu.region"() ({
      %run_scoped3A_60 = tpu.sem_alloc : memref<!tpu.dma_semaphore, #tpu.memory_space<semaphore_mem>>
      %dma_start3A = arith.constant 0 : i32
      %dma_start3A_61 = tpu.memref_slice %arg7[%dma_start3A] : memref<3472xi32, #tpu.memory_space<vmem>> -> memref<3456xi32, #tpu.memory_space<vmem>>
      %dma_start3A_62 = arith.constant 0 : i32
      %dma_start3A_63 = tpu.memref_slice %arg3[%run_scoped3A, %add3A, %dma_start3A_62] : memref<2x32x3456xi32, #tpu.memory_space<hbm>> -> memref<1x1x3456xi32, #tpu.memory_space<hbm>>
      %dma_start3A_64 = tpu.memref_squeeze %dma_start3A_63 : memref<1x1x3456xi32, #tpu.memory_space<hbm>> -> memref<3456xi32, #tpu.memory_space<hbm>>
      %dma_start3A_65 = arith.constant 0 : i32
      %dma_start3A_66 = tpu.memref_slice %arg3[%run_scoped3A, %add3A, %dma_start3A_65] : memref<2x32x3456xi32, #tpu.memory_space<hbm>> -> memref<1x1x3456xi32, #tpu.memory_space<hbm>>
      %dma_start3A_67 = tpu.memref_squeeze %dma_start3A_66 : memref<1x1x3456xi32, #tpu.memory_space<hbm>> -> memref<3456xi32, #tpu.memory_space<hbm>>
      %dma_start3A_68 = arith.constant 0 : i32
      %dma_start3A_69 = tpu.memref_slice %arg7[%dma_start3A_68] : memref<3472xi32, #tpu.memory_space<vmem>> -> memref<3456xi32, #tpu.memory_space<vmem>>
      tpu.enqueue_dma source(%dma_start3A_69 : memref<3456xi32, #tpu.memory_space<vmem>>) target(%dma_start3A_67 : memref<3456xi32, #tpu.memory_space<hbm>>) target_semaphore(%run_scoped3A_60 : memref<!tpu.dma_semaphore, #tpu.memory_space<semaphore_mem>>)
      %dma_wait3A = arith.constant 0 : i32
      %dma_wait3A_70 = tpu.memref_slice %arg7[%dma_wait3A] : memref<3472xi32, #tpu.memory_space<vmem>> -> memref<3456xi32, #tpu.memory_space<vmem>>
      %dma_wait3A_71 = arith.constant 0 : i32
      %dma_wait3A_72 = tpu.memref_slice %arg3[%run_scoped3A, %add3A, %dma_wait3A_71] : memref<2x32x3456xi32, #tpu.memory_space<hbm>> -> memref<1x1x3456xi32, #tpu.memory_space<hbm>>
      %dma_wait3A_73 = tpu.memref_squeeze %dma_wait3A_72 : memref<1x1x3456xi32, #tpu.memory_space<hbm>> -> memref<3456xi32, #tpu.memory_space<hbm>>
      %dma_wait3A_74 = arith.constant 0 : i32
      %dma_wait3A_75 = tpu.memref_slice %arg3[%run_scoped3A, %add3A, %dma_wait3A_74] : memref<2x32x3456xi32, #tpu.memory_space<hbm>> -> memref<1x1x3456xi32, #tpu.memory_space<hbm>>
      %dma_wait3A_76 = tpu.memref_squeeze %dma_wait3A_75 : memref<1x1x3456xi32, #tpu.memory_space<hbm>> -> memref<3456xi32, #tpu.memory_space<hbm>>
      %dma_wait3A_77 = arith.constant 0 : i32
      %dma_wait3A_78 = tpu.memref_slice %arg7[%dma_wait3A_77] : memref<3472xi32, #tpu.memory_space<vmem>> -> memref<3456xi32, #tpu.memory_space<vmem>>
      tpu.wait_dma2 semaphore(%run_scoped3A_60 : memref<!tpu.dma_semaphore, #tpu.memory_space<semaphore_mem>>) src(%dma_wait3A_78 : memref<3456xi32, #tpu.memory_space<vmem>>) dst(%dma_wait3A_76 : memref<3456xi32, #tpu.memory_space<hbm>>)
      tpu.yield
    }) : () -> ()
    %run_scoped3A_59 = arith.constant 1 : i32
    "tpu.region"() ({
      %run_scoped3A_60 = tpu.sem_alloc : memref<!tpu.dma_semaphore, #tpu.memory_space<semaphore_mem>>
      %dma_start3A = arith.constant 0 : i32
      %dma_start3A_61 = tpu.memref_slice %arg8[%dma_start3A] : memref<3472xi32, #tpu.memory_space<vmem>> -> memref<3456xi32, #tpu.memory_space<vmem>>
      %dma_start3A_62 = arith.constant 0 : i32
      %dma_start3A_63 = tpu.memref_slice %arg3[%run_scoped3A_59, %add3A, %dma_start3A_62] : memref<2x32x3456xi32, #tpu.memory_space<hbm>> -> memref<1x1x3456xi32, #tpu.memory_space<hbm>>
      %dma_start3A_64 = tpu.memref_squeeze %dma_start3A_63 : memref<1x1x3456xi32, #tpu.memory_space<hbm>> -> memref<3456xi32, #tpu.memory_space<hbm>>
      %dma_start3A_65 = arith.constant 0 : i32
      %dma_start3A_66 = tpu.memref_slice %arg3[%run_scoped3A_59, %add3A, %dma_start3A_65] : memref<2x32x3456xi32, #tpu.memory_space<hbm>> -> memref<1x1x3456xi32, #tpu.memory_space<hbm>>
      %dma_start3A_67 = tpu.memref_squeeze %dma_start3A_66 : memref<1x1x3456xi32, #tpu.memory_space<hbm>> -> memref<3456xi32, #tpu.memory_space<hbm>>
      %dma_start3A_68 = arith.constant 0 : i32
      %dma_start3A_69 = tpu.memref_slice %arg8[%dma_start3A_68] : memref<3472xi32, #tpu.memory_space<vmem>> -> memref<3456xi32, #tpu.memory_space<vmem>>
      tpu.enqueue_dma source(%dma_start3A_69 : memref<3456xi32, #tpu.memory_space<vmem>>) target(%dma_start3A_67 : memref<3456xi32, #tpu.memory_space<hbm>>) target_semaphore(%run_scoped3A_60 : memref<!tpu.dma_semaphore, #tpu.memory_space<semaphore_mem>>)
      %dma_wait3A = arith.constant 0 : i32
      %dma_wait3A_70 = tpu.memref_slice %arg8[%dma_wait3A] : memref<3472xi32, #tpu.memory_space<vmem>> -> memref<3456xi32, #tpu.memory_space<vmem>>
      %dma_wait3A_71 = arith.constant 0 : i32
      %dma_wait3A_72 = tpu.memref_slice %arg3[%run_scoped3A_59, %add3A, %dma_wait3A_71] : memref<2x32x3456xi32, #tpu.memory_space<hbm>> -> memref<1x1x3456xi32, #tpu.memory_space<hbm>>
      %dma_wait3A_73 = tpu.memref_squeeze %dma_wait3A_72 : memref<1x1x3456xi32, #tpu.memory_space<hbm>> -> memref<3456xi32, #tpu.memory_space<hbm>>
      %dma_wait3A_74 = arith.constant 0 : i32
      %dma_wait3A_75 = tpu.memref_slice %arg3[%run_scoped3A_59, %add3A, %dma_wait3A_74] : memref<2x32x3456xi32, #tpu.memory_space<hbm>> -> memref<1x1x3456xi32, #tpu.memory_space<hbm>>
      %dma_wait3A_76 = tpu.memref_squeeze %dma_wait3A_75 : memref<1x1x3456xi32, #tpu.memory_space<hbm>> -> memref<3456xi32, #tpu.memory_space<hbm>>
      %dma_wait3A_77 = arith.constant 0 : i32
      %dma_wait3A_78 = tpu.memref_slice %arg8[%dma_wait3A_77] : memref<3472xi32, #tpu.memory_space<vmem>> -> memref<3456xi32, #tpu.memory_space<vmem>>
      tpu.wait_dma2 semaphore(%run_scoped3A_60 : memref<!tpu.dma_semaphore, #tpu.memory_space<semaphore_mem>>) src(%dma_wait3A_78 : memref<3456xi32, #tpu.memory_space<vmem>>) dst(%dma_wait3A_76 : memref<3456xi32, #tpu.memory_space<hbm>>)
      tpu.yield
    }) : () -> ()
    return
  }
}

module attributes {stable_mosaic.version = 14 : i64} {
  func.func @_dist_body(%arg0: i32, %arg1: memref<4x384x256xf32, #tpu.memory_space<vmem>>, %arg2: memref<4x256x256xf32, #tpu.memory_space<vmem>>) attributes {dimension_semantics = [#tpu.dimension_semantics<arbitrary>], iteration_bounds = array<i64: 12>, scalar_prefetch = 0 : i64, scratch_operands = 0 : i64, tpu.core_type = #tpu.core_type<tc>, window_params = [{transform_indices = @transform_0, window_bounds = array<i64: 4, 384, 256>}, {transform_indices = @transform_1, window_bounds = array<i64: 4, 256, 256>}]} {
    %get3A = arith.constant 0 : index
    %get3A_0 = arith.constant 0 : index
    %get3A_1 = arith.constant 0 : index
    %get3A_2 = vector.load %arg1[%get3A, %get3A_0, %get3A_1] : memref<4x384x256xf32, #tpu.memory_space<vmem>>, vector<1x384x256xf32>
    %get3A_3 = vector.shape_cast %get3A_2 : vector<1x384x256xf32> to vector<384x256xf32>
    %dot_general3A = arith.constant dense<0.000000e+00> : vector<256x256xf32>
    %dot_general3A_4 = tpu.matmul %get3A_3, %get3A_3, %dot_general3A {dimension_numbers = #tpu.dot_dimension_numbers<[0], [0], [1], [1], [0, 1, 1, 1], [], []>, transpose_lhs_hint = false} : vector<384x256xf32>, vector<384x256xf32>, vector<256x256xf32> -> vector<256x256xf32>
    %mul3A = arith.mulf %get3A_3, %get3A_3 : vector<384x256xf32>
    %reduce_sum3A = arith.constant dense<0.000000e+00> : vector<256xf32>
    %reduce_sum3A_5 = vector.multi_reduction <add>, %mul3A, %reduce_sum3A [0] : vector<384x256xf32> to vector<256xf32>
    %broadcast_in_dim3A = vector.shape_cast %reduce_sum3A_5 : vector<256xf32> to vector<1x256xf32>
    %mul3A_6 = arith.constant 2.000000e+00 : f32
    %mul3A_7 = vector.broadcast %mul3A_6 : f32 to vector<256x256xf32>
    %mul3A_8 = arith.mulf %mul3A_7, %dot_general3A_4 : vector<256x256xf32>
    %sub3A = vector.broadcast %broadcast_in_dim3A : vector<1x256xf32> to vector<256x256xf32>
    %sub3A_9 = arith.subf %sub3A, %mul3A_8 : vector<256x256xf32>
    %swap3A = arith.constant 0 : index
    %swap3A_10 = arith.constant 0 : index
    %swap3A_11 = arith.constant 0 : index
    %swap3A_12 = vector.load %arg2[%swap3A, %swap3A_10, %swap3A_11] : memref<4x256x256xf32, #tpu.memory_space<vmem>>, vector<1x256x256xf32>
    %swap3A_13 = vector.shape_cast %swap3A_12 : vector<1x256x256xf32> to vector<256x256xf32>
    %swap3A_14 = vector.shape_cast %sub3A_9 : vector<256x256xf32> to vector<1x256x256xf32>
    tpu.vector_store %arg2[%swap3A, %swap3A_10, %swap3A_11], %swap3A_14 {strides = array<i32>} : memref<4x256x256xf32, #tpu.memory_space<vmem>>, vector<1x256x256xf32>,
    %get3A_15 = arith.constant 1 : index
    %get3A_16 = arith.constant 0 : index
    %get3A_17 = arith.constant 0 : index
    %get3A_18 = vector.load %arg1[%get3A_15, %get3A_16, %get3A_17] : memref<4x384x256xf32, #tpu.memory_space<vmem>>, vector<1x384x256xf32>
    %get3A_19 = vector.shape_cast %get3A_18 : vector<1x384x256xf32> to vector<384x256xf32>
    %dot_general3A_20 = arith.constant dense<0.000000e+00> : vector<256x256xf32>
    %dot_general3A_21 = tpu.matmul %get3A_19, %get3A_19, %dot_general3A_20 {dimension_numbers = #tpu.dot_dimension_numbers<[0], [0], [1], [1], [0, 1, 1, 1], [], []>, transpose_lhs_hint = false} : vector<384x256xf32>, vector<384x256xf32>, vector<256x256xf32> -> vector<256x256xf32>
    %mul3A_22 = arith.mulf %get3A_19, %get3A_19 : vector<384x256xf32>
    %reduce_sum3A_23 = arith.constant dense<0.000000e+00> : vector<256xf32>
    %reduce_sum3A_24 = vector.multi_reduction <add>, %mul3A_22, %reduce_sum3A_23 [0] : vector<384x256xf32> to vector<256xf32>
    %broadcast_in_dim3A_25 = vector.shape_cast %reduce_sum3A_24 : vector<256xf32> to vector<1x256xf32>
    %mul3A_26 = arith.constant 2.000000e+00 : f32
    %mul3A_27 = vector.broadcast %mul3A_26 : f32 to vector<256x256xf32>
    %mul3A_28 = arith.mulf %mul3A_27, %dot_general3A_21 : vector<256x256xf32>
    %sub3A_29 = vector.broadcast %broadcast_in_dim3A_25 : vector<1x256xf32> to vector<256x256xf32>
    %sub3A_30 = arith.subf %sub3A_29, %mul3A_28 : vector<256x256xf32>
    %swap3A_31 = arith.constant 1 : index
    %swap3A_32 = arith.constant 0 : index
    %swap3A_33 = arith.constant 0 : index
    %swap3A_34 = vector.load %arg2[%swap3A_31, %swap3A_32, %swap3A_33] : memref<4x256x256xf32, #tpu.memory_space<vmem>>, vector<1x256x256xf32>
    %swap3A_35 = vector.shape_cast %swap3A_34 : vector<1x256x256xf32> to vector<256x256xf32>
    %swap3A_36 = vector.shape_cast %sub3A_30 : vector<256x256xf32> to vector<1x256x256xf32>
    tpu.vector_store %arg2[%swap3A_31, %swap3A_32, %swap3A_33], %swap3A_36 {strides = array<i32>} : memref<4x256x256xf32, #tpu.memory_space<vmem>>, vector<1x256x256xf32>,
    %get3A_37 = arith.constant 2 : index
    %get3A_38 = arith.constant 0 : index
    %get3A_39 = arith.constant 0 : index
    %get3A_40 = vector.load %arg1[%get3A_37, %get3A_38, %get3A_39] : memref<4x384x256xf32, #tpu.memory_space<vmem>>, vector<1x384x256xf32>
    %get3A_41 = vector.shape_cast %get3A_40 : vector<1x384x256xf32> to vector<384x256xf32>
    %dot_general3A_42 = arith.constant dense<0.000000e+00> : vector<256x256xf32>
    %dot_general3A_43 = tpu.matmul %get3A_41, %get3A_41, %dot_general3A_42 {dimension_numbers = #tpu.dot_dimension_numbers<[0], [0], [1], [1], [0, 1, 1, 1], [], []>, transpose_lhs_hint = false} : vector<384x256xf32>, vector<384x256xf32>, vector<256x256xf32> -> vector<256x256xf32>
    %mul3A_44 = arith.mulf %get3A_41, %get3A_41 : vector<384x256xf32>
    %reduce_sum3A_45 = arith.constant dense<0.000000e+00> : vector<256xf32>
    %reduce_sum3A_46 = vector.multi_reduction <add>, %mul3A_44, %reduce_sum3A_45 [0] : vector<384x256xf32> to vector<256xf32>
    %broadcast_in_dim3A_47 = vector.shape_cast %reduce_sum3A_46 : vector<256xf32> to vector<1x256xf32>
    %mul3A_48 = arith.constant 2.000000e+00 : f32
    %mul3A_49 = vector.broadcast %mul3A_48 : f32 to vector<256x256xf32>
    %mul3A_50 = arith.mulf %mul3A_49, %dot_general3A_43 : vector<256x256xf32>
    %sub3A_51 = vector.broadcast %broadcast_in_dim3A_47 : vector<1x256xf32> to vector<256x256xf32>
    %sub3A_52 = arith.subf %sub3A_51, %mul3A_50 : vector<256x256xf32>
    %swap3A_53 = arith.constant 2 : index
    %swap3A_54 = arith.constant 0 : index
    %swap3A_55 = arith.constant 0 : index
    %swap3A_56 = vector.load %arg2[%swap3A_53, %swap3A_54, %swap3A_55] : memref<4x256x256xf32, #tpu.memory_space<vmem>>, vector<1x256x256xf32>
    %swap3A_57 = vector.shape_cast %swap3A_56 : vector<1x256x256xf32> to vector<256x256xf32>
    %swap3A_58 = vector.shape_cast %sub3A_52 : vector<256x256xf32> to vector<1x256x256xf32>
    tpu.vector_store %arg2[%swap3A_53, %swap3A_54, %swap3A_55], %swap3A_58 {strides = array<i32>} : memref<4x256x256xf32, #tpu.memory_space<vmem>>, vector<1x256x256xf32>,
    %get3A_59 = arith.constant 3 : index
    %get3A_60 = arith.constant 0 : index
    %get3A_61 = arith.constant 0 : index
    %get3A_62 = vector.load %arg1[%get3A_59, %get3A_60, %get3A_61] : memref<4x384x256xf32, #tpu.memory_space<vmem>>, vector<1x384x256xf32>
    %get3A_63 = vector.shape_cast %get3A_62 : vector<1x384x256xf32> to vector<384x256xf32>
    %dot_general3A_64 = arith.constant dense<0.000000e+00> : vector<256x256xf32>
    %dot_general3A_65 = tpu.matmul %get3A_63, %get3A_63, %dot_general3A_64 {dimension_numbers = #tpu.dot_dimension_numbers<[0], [0], [1], [1], [0, 1, 1, 1], [], []>, transpose_lhs_hint = false} : vector<384x256xf32>, vector<384x256xf32>, vector<256x256xf32> -> vector<256x256xf32>
    %mul3A_66 = arith.mulf %get3A_63, %get3A_63 : vector<384x256xf32>
    %reduce_sum3A_67 = arith.constant dense<0.000000e+00> : vector<256xf32>
    %reduce_sum3A_68 = vector.multi_reduction <add>, %mul3A_66, %reduce_sum3A_67 [0] : vector<384x256xf32> to vector<256xf32>
    %broadcast_in_dim3A_69 = vector.shape_cast %reduce_sum3A_68 : vector<256xf32> to vector<1x256xf32>
    %mul3A_70 = arith.constant 2.000000e+00 : f32
    %mul3A_71 = vector.broadcast %mul3A_70 : f32 to vector<256x256xf32>
    %mul3A_72 = arith.mulf %mul3A_71, %dot_general3A_65 : vector<256x256xf32>
    %sub3A_73 = vector.broadcast %broadcast_in_dim3A_69 : vector<1x256xf32> to vector<256x256xf32>
    %sub3A_74 = arith.subf %sub3A_73, %mul3A_72 : vector<256x256xf32>
    %swap3A_75 = arith.constant 3 : index
    %swap3A_76 = arith.constant 0 : index
    %swap3A_77 = arith.constant 0 : index
    %swap3A_78 = vector.load %arg2[%swap3A_75, %swap3A_76, %swap3A_77] : memref<4x256x256xf32, #tpu.memory_space<vmem>>, vector<1x256x256xf32>
    %swap3A_79 = vector.shape_cast %swap3A_78 : vector<1x256x256xf32> to vector<256x256xf32>
    %swap3A_80 = vector.shape_cast %sub3A_74 : vector<256x256xf32> to vector<1x256x256xf32>
    tpu.vector_store %arg2[%swap3A_75, %swap3A_76, %swap3A_77], %swap3A_80 {strides = array<i32>} : memref<4x256x256xf32, #tpu.memory_space<vmem>>, vector<1x256x256xf32>,
    return
  }
  func.func @transform_0(%arg0: i32) -> (i32, i32, i32) {
    %add3A = arith.constant 4 : i32
    %add3A_0 = arith.addi %add3A, %arg0 : i32
    %c0_i32 = arith.constant 0 : i32
    %c0_i32_1 = arith.constant 0 : i32
    %c0_i32_2 = arith.constant 0 : i32
    return %add3A_0, %c0_i32, %c0_i32_1 : i32, i32, i32
  }
  func.func @transform_1(%arg0: i32) -> (i32, i32, i32) {
    %c0_i32 = arith.constant 0 : i32
    %c0_i32_0 = arith.constant 0 : i32
    %c0_i32_1 = arith.constant 0 : i32
    return %arg0, %c0_i32, %c0_i32_0 : i32, i32, i32
  }
}

module attributes {stable_mosaic.version = 14 : i64} {
  func.func @_dist_body(%arg0: i32, %arg1: memref<4x384x256xf32, #tpu.memory_space<vmem>>, %arg2: memref<4x256x256xf32, #tpu.memory_space<vmem>>) attributes {dimension_semantics = [#tpu.dimension_semantics<arbitrary>], iteration_bounds = array<i64: 4>, scalar_prefetch = 0 : i64, scratch_operands = 0 : i64, tpu.core_type = #tpu.core_type<tc>, window_params = [{transform_indices = @transform_0, window_bounds = array<i64: 4, 384, 256>}, {transform_indices = @transform_1, window_bounds = array<i64: 4, 256, 256>}]} {
    %get3A = arith.constant 0 : index
    %get3A_0 = arith.constant 0 : index
    %get3A_1 = arith.constant 0 : index
    %get3A_2 = vector.load %arg1[%get3A, %get3A_0, %get3A_1] : memref<4x384x256xf32, #tpu.memory_space<vmem>>, vector<1x384x256xf32>
    %get3A_3 = vector.shape_cast %get3A_2 : vector<1x384x256xf32> to vector<384x256xf32>
    %dot_general3A = arith.constant dense<0.000000e+00> : vector<256x256xf32>
    %dot_general3A_4 = tpu.matmul %get3A_3, %get3A_3, %dot_general3A {dimension_numbers = #tpu.dot_dimension_numbers<[0], [0], [1], [1], [0, 1, 1, 1], [], []>, transpose_lhs_hint = false} : vector<384x256xf32>, vector<384x256xf32>, vector<256x256xf32> -> vector<256x256xf32>
    %mul3A = arith.mulf %get3A_3, %get3A_3 : vector<384x256xf32>
    %reduce_sum3A = arith.constant dense<0.000000e+00> : vector<256xf32>
    %reduce_sum3A_5 = vector.multi_reduction <add>, %mul3A, %reduce_sum3A [0] : vector<384x256xf32> to vector<256xf32>
    %broadcast_in_dim3A = vector.shape_cast %reduce_sum3A_5 : vector<256xf32> to vector<1x256xf32>
    %mul3A_6 = arith.constant 2.000000e+00 : f32
    %mul3A_7 = vector.broadcast %mul3A_6 : f32 to vector<256x256xf32>
    %mul3A_8 = arith.mulf %mul3A_7, %dot_general3A_4 : vector<256x256xf32>
    %sub3A = vector.broadcast %broadcast_in_dim3A : vector<1x256xf32> to vector<256x256xf32>
    %sub3A_9 = arith.subf %sub3A, %mul3A_8 : vector<256x256xf32>
    %swap3A = arith.constant 0 : index
    %swap3A_10 = arith.constant 0 : index
    %swap3A_11 = arith.constant 0 : index
    %swap3A_12 = vector.load %arg2[%swap3A, %swap3A_10, %swap3A_11] : memref<4x256x256xf32, #tpu.memory_space<vmem>>, vector<1x256x256xf32>
    %swap3A_13 = vector.shape_cast %swap3A_12 : vector<1x256x256xf32> to vector<256x256xf32>
    %swap3A_14 = vector.shape_cast %sub3A_9 : vector<256x256xf32> to vector<1x256x256xf32>
    tpu.vector_store %arg2[%swap3A, %swap3A_10, %swap3A_11], %swap3A_14 {strides = array<i32>} : memref<4x256x256xf32, #tpu.memory_space<vmem>>, vector<1x256x256xf32>,
    %get3A_15 = arith.constant 1 : index
    %get3A_16 = arith.constant 0 : index
    %get3A_17 = arith.constant 0 : index
    %get3A_18 = vector.load %arg1[%get3A_15, %get3A_16, %get3A_17] : memref<4x384x256xf32, #tpu.memory_space<vmem>>, vector<1x384x256xf32>
    %get3A_19 = vector.shape_cast %get3A_18 : vector<1x384x256xf32> to vector<384x256xf32>
    %dot_general3A_20 = arith.constant dense<0.000000e+00> : vector<256x256xf32>
    %dot_general3A_21 = tpu.matmul %get3A_19, %get3A_19, %dot_general3A_20 {dimension_numbers = #tpu.dot_dimension_numbers<[0], [0], [1], [1], [0, 1, 1, 1], [], []>, transpose_lhs_hint = false} : vector<384x256xf32>, vector<384x256xf32>, vector<256x256xf32> -> vector<256x256xf32>
    %mul3A_22 = arith.mulf %get3A_19, %get3A_19 : vector<384x256xf32>
    %reduce_sum3A_23 = arith.constant dense<0.000000e+00> : vector<256xf32>
    %reduce_sum3A_24 = vector.multi_reduction <add>, %mul3A_22, %reduce_sum3A_23 [0] : vector<384x256xf32> to vector<256xf32>
    %broadcast_in_dim3A_25 = vector.shape_cast %reduce_sum3A_24 : vector<256xf32> to vector<1x256xf32>
    %mul3A_26 = arith.constant 2.000000e+00 : f32
    %mul3A_27 = vector.broadcast %mul3A_26 : f32 to vector<256x256xf32>
    %mul3A_28 = arith.mulf %mul3A_27, %dot_general3A_21 : vector<256x256xf32>
    %sub3A_29 = vector.broadcast %broadcast_in_dim3A_25 : vector<1x256xf32> to vector<256x256xf32>
    %sub3A_30 = arith.subf %sub3A_29, %mul3A_28 : vector<256x256xf32>
    %swap3A_31 = arith.constant 1 : index
    %swap3A_32 = arith.constant 0 : index
    %swap3A_33 = arith.constant 0 : index
    %swap3A_34 = vector.load %arg2[%swap3A_31, %swap3A_32, %swap3A_33] : memref<4x256x256xf32, #tpu.memory_space<vmem>>, vector<1x256x256xf32>
    %swap3A_35 = vector.shape_cast %swap3A_34 : vector<1x256x256xf32> to vector<256x256xf32>
    %swap3A_36 = vector.shape_cast %sub3A_30 : vector<256x256xf32> to vector<1x256x256xf32>
    tpu.vector_store %arg2[%swap3A_31, %swap3A_32, %swap3A_33], %swap3A_36 {strides = array<i32>} : memref<4x256x256xf32, #tpu.memory_space<vmem>>, vector<1x256x256xf32>,
    %get3A_37 = arith.constant 2 : index
    %get3A_38 = arith.constant 0 : index
    %get3A_39 = arith.constant 0 : index
    %get3A_40 = vector.load %arg1[%get3A_37, %get3A_38, %get3A_39] : memref<4x384x256xf32, #tpu.memory_space<vmem>>, vector<1x384x256xf32>
    %get3A_41 = vector.shape_cast %get3A_40 : vector<1x384x256xf32> to vector<384x256xf32>
    %dot_general3A_42 = arith.constant dense<0.000000e+00> : vector<256x256xf32>
    %dot_general3A_43 = tpu.matmul %get3A_41, %get3A_41, %dot_general3A_42 {dimension_numbers = #tpu.dot_dimension_numbers<[0], [0], [1], [1], [0, 1, 1, 1], [], []>, transpose_lhs_hint = false} : vector<384x256xf32>, vector<384x256xf32>, vector<256x256xf32> -> vector<256x256xf32>
    %mul3A_44 = arith.mulf %get3A_41, %get3A_41 : vector<384x256xf32>
    %reduce_sum3A_45 = arith.constant dense<0.000000e+00> : vector<256xf32>
    %reduce_sum3A_46 = vector.multi_reduction <add>, %mul3A_44, %reduce_sum3A_45 [0] : vector<384x256xf32> to vector<256xf32>
    %broadcast_in_dim3A_47 = vector.shape_cast %reduce_sum3A_46 : vector<256xf32> to vector<1x256xf32>
    %mul3A_48 = arith.constant 2.000000e+00 : f32
    %mul3A_49 = vector.broadcast %mul3A_48 : f32 to vector<256x256xf32>
    %mul3A_50 = arith.mulf %mul3A_49, %dot_general3A_43 : vector<256x256xf32>
    %sub3A_51 = vector.broadcast %broadcast_in_dim3A_47 : vector<1x256xf32> to vector<256x256xf32>
    %sub3A_52 = arith.subf %sub3A_51, %mul3A_50 : vector<256x256xf32>
    %swap3A_53 = arith.constant 2 : index
    %swap3A_54 = arith.constant 0 : index
    %swap3A_55 = arith.constant 0 : index
    %swap3A_56 = vector.load %arg2[%swap3A_53, %swap3A_54, %swap3A_55] : memref<4x256x256xf32, #tpu.memory_space<vmem>>, vector<1x256x256xf32>
    %swap3A_57 = vector.shape_cast %swap3A_56 : vector<1x256x256xf32> to vector<256x256xf32>
    %swap3A_58 = vector.shape_cast %sub3A_52 : vector<256x256xf32> to vector<1x256x256xf32>
    tpu.vector_store %arg2[%swap3A_53, %swap3A_54, %swap3A_55], %swap3A_58 {strides = array<i32>} : memref<4x256x256xf32, #tpu.memory_space<vmem>>, vector<1x256x256xf32>,
    %get3A_59 = arith.constant 3 : index
    %get3A_60 = arith.constant 0 : index
    %get3A_61 = arith.constant 0 : index
    %get3A_62 = vector.load %arg1[%get3A_59, %get3A_60, %get3A_61] : memref<4x384x256xf32, #tpu.memory_space<vmem>>, vector<1x384x256xf32>
    %get3A_63 = vector.shape_cast %get3A_62 : vector<1x384x256xf32> to vector<384x256xf32>
    %dot_general3A_64 = arith.constant dense<0.000000e+00> : vector<256x256xf32>
    %dot_general3A_65 = tpu.matmul %get3A_63, %get3A_63, %dot_general3A_64 {dimension_numbers = #tpu.dot_dimension_numbers<[0], [0], [1], [1], [0, 1, 1, 1], [], []>, transpose_lhs_hint = false} : vector<384x256xf32>, vector<384x256xf32>, vector<256x256xf32> -> vector<256x256xf32>
    %mul3A_66 = arith.mulf %get3A_63, %get3A_63 : vector<384x256xf32>
    %reduce_sum3A_67 = arith.constant dense<0.000000e+00> : vector<256xf32>
    %reduce_sum3A_68 = vector.multi_reduction <add>, %mul3A_66, %reduce_sum3A_67 [0] : vector<384x256xf32> to vector<256xf32>
    %broadcast_in_dim3A_69 = vector.shape_cast %reduce_sum3A_68 : vector<256xf32> to vector<1x256xf32>
    %mul3A_70 = arith.constant 2.000000e+00 : f32
    %mul3A_71 = vector.broadcast %mul3A_70 : f32 to vector<256x256xf32>
    %mul3A_72 = arith.mulf %mul3A_71, %dot_general3A_65 : vector<256x256xf32>
    %sub3A_73 = vector.broadcast %broadcast_in_dim3A_69 : vector<1x256xf32> to vector<256x256xf32>
    %sub3A_74 = arith.subf %sub3A_73, %mul3A_72 : vector<256x256xf32>
    %swap3A_75 = arith.constant 3 : index
    %swap3A_76 = arith.constant 0 : index
    %swap3A_77 = arith.constant 0 : index
    %swap3A_78 = vector.load %arg2[%swap3A_75, %swap3A_76, %swap3A_77] : memref<4x256x256xf32, #tpu.memory_space<vmem>>, vector<1x256x256xf32>
    %swap3A_79 = vector.shape_cast %swap3A_78 : vector<1x256x256xf32> to vector<256x256xf32>
    %swap3A_80 = vector.shape_cast %sub3A_74 : vector<256x256xf32> to vector<1x256x256xf32>
    tpu.vector_store %arg2[%swap3A_75, %swap3A_76, %swap3A_77], %swap3A_80 {strides = array<i32>} : memref<4x256x256xf32, #tpu.memory_space<vmem>>, vector<1x256x256xf32>,
    return
  }
  func.func @transform_0(%arg0: i32) -> (i32, i32, i32) {
    %add3A = arith.constant 0 : i32
    %add3A_0 = arith.addi %add3A, %arg0 : i32
    %c0_i32 = arith.constant 0 : i32
    %c0_i32_1 = arith.constant 0 : i32
    %c0_i32_2 = arith.constant 0 : i32
    return %add3A_0, %c0_i32, %c0_i32_1 : i32, i32, i32
  }
  func.func @transform_1(%arg0: i32) -> (i32, i32, i32) {
    %c0_i32 = arith.constant 0 : i32
    %c0_i32_0 = arith.constant 0 : i32
    %c0_i32_1 = arith.constant 0 : i32
    return %arg0, %c0_i32, %c0_i32_0 : i32, i32, i32
  }
}

</mosaic_0001>

<sc_bundles>
// kernel: kernel.6.cloned.1.call-start
scs
__scs_entry_jumppad:
0x0: {  	(pc) =	sbr.rel $0x88, $3  }
0x1: {  	(tag) =	ssettag $0x0;
	lr =	simm.s32 $0x1  }
0x2: {  	[smem:$0x3F9F] =	sst lr;
	_ =	strace $0xD0000000  }
0x3: {  	_ = 	snop  }
0x4: {  	_ = 	snop  }
0x5: {  	_ = 	snop  }
0x6: {  	_ = 	snop  }
0x7: {  	_ = 	snop  }
__scs_overlays_trampoline_lowered:
0x8: {  	[smem:$0x3FAE] =	sst s0  }
0x9: {  	[smem:$0x3FAF] =	sst s1  }
0xa: {  	[smem:$0x3FB0] =	sst s2  }
0xb: {  	[smem:$0x3FB1] =	sst s3  }
0xc: {  	[smem:$0x3FB2] =	sst s4  }
0xd: {  	[smem:$0x3FB3] =	sst s5  }
0xe: {  	[smem:$0x3FB4] =	sst s6  }
0xf: {  	[smem:$0x3FB5] =	sst s7  }
0x10: {  	[smem:$0x3FB6] =	sst s8  }
0x11: {  	[smem:$0x3FB7] =	sst s9;
	s0 =	simm.s32 @!p0 $0x0  }
0x12: {  	s1 =	sld [smem:$0x3F9D];
	s0 =	simm.s32 @p0 $0x1  }
0x13: {  	[smem:$0x3FB8] =	sst s0;
	s0 =	simm.s32 @!p1 $0x0  }
0x14: {  	s2 =	sld [smem:$0x3F9C];
	s0 =	simm.s32 @p1 $0x1  }
0x15: {  	[smem:$0x3FB9] =	sst s0;
	s0 =	simm.s32 @!p2 $0x0  }
0x16: {  	s3 =	sld [smem:$0x3FDB];
	s0 =	simm.s32 @p2 $0x1  }
0x17: {  	s4 =	simm.s32 $0x1BF5;
	[smem:$0x3FBB] =	sst s0  }
0x18: {  	s0 =	sld [smem:$0x3F9E];
	_ =	swait.ge [sflag:s4], $0x0  }
0x19: {  	s7 =	sld [smem:$0x3F9F]  }
0x1a: {  	s8 =	sadd.s32 $0xFFFFE003, lr  }
0x1b: {  	s9 =	sadd.s32 $0xFFFFFEF7, lr;
	s5 =	simm.s32 $0xFFFFFFFF;
	p2 =	slt.u32 s8, $0xFFFFF086  }
0x1c: {  	p1 =	slt.u32 s9, $0xF7A;
	s5 =	simm.s32 @!p2 $0x0  }
0x1d: {  	s5 =	simm.s32 @p1 $0x1;
	p0 =	seq.s32 s7, s2  }
0x1e: {  	s7 =	smul.u32 @!p0 $0xF7A, s2;
	p2 =	seq.s32 @!p0 s5, $0x0  }
0x1f: {  	s9 =	smul.u32 $0xF7A, s1;
	s8 =	simm.s32 @!p0 $0x1BF5;
	p2 =	por !p2, p0  }
0x20: {  	[sflag:s8] =	ssyncset.s32 @!p0 $0xFFFFF086;
	s6 =	sadd.s32 @!p0 s3, s7;
	s7 =	simm.s32 @!p0 $0x108  }
0x21: {  	s3 =	sadd.s32 s3, s9;
	s6 =	sadd.s32 @!p0 $0x88, s6;
	s7 =	simm.s32 @p2 $0x1082  }
0x22: {  	[simem:s7], [sflag:s8] =	dma.local @!p0 [hbm:s6], $0xF7A  }
0x23: {  	s9 =	sor.u32 $0xD0000000, s2;
	s6 =	simm.s32 $0x108;
	_ =	swait.ge @!p0 [sflag:s8], $0x0  }
0x24: {  	s3 =	sadd.s32 $0x88, s3;
	s6 =	simm.s32 @!p1 $0x1082;
	[sflag:s4] =	ssyncset.s32 $0xFFFFF086  }
0x25: {  	[simem:s6], [sflag:s4] =	dma.local [hbm:s3], $0xF7A  }
0x26: {  	[smem:$0x3F9F] =	sst s1;
	(tag) =	ssettag s2;
	_ =	strace s9  }
0x27: {  	s1 =	sld [smem:$0x3FAF]  }
0x28: {  	s2 =	sld [smem:$0x3FB0]  }
0x29: {  	s4 =	sld [smem:$0x3FB2]  }
0x2a: {  	p0 =	seq.s32 s5, $0x0;
	s5 =	sld [smem:$0x3FB3]  }
0x2b: {  	s6 =	sld [smem:$0x3FB4]  }
0x2c: {  	s7 =	sld [smem:$0x3FB5]  }
0x2d: {  	s3 =	simm.s32 $0x108;
	s8 =	sld [smem:$0x3FB6]  }
0x2e: {  	s3 =	simm.s32 @!p0 $0x1082;
	s9 =	sld [smem:$0x3FB7]  }
0x2f: {  	lr =	sadd.s32 s0, s3;
	s0 =	sld [smem:$0x3FAE]  }
0x30: {  	s3 =	sld [smem:$0x3FB1]  }
0x31: {  	[smem:$0x3FBA] =	sst s10  }
0x32: {  	s10 =	sld [smem:$0x3FB8];
	_ =	sdelay $0x3  }
0x33: {  	p0 =	seq.s32 s10, $0x1;
	s10 =	sld [smem:$0x3FBA];
	_ =	sdelay $0x3  }
0x34: {  	[smem:$0x3FBA] =	sst s10  }
0x35: {  	s10 =	sld [smem:$0x3FB9];
	_ =	sdelay $0x3  }
0x36: {  	p1 =	seq.s32 s10, $0x1;
	s10 =	sld [smem:$0x3FBA];
	_ =	sdelay $0x3  }
0x37: {  	[smem:$0x3FBA] =	sst s10  }
0x38: {  	s10 =	sld [smem:$0x3FBB]  }
0x39: {  	_ = 	snop;
	(pc) =	sbr.ind lr, $3  }
0x3a: {  	_ = 	snop  }
0x3b: {  	_ = 	snop  }
0x3c: {  	p2 =	seq.s32 s10, $0x1;
	s10 =	sld [smem:$0x3FBA]  }
0x3d: {  	_ =	shalt  }
0x3e: {  	_ =	shalt  }
0x3f: {  	_ =	shalt  }
0x40: {  	_ =	shalt  }
0x41: {  	_ =	shalt  }
0x42: {  	_ =	shalt  }
0x43: {  	_ =	shalt  }
0x44: {  	_ =	shalt  }
0x45: {  	_ =	shalt  }
0x46: {  	_ =	shalt  }
0x47: {  	_ =	shalt  }
0x48: {  	_ =	shalt  }
0x49: {  	_ =	shalt  }
0x4a: {  	_ =	shalt  }
0x4b: {  	_ =	shalt  }
0x4c: {  	_ =	shalt  }
0x4d: {  	_ =	shalt  }
0x4e: {  	_ =	shalt  }
0x4f: {  	_ =	shalt  }
0x50: {  	_ =	shalt  }
0x51: {  	_ =	shalt  }
0x52: {  	_ =	shalt  }
0x53: {  	_ =	shalt  }
0x54: {  	_ =	shalt  }
0x55: {  	_ =	shalt  }
0x56: {  	_ =	shalt  }
0x57: {  	_ =	shalt  }
0x58: {  	_ =	shalt  }
0x59: {  	_ =	shalt  }
0x5a: {  	_ =	shalt  }
0x5b: {  	_ =	shalt  }
0x5c: {  	_ =	shalt  }
0x5d: {  	_ =	shalt  }
0x5e: {  	_ =	shalt  }
0x5f: {  	_ =	shalt  }
0x60: {  	_ =	shalt  }
0x61: {  	_ =	shalt  }
0x62: {  	_ =	shalt  }
0x63: {  	_ =	shalt  }
0x64: {  	_ =	shalt  }
0x65: {  	_ =	shalt  }
0x66: {  	_ =	shalt  }
0x67: {  	_ =	shalt  }
0x68: {  	_ =	shalt  }
0x69: {  	_ =	shalt  }
0x6a: {  	_ =	shalt  }
0x6b: {  	_ =	shalt  }
0x6c: {  	_ =	shalt  }
0x6d: {  	_ =	shalt  }
0x6e: {  	_ =	shalt  }
0x6f: {  	_ =	shalt  }
0x70: {  	_ =	shalt  }
0x71: {  	_ =	shalt  }
0x72: {  	_ =	shalt  }
0x73: {  	_ =	shalt  }
0x74: {  	_ =	shalt  }
0x75: {  	_ =	shalt  }
0x76: {  	_ =	shalt  }
0x77: {  	_ =	shalt  }
0x78: {  	_ =	shalt  }
0x79: {  	_ =	shalt  }
0x7a: {  	_ =	shalt  }
0x7b: {  	_ =	shalt  }
0x7c: {  	_ =	shalt  }
0x7d: {  	_ =	shalt  }
0x7e: {  	_ =	shalt  }
0x7f: {  	_ =	shalt  }
0x80: {  	_ =	shalt  }
0x81: {  	_ =	shalt  }
0x82: {  	_ =	shalt  }
0x83: {  	_ =	shalt  }
0x84: {  	_ =	shalt  }
0x85: {  	_ =	shalt  }
0x86: {  	_ =	shalt  }
0x87: {  	_ =	shalt  }
.Lfunc_end0:
.L_simem_size_0:
called_computation_lowered:
.L_overlay_start_0:
0x88: {  	s2 =	sld [smem:$0x3FD9]  }
0x89: {  	s3 =	sld [smem:$0x3FFE];
	_ =	sdelay $0x1  }
0x8a: {  	s1 =	srdreg.scid  }
0x8b: {  	s0 =	sand.u32 $0x1, s1  }
0x8c: {  	s16 =	sshll.u32 s0, $0xA;
	s2 =	sadd.s32 s3, s2  }
0x8d: {  	s2 =	sadd.s32 s2, s16  }
0x8e: {  	[smem:$0x3FC6] =	sst s2  }
0x8f: {  	_ = 	snop  }
0x90: {  	(tm) =	ssettm $0x1  }
0x91: {  	s17 =	sld [smem:$0x3FFB];
	_ =	sdelay $0x3  }
0x92: {  	_ =	strace s17  }
0x93: {  	s2 =	sld [smem:$0x3FFC];
	_ =	sdelay $0x3  }
0x94: {  	_ =	strace s2  }
0x95: {  	s2 =	sld [smem:$0x3FFD];
	_ =	sdelay $0x3  }
0x96: {  	_ =	strace s2  }
0x97: {  	_ =	strace $0x8FFFFFFF  }
0x98: {  	s18 =	sld [smem:$0x3FDB];
	_ =	sdelay $0x1  }
0x99: {  	s19 =	simm.s32 $_scs_section_size  }
0x9a: {  	s4 =	simm.s32 $_size__tile_overlayer_lowered;
	s5 =	simm.s32 $_tile_overlayer_lowered  }
0x9b: {  	s22 =	simm.s32 $0x1BFF;
	s21 =	sshll.u32 s5, $0x1;
	s2 =	sadd.s32 s19, s18  }
0x9c: {  	s6 =	simm.s32 $0x0;
	s20 =	sshll.u32 s4, $0x1;
	s4 =	sadd.s32 s21, s2  }
0x9d: {  	[timem:s6], [sflag:s22] =	dma.local [hbm:s4], s20  }
0x9e: {  	_ =	swait.ge [sflag:s22], s20  }
0x9f: {  	s3 =	ssub.s32 $0x0, s20;
	[sflag:s22] =	ssyncset.done $0x0  }
0xa0: {  	[sflag:s22] =	ssyncadd.s32 s3;
	_ =	sdelay $0x1  }
0xa1: {  	s23 =	simm.s32 $0x1B8B  }
0xa2: {  	_ =	swait.ge [sflag:s23], $0x1  }
0xa3: {  	[sflag:s23] =	ssyncset.done $0x0  }
0xa4: {  	s25 =	simm.s32 $0x1B8E;
	s24 =	sld [smem:$0x3FFE];
	[sflag:s23] =	ssyncadd.s32 $0xFFFFFFFF  }
0xa5: {  	s26 =	simm.s32 $execute0_lowered;
	[smem:$0x3FD2] =	sst s25  }
0xa6: {  	s4 =	sshll.u32 s26, $0x1;
	_ =	strace $0x80000046;
	[dreg:$0x1] =	wrdreg $0xFFFFFFFF  }
0xa7: {  	s28 =	simm.s32 $_size_execute0_lowered;
	s2 =	sadd.s32 s2, s4;
	[dreg:$0x0] =	wrdreg $0x0  }
0xa8: {  	s4 =	sshll.u32 s28, $0x1;
	[dreg:$0x2] =	wrdreg s2  }
0xa9: {  	[dreg:$0x3] =	wrdreg s4  }
0xaa: {  	[dreg:$0x4] =	wrdreg $0xC0  }
0xab: {  	_ =	task [dreg:s6], $0x5FFFF  }
0xac: {  	[dreg:$0x1] =	wrdreg $0xFFFFFFFF  }
0xad: {  	[dreg:$0x0] =	wrdreg $0x60  }
0xae: {  	[dreg:$0x2] =	wrdreg s24  }
0xaf: {  	[dreg:$0x3] =	wrdreg $0x9  }
0xb0: {  	_ =	task.clear_ibuf [dreg:s6], $0x4FFFF;
	_ =	strace $0x90000046  }
0xb1: {  	s29 =	simm.s32 $0x9;
	_ =	strace $0x80000048  }
0xb2: {  	_ =	swait.ge [sflag:s29], $0x1  }
0xb3: {  	[sflag:s29] =	ssyncadd.s32 $0xFFFFFFFF  }
0xb4: {  	_ =	strace $0x90000048  }
0xb5: {  	_ =	sfence  }
0xb6: {  	s30 =	sld [smem:$0x0];
	_ =	sdelay $0x2  }
0xb7: {  	s31 =	sshll.u32 s1, $0xD;
	s1 =	sshrl.u32 s1, $0x2  }
0xb8: {  	s3 =	sand.u32 $0x4000, s31;
	s1 =	sadd.s32 s1, s30  }
0xb9: {  	s0 =	sor.u32 s3, s0;
	s1 =	sshll.u32 s1, $0x11  }
0xba: {  	s0 =	sor.u32 s1, s0  }
0xbb: {  	s0 =	sadd.s32 $0x8F2B, s0  }
0xbc: {  	[sflag:s0] =	ssyncadd.remote.s32 $0x1  }
0xbd: {  	_ =	sfence.sel $0xFFFF  }
0xbe: {  	[dreg:$0x0] =	wrdreg $0xFFFFFFFF;
	(pc) =	sbr.abs _section_cstart, $3  }
0xbf: {  	[dreg:$0x1] =	wrdreg $0xFFFFFFFF  }
0xc0: {  	_ =	task.clear_ibuf [dreg:s6], $0x2FFFF;
	_ =	strace $0x9FFFFFFF  }
0xc1: {  	(tm) =	ssettm $0x7FFFFFFF  }
tec
execute0_lowered:
.L_overlay_start_1:
0x0: {  	(tag) =	ssettag $0x1  }
0x1: {  	s3 =	rddreg [dreg:$0x0]  }
0x2: {  	s0 =	rddreg [dreg:$0x1]  }
0x3: {  	s4 =	srdreg.scid;
	s1 =	stileid.u32  }
0x4: {  	s2 =	simm.s32 $0x0;
	s11 =	simm.s32 $0x80;
	s12 =	simm.s32 $0x400  }
0x5: {  	s13 =	simm.s32 $0x8100;
	s14 =	simm.s32 $0x8600;
	s15 =	simm.s32 $0x0  }
0x6: {  	s7 =	sand.u32 $0x1, s4;
	s26 =	sshll.u32 s1, $0x1;
	[smem:$0x7FF] =	sst s2  }
0x7: {  	s5 =	sshrl.u32 s1, $0x2;
	s28 =	sadd.s32 $0x20C00, s3;
	s31 =	sshll.u32 s1, $0x8  }
0x8: {  	v1 =	vlaneseq.u32;
	s4 =	sor.u32 s7, s26;
	s5 =	smul.u32 $0x2400, s5;
	_ =	strace $0x80000047  }
0x9: {  	v2 =	vor.u32 $0x10, v1;
	s9 =	ssub.s32 $0x2, s7;
	s7 =	sshll.u32 s7, $0x7;
	s6 =	sshll.u32 s4, $0xC  }
0xa: {  	v3 =	vor.u32 $0x20, v1;
	v4 =	vor.u32 $0x30, v1;
	v5 =	vor.u32 $0x40, v1;
	s4 =	sshll.u32 s4, $0x7;
	s29 =	sshrl.u32 s9, $0x1;
	s7 =	sor.u32 s7, s31  }
0xb: {  	v6 =	vor.u32 $0x50, v1;
	v7 =	vor.u32 $0x60, v1;
	v8 =	vor.u32 $0x70, v1;
	s6 =	sadd.s32 s6, s3;
	s8 =	sand.u32 $0x380, s4;
	s4 =	sand.u32 $0xF00, s4  }
0xc: {  	v9 =	vor.u32 $0x80, v1;
	v10 =	vor.u32 $0x90, v1;
	v11 =	vor.u32 $0xA0, v1;
	s9 =	ssub.s32 s9, s29;
	s5 =	sor.u32 s5, s8;
	s3 =	sadd.s32 $0xC00, s6  }
0xd: {  	v12 =	vor.u32 $0xB0, v1;
	v17 =	vmul.u32 $0xFFFFFFFF, v1;
	v13 =	vor.u32 $0xC0, v1;
	s6 =	smax.u32 s9, $0x1;
	s8 =	simm.s32 $0x1;
	s30 =	sadd.s32 $0x9000, s5  }
0xe: {  	v14 =	vor.u32 $0xD0, v1;
	v15 =	vor.u32 $0xE0, v1;
	v16 =	vor.u32 $0xF0, v1;
	s9 =	simm.s32 $0x8000;
	s5 =	sshrl.u32 s5, $0x3;
	s10 =	sshrl.u32 s30, $0x3  }
0xf: {  	v18 =	vmul.u32 $0x2, v1;
	v17 =	vadd.s32 $0xF, v17;
	v0 =	vmov s4;
	s4 =	sadd.s32 s28, s5;
	s5 =	sadd.s32 s28, s10;
	s10 =	simm.s32 $0x8080  }
.LBB2_1:
0x10: {  	[tilespmem:s2], [sflag:$0x1] =	stream.linear.gather [hbm4b:s3+s2], $0x8000, $0x38;
	[tilespmem:$0x8B00] =	vst v63  }
0x11: {  	s16 =	simm.s32 $0x8109;
	_ =	swait.ge [sflag:s8], $0x8000  }
0x12: {  	s17 =	smov.u32 s7;
	s18 =	simm.s32 $0x0;
	[sflag:s8] =	ssyncset.done $0x0  }
0x13: {  	s19 =	simm.s32 $0x8600;
	s20 =	simm.s32 $0x0;
	[sflag:s8] =	ssyncadd.s32 $0xFFFF8000  }
.LBB2_2:
0x14: {  	s21 =	sand.u32 $0x7800, s18;
	s22 =	sand.u32 $0x300, s20  }
0x15: {  	s22 =	sor.u32 s22, s21  }
0x16: {  	v19 =	vld [tilespmem:s22+$0x0]  }
0x17: {  	v20 =	vld [tilespmem:s22+$0x10];
	_ =	sdelay $0x1  }
0x18: {  	v21 =	vld [tilespmem:s22+$0x20]  }
0x19: {  	v22 =	vld [tilespmem:s22+$0x30]  }
0x1a: {  	(xrf1) =	vsort.ascd.msk.f32 $0xffff, v19, v1  }
0x1b: {  	v19 =	vld [tilespmem:s22+$0x40];
	(xrf1) =	vsort.ascd.msk.f32 $0xffff, v20, v2  }
0x1c: {  	v20 =	vld [tilespmem:s22+$0x50]  }
0x1d: {  	(xrf1) =	vsort.ascd.msk.f32 $0xffff, v21, v3  }
0x1e: {  	v52 =	vld [tilespmem:s22+$0x60];
	(xrf1) =	vsort.ascd.msk.f32 $0xffff, v22, v4  }
0x1f: {  	v53 =	vld [tilespmem:s22+$0x70]  }
0x20: {  	(xrf1) =	vsort.ascd.msk.f32 $0xffff, v19, v5;
	v19 =	vld [tilespmem:s22+$0x400]  }
0x21: {  	(xrf1) =	vsort.ascd.msk.f32 $0xffff, v20, v6;
	v20 =	vld [tilespmem:s22+$0x410]  }
0x22: {  	v23 =	vld [tilespmem:s22+$0x420]  }
0x23: {  	v54 =	vld [tilespmem:s22+$0x430];
	(xrf1) =	vsort.ascd.msk.f32 $0xffff, v52, v7  }
0x24: {  	v55 =	vld [tilespmem:s22+$0x440];
	(xrf1) =	vsort.ascd.msk.f32 $0xffff, v53, v8  }
0x25: {  	(xrf1) =	vsort.ascd.msk.f32 $0xffff, v19, v9;
	v19 =	vld [tilespmem:s22+$0x450]  }
0x26: {  	(xrf1) =	vsort.ascd.msk.f32 $0xffff, v20, v10;
	v20 =	vld [tilespmem:s22+$0x460]  }
0x27: {  	v56 =	vld [tilespmem:s22+$0x470];
	(xrf1) =	vsort.ascd.msk.f32 $0xffff, v23, v11  }
0x28: {  	v24, v25, _ =	vpop (xrf1);
	(xrf1) =	vsort.ascd.msk.f32 $0xffff, v54, v12  }
0x29: {  	v57, v26, _ =	vpop (xrf1);
	(xrf1) =	vsort.ascd.msk.f32 $0xffff, v55, v13  }
0x2a: {  	(xrf1) =	vsort.ascd.msk.f32 $0xffff, v19, v14;
	v19 =	vperm.xlane v57, v17  }
0x2b: {  	v59, v58, _ =	vpop (xrf1);
	(xrf1) =	vsort.ascd.msk.f32 $0xffff, v20, v15;
	v20 =	vperm.xlane v26, v17  }
0x2c: {  	v60, v27, _ =	vpop (xrf1);
	(xrf1) =	vsort.ascd.msk.f32 $0xffff, v56, v16;
	vm0 =	vle.f32 v24, v19;
	v61 =	vmin.f32 v24, v19  }
0x2d: {  	v19 =	vmax.f32 v24, v19;
	v62 =	vperm.xlane v60, v17;
	v28 =	vsel vm0, v25, v20  }
0x2e: {  	v32 =	vperm.xlane v27, v17;
	v63, v29, _ =	vpop (xrf1);
	v20 =	vsel vm0, v20, v25;
	(xrf1) =	vsort.ascd.msk.f32 $0xffff, v61, v28  }
0x2f: {  	v33, v34, _ =	vpop (xrf1);
	vm8 =	vle.f32 v59, v62;
	(xrf1) =	vsort.ascd.msk.f32 $0xffff, v19, v20  }
0x30: {  	v19 =	vmin.f32 v59, v62;
	v20 =	vsel vm8, v58, v32;
	v35 =	vperm.xlane v33, v17  }
0x31: {  	v21 =	vmax.f32 v59, v62;
	v37, v36, _ =	vpop (xrf1);
	(xrf1) =	vsort.ascd.msk.f32 $0xffff, v19, v20;
	v19 =	vperm.xlane v34, v17  }
0x32: {  	v22 =	vsel vm8, v32, v58;
	vm9 =	vle.f32 v63, v35;
	v39 =	vmin.f32 v63, v35  }
0x33: {  	v24 =	vmax.f32 v63, v35;
	v20, v38, _ =	vpop (xrf1);
	(xrf1) =	vsort.ascd.msk.f32 $0xffff, v21, v22;
	v40 =	vsel vm9, v29, v19  }
0x34: {  	v19 =	vsel vm9, v19, v29;
	v20 =	vperm.xlane v20, v17;
	v42, v41, _ =	vpop (xrf1);
	(xrf1) =	vsort.ascd.msk.f32 $0xffff, v39, v40  }
0x35: {  	v43 =	vperm.xlane v38, v17;
	v44, v45, _ =	vpop (xrf1);
	(xrf1) =	vsort.ascd.msk.f32 $0xffff, v24, v19  }
0x36: {  	vm10 =	vle.f32 v37, v20;
	v19 =	vmin.f32 v37, v20;
	v22 =	vperm.xlane v44, v17  }
0x37: {  	v20 =	vmax.f32 v37, v20;
	v48, v47, _ =	vpop (xrf1);
	v46 =	vsel vm10, v36, v43;
	v21 =	vsel vm10, v43, v36  }
0x38: {  	v50, v49, _ =	vpop (xrf1);
	(xrf1) =	vsort.ascd.msk.f32 $0xffff, v19, v46;
	v19 =	vperm.xlane v45, v17;
	vm11 =	vle.f32 v42, v22  }
0x39: {  	v23 =	vperm.xlane v50, v17;
	v53, v52, _ =	vpop (xrf1);
	(xrf1) =	vsort.ascd.msk.f32 $0xffff, v20, v21;
	v20 =	vmin.f32 v42, v22  }
0x3a: {  	v22 =	vmax.f32 v42, v22;
	v54, v55, _ =	vpop (xrf1);
	v51 =	vsel vm11, v41, v19;
	v19 =	vsel vm11, v19, v41  }
0x3b: {  	v21 =	vperm.xlane v54, v17;
	(xrf1) =	vsort.ascd.msk.f32 $0xffff, v20, v51;
	v20 =	vperm.xlane v49, v17  }
0x3c: {  	vm12 =	vle.f32 v48, v23;
	(xrf1) =	vsort.ascd.msk.f32 $0xffff, v22, v19;
	v19 =	vmin.f32 v48, v23  }
0x3d: {  	v23 =	vmax.f32 v48, v23;
	vm13 =	vle.f32 v53, v21;
	v56 =	vsel vm12, v47, v20  }
0x3e: {  	v58, v57, _ =	vpop (xrf1);
	v20 =	vsel vm12, v20, v47;
	(xrf1) =	vsort.ascd.msk.f32 $0xffff, v19, v56;
	v19 =	vperm.xlane v55, v17  }
0x3f: {  	v59, v60, _ =	vpop (xrf1);
	(xrf1) =	vsort.ascd.msk.f32 $0xffff, v23, v20;
	v20 =	vmin.f32 v53, v21;
	v21 =	vmax.f32 v53, v21  }
0x40: {  	v22 =	vperm.xlane v59, v17;
	v62, v61, _ =	vpop (xrf1);
	v30 =	vsel vm13, v52, v19;
	v19 =	vsel vm13, v19, v52  }
0x41: {  	v63, v31, _ =	vpop (xrf1);
	(xrf1) =	vsort.ascd.msk.f32 $0xffff, v20, v30;
	v20 =	vperm.xlane v60, v17  }
0x42: {  	vm14 =	vle.f32 v58, v22;
	v38 =	vmin.f32 v58, v22;
	v37, v36, _ =	vpop (xrf1)  }
0x43: {  	v22 =	vmax.f32 v58, v22;
	(xrf1) =	vsort.ascd.msk.f32 $0xffff, v21, v19;
	v19, v21, _ =	vpop (xrf1);
	v32 =	vsel vm14, v57, v20  }
0x44: {  	v20 =	vsel vm14, v20, v57;
	(xrf1) =	vsort.ascd.msk.f32 $0xffff, v38, v32;
	v19 =	vperm.xlane v19, v17  }
0x45: {  	(xrf1) =	vsort.ascd.msk.f32 $0xffff, v22, v20;
	v20 =	vperm.xlane v37, v17  }
0x46: {  	v41 =	vperm.xlane v36, v17;
	v39, v40, _ =	vpop (xrf1);
	v21 =	vperm.xlane v21, v17;
	vm15 =	vle.f32 v62, v19  }
0x47: {  	v42, v43, _ =	vpop (xrf1);
	v19 =	vmin.f32 v62, v19;
	vm1 =	vle.f32 v63, v20;
	v20 =	vmin.f32 v63, v20  }
0x48: {  	v44, v45, _ =	vpop (xrf1);
	v21 =	vsel vm15, v61, v21;
	v25 =	vsel vm1, v31, v41;
	vm4 =	vle.f32 v19, v20  }
0x49: {  	v47, v46, _ =	vpop (xrf1);
	v48 =	vmin.f32 v19, v20;
	v19 =	vmax.f32 v19, v20;
	v49 =	vsel vm4, v21, v25  }
0x4a: {  	v50 =	vperm.xlane v47, v17;
	v20 =	vsel vm4, v25, v21;
	(xrf1) =	vsort.ascd.msk.f32 $0xffff, v48, v49  }
0x4b: {  	(xrf1) =	vsort.ascd.msk.f32 $0xffff, v19, v20;
	v19 =	vperm.xlane v44, v17  }
0x4c: {  	v26 =	vperm.xlane v45, v17;
	v52 =	vperm.xlane v46, v17;
	vm5 =	vle.f32 v39, v50  }
0x4d: {  	v21 =	vmin.f32 v39, v50;
	v20, v51, _ =	vpop (xrf1);
	vm6 =	vle.f32 v42, v19;
	v19 =	vmin.f32 v42, v19  }
0x4e: {  	v24 =	vsel vm5, v40, v52;
	v53, v54, _ =	vpop (xrf1);
	v57 =	vsel vm6, v43, v26;
	vm7 =	vle.f32 v21, v19  }
0x4f: {  	v55, v56, _ =	vpop (xrf1);
	v58 =	vmin.f32 v21, v19;
	v19 =	vmax.f32 v21, v19;
	v59 =	vsel vm7, v24, v57  }
0x50: {  	v26, v28, _ =	vpop (xrf1);
	v60 =	vsel vm7, v57, v24;
	v36 =	vperm.xlane v55, v17;
	(xrf1) =	vsort.ascd.msk.f32 $0xffff, v58, v59  }
0x51: {  	v27 =	vperm.xlane v56, v17;
	v61 =	vperm.xlane v26, v17;
	v62, v63, _ =	vpop (xrf1);
	(xrf1) =	vsort.ascd.msk.f32 $0xffff, v19, v60  }
0x52: {  	v19 =	vperm.xlane v28, v17;
	vm9 =	vle.f32 v53, v36;
	v21 =	vmin.f32 v53, v36  }
0x53: {  	v38, v37, _ =	vpop (xrf1);
	vm8 =	vle.f32 v20, v61;
	v20 =	vmin.f32 v20, v61;
	v27 =	vsel vm9, v54, v27  }
0x54: {  	v40, v39, _ =	vpop (xrf1);
	v19 =	vsel vm8, v51, v19;
	vm10 =	vle.f32 v20, v21;
	v43 =	vmin.f32 v20, v21  }
0x55: {  	v41, v42, _ =	vpop (xrf1);
	v20 =	vmax.f32 v20, v21;
	v46 =	vperm.xlane v40, v17;
	v48 =	vperm.xlane v39, v17  }
0x56: {  	v44 =	vsel vm10, v19, v27;
	v45 =	vperm.xlane v41, v17;
	v19 =	vsel vm10, v27, v19  }
0x57: {  	v47 =	vperm.xlane v42, v17;
	(xrf1) =	vsort.ascd.msk.f32 $0xffff, v43, v44;
	vm12 =	vle.f32 v38, v46  }
0x58: {  	v22 =	vmin.f32 v38, v46;
	vm11 =	vle.f32 v62, v45;
	v21 =	vmin.f32 v62, v45  }
0x59: {  	v50 =	vsel vm12, v37, v48;
	v49 =	vsel vm11, v63, v47;
	vm13 =	vle.f32 v21, v22  }
0x5a: {  	(xrf1) =	vsort.ascd.msk.f32 $0xffff, v20, v19;
	v19 =	vmin.f32 v21, v22;
	v20 =	vsel vm13, v49, v50  }
0x5b: {  	v21 =	vmax.f32 v21, v22;
	v51 =	vsel vm13, v50, v49;
	(xrf1) =	vsort.ascd.msk.f32 $0xffff, v19, v20  }
0x5c: {  	(xrf1) =	vsort.ascd.msk.f32 $0xffff, v21, v51;
	_ =	sdelay $0x5  }
0x5d: {  	v19, v20, _ =	vpop (xrf1)  }
0x5e: {  	v21, v22, _ =	vpop (xrf1)  }
0x5f: {  	v23, v24, _ =	vpop (xrf1)  }
0x60: {  	v52, v53, _ =	vpop (xrf1);
	v23 =	vperm.xlane v23, v17  }
0x61: {  	v24 =	vperm.xlane v24, v17;
	v25 =	vperm.xlane v52, v17  }
0x62: {  	v26 =	vperm.xlane v53, v17;
	vm15 =	vle.f32 v21, v23;
	v21 =	vmin.f32 v21, v23;
	v27, v28, _ =	vpop (xrf1)  }
0x63: {  	vm14 =	vle.f32 v19, v25;
	v19 =	vmin.f32 v19, v25;
	v22 =	vsel vm15, v22, v24;
	v55, v54, _ =	vpop (xrf1)  }
0x64: {  	v20 =	vsel vm14, v20, v26;
	vm4 =	vle.f32 v19, v21;
	v60 =	vmin.f32 v19, v21;
	v57, v56, _ =	vpop (xrf1)  }
0x65: {  	v19 =	vmax.f32 v19, v21;
	v61 =	vsel vm4, v20, v22;
	v59, v58, _ =	vpop (xrf1);
	v63 =	vperm.xlane v57, v17  }
0x66: {  	v20 =	vsel vm4, v22, v20;
	(xrf1) =	vsort.ascd.msk.f32 $0xffff, v60, v61;
	v62 =	vperm.xlane v59, v17  }
0x67: {  	v33 =	vperm.xlane v56, v17;
	v32 =	vperm.xlane v58, v17;
	vm6 =	vle.f32 v55, v63  }
0x68: {  	v22 =	vmin.f32 v55, v63;
	vm5 =	vle.f32 v27, v62;
	v21 =	vmin.f32 v27, v62  }
0x69: {  	v24 =	vsel vm6, v54, v33;
	v23 =	vsel vm5, v28, v32;
	vm7 =	vle.f32 v21, v22  }
0x6a: {  	(xrf1) =	vsort.ascd.msk.f32 $0xffff, v19, v20;
	v19 =	vmin.f32 v21, v22;
	v20 =	vsel vm7, v23, v24  }
0x6b: {  	v21 =	vmax.f32 v21, v22;
	v34 =	vsel vm7, v24, v23;
	(xrf1) =	vsort.ascd.msk.f32 $0xffff, v19, v20  }
0x6c: {  	(xrf1) =	vsort.ascd.msk.f32 $0xffff, v21, v34;
	_ =	sdelay $0xa  }
0x6d: {  	v19, v20, _ =	vpop (xrf1)  }
0x6e: {  	v21, v22, _ =	vpop (xrf1)  }
0x6f: {  	v23, v24, _ =	vpop (xrf1)  }
0x70: {  	v35, v36, _ =	vpop (xrf1);
	v23 =	vperm.xlane v23, v17  }
0x71: {  	v25 =	vperm.xlane v35, v17  }
0x72: {  	v24 =	vperm.xlane v24, v17;
	v26 =	vperm.xlane v36, v17;
	vm9 =	vle.f32 v21, v23  }
0x73: {  	v21 =	vmin.f32 v21, v23;
	vm8 =	vle.f32 v19, v25;
	v19 =	vmin.f32 v19, v25  }
0x74: {  	v22 =	vsel vm9, v22, v24;
	v20 =	vsel vm8, v20, v26;
	vm10 =	vle.f32 v19, v21  }
0x75: {  	v23 =	vmin.f32 v19, v21;
	v24 =	vsel vm10, v20, v22  }
0x76: {  	v19 =	vmax.f32 v19, v21;
	v20 =	vsel vm10, v22, v20;
	(xrf1) =	vsort.ascd.msk.f32 $0xffff, v23, v24  }
0x77: {  	(xrf1) =	vsort.ascd.msk.f32 $0xffff, v19, v20;
	_ =	sdelay $0xc  }
0x78: {  	_, v19, _ =	vpop (xrf1)  }
0x79: {  	_, v20, _ =	vpop (xrf1);
	[tilespmem:$0x8000] =	vst v19  }
0x7a: {  	[tilespmem:$0x8010] =	vst v20  }
0x7b: {  	v19 =	vld.idx.msk [tilespmem:v18+s9+$0x0], $0xffff;
	_ =	sdelay $0x4  }
0x7c: {  	s30 =	sadd.s32 $0x80, s20;
	v19 =	vadd.s32 v0, v19  }
0x7d: {  	s22 =	sand.u32 $0x380, s30;
	v20 =	vmov s17;
	[tilespmem:s16+$0xFFFFFFF7] =	vst v19  }
0x7e: {  	s21 =	sor.u32 s22, s21;
	[tilespmem:s19+$0x0] =	vst v20  }
0x7f: {  	v19 =	vld [tilespmem:s21+$0x0]  }
0x80: {  	v20 =	vld [tilespmem:s21+$0x10];
	_ =	sdelay $0x1  }
0x81: {  	v37 =	vld [tilespmem:s21+$0x20]  }
0x82: {  	v38 =	vld [tilespmem:s21+$0x30]  }
0x83: {  	(xrf1) =	vsort.ascd.msk.f32 $0xffff, v19, v1  }
0x84: {  	v19 =	vld [tilespmem:s21+$0x40];
	(xrf1) =	vsort.ascd.msk.f32 $0xffff, v20, v2  }
0x85: {  	v20 =	vld [tilespmem:s21+$0x50]  }
0x86: {  	(xrf1) =	vsort.ascd.msk.f32 $0xffff, v37, v3  }
0x87: {  	v39 =	vld [tilespmem:s21+$0x60];
	(xrf1) =	vsort.ascd.msk.f32 $0xffff, v38, v4  }
0x88: {  	v40 =	vld [tilespmem:s21+$0x70]  }
0x89: {  	(xrf1) =	vsort.ascd.msk.f32 $0xffff, v19, v5;
	v19 =	vld [tilespmem:s21+$0x400]  }
0x8a: {  	(xrf1) =	vsort.ascd.msk.f32 $0xffff, v20, v6;
	v20 =	vld [tilespmem:s21+$0x410]  }
0x8b: {  	v41 =	vld [tilespmem:s21+$0x420]  }
0x8c: {  	v42 =	vld [tilespmem:s21+$0x430];
	(xrf1) =	vsort.ascd.msk.f32 $0xffff, v39, v7  }
0x8d: {  	v43 =	vld [tilespmem:s21+$0x440];
	(xrf1) =	vsort.ascd.msk.f32 $0xffff, v40, v8  }
0x8e: {  	(xrf1) =	vsort.ascd.msk.f32 $0xffff, v19, v9;
	v19 =	vld [tilespmem:s21+$0x450]  }
0x8f: {  	(xrf1) =	vsort.ascd.msk.f32 $0xffff, v20, v10;
	v20 =	vld [tilespmem:s21+$0x460]  }
0x90: {  	v44 =	vld [tilespmem:s21+$0x470];
	(xrf1) =	vsort.ascd.msk.f32 $0xffff, v41, v11  }
0x91: {  	(xrf1) =	vsort.ascd.msk.f32 $0xffff, v42, v12;
	v46, v45, _ =	vpop (xrf1)  }
0x92: {  	(xrf1) =	vsort.ascd.msk.f32 $0xffff, v43, v13;
	v48, v47, _ =	vpop (xrf1)  }
0x93: {  	(xrf1) =	vsort.ascd.msk.f32 $0xffff, v19, v14;
	v19 =	vperm.xlane v48, v17  }
0x94: {  	v50, v49, _ =	vpop (xrf1);
	(xrf1) =	vsort.ascd.msk.f32 $0xffff, v20, v15;
	v20 =	vperm.xlane v47, v17  }
0x95: {  	v52, v51, _ =	vpop (xrf1);
	(xrf1) =	vsort.ascd.msk.f32 $0xffff, v44, v16;
	vm11 =	vle.f32 v46, v19;
	v53 =	vmin.f32 v46, v19  }
0x96: {  	v19 =	vmax.f32 v46, v19;
	v55 =	vperm.xlane v52, v17;
	v54 =	vsel vm11, v45, v20  }
0x97: {  	v58 =	vperm.xlane v51, v17;
	v57, v56, _ =	vpop (xrf1);
	v20 =	vsel vm11, v20, v45;
	(xrf1) =	vsort.ascd.msk.f32 $0xffff, v53, v54  }
0x98: {  	v59, v60, _ =	vpop (xrf1);
	vm12 =	vle.f32 v50, v55;
	(xrf1) =	vsort.ascd.msk.f32 $0xffff, v19, v20  }
0x99: {  	v19 =	vmin.f32 v50, v55;
	v20 =	vsel vm12, v49, v58;
	v61 =	vperm.xlane v59, v17  }
0x9a: {  	v21 =	vmax.f32 v50, v55;
	v63, v62, _ =	vpop (xrf1);
	(xrf1) =	vsort.ascd.msk.f32 $0xffff, v19, v20;
	v19 =	vperm.xlane v60, v17  }
0x9b: {  	v22 =	vsel vm12, v58, v49;
	vm13 =	vle.f32 v57, v61;
	v31 =	vmin.f32 v57, v61  }
0x9c: {  	v24 =	vmax.f32 v57, v61;
	v20, v30, _ =	vpop (xrf1);
	(xrf1) =	vsort.ascd.msk.f32 $0xffff, v21, v22;
	v32 =	vsel vm13, v56, v19  }
0x9d: {  	v19 =	vsel vm13, v19, v56;
	v20 =	vperm.xlane v20, v17;
	v34, v33, _ =	vpop (xrf1);
	(xrf1) =	vsort.ascd.msk.f32 $0xffff, v31, v32  }
0x9e: {  	v35 =	vperm.xlane v30, v17;
	v36, v37, _ =	vpop (xrf1);
	(xrf1) =	vsort.ascd.msk.f32 $0xffff, v24, v19  }
0x9f: {  	vm14 =	vle.f32 v63, v20;
	v19 =	vmin.f32 v63, v20;
	v22 =	vperm.xlane v36, v17  }
0xa0: {  	v20 =	vmax.f32 v63, v20;
	v40, v39, _ =	vpop (xrf1);
	v38 =	vsel vm14, v62, v35;
	v21 =	vsel vm14, v35, v62  }
0xa1: {  	v42, v41, _ =	vpop (xrf1);
	(xrf1) =	vsort.ascd.msk.f32 $0xffff, v19, v38;
	v19 =	vperm.xlane v37, v17;
	vm15 =	vle.f32 v34, v22  }
0xa2: {  	v23 =	vperm.xlane v42, v17;
	v45, v44, _ =	vpop (xrf1);
	(xrf1) =	vsort.ascd.msk.f32 $0xffff, v20, v21;
	v20 =	vmin.f32 v34, v22  }
0xa3: {  	v22 =	vmax.f32 v34, v22;
	v46, v47, _ =	vpop (xrf1);
	v43 =	vsel vm15, v33, v19;
	v19 =	vsel vm15, v19, v33  }
0xa4: {  	v21 =	vperm.xlane v46, v17;
	(xrf1) =	vsort.ascd.msk.f32 $0xffff, v20, v43;
	v20 =	vperm.xlane v41, v17  }
0xa5: {  	vm4 =	vle.f32 v40, v23;
	(xrf1) =	vsort.ascd.msk.f32 $0xffff, v22, v19;
	v19 =	vmin.f32 v40, v23  }
0xa6: {  	v23 =	vmax.f32 v40, v23;
	vm5 =	vle.f32 v45, v21;
	v48 =	vsel vm4, v39, v20  }
0xa7: {  	v50, v49, _ =	vpop (xrf1);
	v20 =	vsel vm4, v20, v39;
	(xrf1) =	vsort.ascd.msk.f32 $0xffff, v19, v48;
	v19 =	vperm.xlane v47, v17  }
0xa8: {  	v51, v52, _ =	vpop (xrf1);
	(xrf1) =	vsort.ascd.msk.f32 $0xffff, v23, v20;
	v20 =	vmin.f32 v45, v21;
	v21 =	vmax.f32 v45, v21  }
0xa9: {  	v22 =	vperm.xlane v51, v17;
	v54, v53, _ =	vpop (xrf1);
	v55 =	vsel vm5, v44, v19;
	v19 =	vsel vm5, v19, v44  }
0xaa: {  	v57, v56, _ =	vpop (xrf1);
	(xrf1) =	vsort.ascd.msk.f32 $0xffff, v20, v55;
	v20 =	vperm.xlane v52, v17  }
0xab: {  	vm6 =	vle.f32 v50, v22;
	v60 =	vmin.f32 v50, v22;
	v59, v58, _ =	vpop (xrf1)  }
0xac: {  	v22 =	vmax.f32 v50, v22;
	(xrf1) =	vsort.ascd.msk.f32 $0xffff, v21, v19;
	v19, v21, _ =	vpop (xrf1);
	v61 =	vsel vm6, v49, v20  }
0xad: {  	v20 =	vsel vm6, v20, v49;
	(xrf1) =	vsort.ascd.msk.f32 $0xffff, v60, v61;
	v19 =	vperm.xlane v19, v17  }
0xae: {  	(xrf1) =	vsort.ascd.msk.f32 $0xffff, v22, v20;
	v20 =	vperm.xlane v59, v17  }
0xaf: {  	v36 =	vperm.xlane v58, v17;
	v62, v63, _ =	vpop (xrf1);
	v21 =	vperm.xlane v21, v17;
	vm7 =	vle.f32 v54, v19  }
0xb0: {  	v37, v38, _ =	vpop (xrf1);
	v19 =	vmin.f32 v54, v19;
	vm8 =	vle.f32 v57, v20;
	v20 =	vmin.f32 v57, v20  }
0xb1: {  	v39, v40, _ =	vpop (xrf1);
	v21 =	vsel vm7, v53, v21;
	v25 =	vsel vm8, v56, v36;
	vm9 =	vle.f32 v19, v20  }
0xb2: {  	v42, v41, _ =	vpop (xrf1);
	v43 =	vmin.f32 v19, v20;
	v19 =	vmax.f32 v19, v20;
	v44 =	vsel vm9, v21, v25  }
0xb3: {  	v45 =	vperm.xlane v42, v17;
	v20 =	vsel vm9, v25, v21;
	(xrf1) =	vsort.ascd.msk.f32 $0xffff, v43, v44  }
0xb4: {  	(xrf1) =	vsort.ascd.msk.f32 $0xffff, v19, v20;
	v19 =	vperm.xlane v39, v17  }
0xb5: {  	v26 =	vperm.xlane v40, v17;
	v47 =	vperm.xlane v41, v17;
	vm10 =	vle.f32 v62, v45  }
0xb6: {  	v21 =	vmin.f32 v62, v45;
	v20, v46, _ =	vpop (xrf1);
	vm11 =	vle.f32 v37, v19;
	v19 =	vmin.f32 v37, v19  }
0xb7: {  	v24 =	vsel vm10, v63, v47;
	v48, v49, _ =	vpop (xrf1);
	v52 =	vsel vm11, v38, v26;
	vm12 =	vle.f32 v21, v19  }
0xb8: {  	v50, v51, _ =	vpop (xrf1);
	v53 =	vmin.f32 v21, v19;
	v19 =	vmax.f32 v21, v19;
	v54 =	vsel vm12, v24, v52  }
0xb9: {  	v26, v28, _ =	vpop (xrf1);
	v55 =	vsel vm12, v52, v24;
	v59 =	vperm.xlane v50, v17;
	(xrf1) =	vsort.ascd.msk.f32 $0xffff, v53, v54  }
0xba: {  	v27 =	vperm.xlane v51, v17;
	v56 =	vperm.xlane v26, v17;
	(xrf1) =	vsort.ascd.msk.f32 $0xffff, v19, v55  }
0xbb: {  	v57, v58, _ =	vpop (xrf1);
	v19 =	vperm.xlane v28, v17;
	vm14 =	vle.f32 v48, v59;
	v21 =	vmin.f32 v48, v59  }
0xbc: {  	v61, v60, _ =	vpop (xrf1);
	vm13 =	vle.f32 v20, v56;
	v20 =	vmin.f32 v20, v56;
	v27 =	vsel vm14, v49, v27  }
0xbd: {  	v63, v62, _ =	vpop (xrf1);
	v19 =	vsel vm13, v46, v19;
	vm15 =	vle.f32 v20, v21;
	v38 =	vmin.f32 v20, v21  }
0xbe: {  	v36, v37, _ =	vpop (xrf1);
	v20 =	vmax.f32 v20, v21;
	v41 =	vperm.xlane v63, v17;
	v43 =	vperm.xlane v62, v17  }
0xbf: {  	v39 =	vsel vm15, v19, v27;
	v40 =	vperm.xlane v36, v17;
	v19 =	vsel vm15, v27, v19  }
0xc0: {  	v42 =	vperm.xlane v37, v17;
	(xrf1) =	vsort.ascd.msk.f32 $0xffff, v38, v39;
	vm5 =	vle.f32 v61, v41  }
0xc1: {  	v22 =	vmin.f32 v61, v41;
	vm4 =	vle.f32 v57, v40;
	v21 =	vmin.f32 v57, v40  }
0xc2: {  	v45 =	vsel vm5, v60, v43;
	v44 =	vsel vm4, v58, v42;
	vm6 =	vle.f32 v21, v22  }
0xc3: {  	(xrf1) =	vsort.ascd.msk.f32 $0xffff, v20, v19;
	v19 =	vmin.f32 v21, v22;
	v20 =	vsel vm6, v44, v45  }
0xc4: {  	v21 =	vmax.f32 v21, v22;
	v46 =	vsel vm6, v45, v44;
	(xrf1) =	vsort.ascd.msk.f32 $0xffff, v19, v20  }
0xc5: {  	(xrf1) =	vsort.ascd.msk.f32 $0xffff, v21, v46;
	_ =	sdelay $0x5  }
0xc6: {  	v19, v20, _ =	vpop (xrf1)  }
0xc7: {  	v21, v22, _ =	vpop (xrf1)  }
0xc8: {  	v23, v24, _ =	vpop (xrf1)  }
0xc9: {  	v47, v48, _ =	vpop (xrf1);
	v23 =	vperm.xlane v23, v17  }
0xca: {  	v24 =	vperm.xlane v24, v17;
	v25 =	vperm.xlane v47, v17  }
0xcb: {  	v26 =	vperm.xlane v48, v17;
	vm8 =	vle.f32 v21, v23;
	v21 =	vmin.f32 v21, v23;
	v27, v28, _ =	vpop (xrf1)  }
0xcc: {  	vm7 =	vle.f32 v19, v25;
	v19 =	vmin.f32 v19, v25;
	v22 =	vsel vm8, v22, v24;
	v50, v49, _ =	vpop (xrf1)  }
0xcd: {  	v20 =	vsel vm7, v20, v26;
	vm9 =	vle.f32 v19, v21;
	v55 =	vmin.f32 v19, v21;
	v52, v51, _ =	vpop (xrf1)  }
0xce: {  	v19 =	vmax.f32 v19, v21;
	v56 =	vsel vm9, v20, v22;
	v54, v53, _ =	vpop (xrf1);
	v58 =	vperm.xlane v52, v17  }
0xcf: {  	v20 =	vsel vm9, v22, v20;
	(xrf1) =	vsort.ascd.msk.f32 $0xffff, v55, v56;
	v57 =	vperm.xlane v54, v17  }
0xd0: {  	v60 =	vperm.xlane v51, v17;
	v59 =	vperm.xlane v53, v17;
	vm11 =	vle.f32 v50, v58  }
0xd1: {  	v22 =	vmin.f32 v50, v58;
	vm10 =	vle.f32 v27, v57;
	v21 =	vmin.f32 v27, v57  }
0xd2: {  	v24 =	vsel vm11, v49, v60;
	v23 =	vsel vm10, v28, v59;
	vm12 =	vle.f32 v21, v22  }
0xd3: {  	(xrf1) =	vsort.ascd.msk.f32 $0xffff, v19, v20;
	v19 =	vmin.f32 v21, v22;
	v20 =	vsel vm12, v23, v24  }
0xd4: {  	v21 =	vmax.f32 v21, v22;
	v61 =	vsel vm12, v24, v23;
	(xrf1) =	vsort.ascd.msk.f32 $0xffff, v19, v20  }
0xd5: {  	(xrf1) =	vsort.ascd.msk.f32 $0xffff, v21, v61;
	_ =	sdelay $0xa  }
0xd6: {  	v19, v20, _ =	vpop (xrf1)  }
0xd7: {  	v21, v22, _ =	vpop (xrf1)  }
0xd8: {  	v23, v24, _ =	vpop (xrf1)  }
0xd9: {  	v62, v63, _ =	vpop (xrf1);
	v23 =	vperm.xlane v23, v17  }
0xda: {  	v25 =	vperm.xlane v62, v17  }
0xdb: {  	v24 =	vperm.xlane v24, v17;
	v26 =	vperm.xlane v63, v17;
	vm14 =	vle.f32 v21, v23  }
0xdc: {  	v21 =	vmin.f32 v21, v23;
	vm13 =	vle.f32 v19, v25;
	v19 =	vmin.f32 v19, v25  }
0xdd: {  	v22 =	vsel vm14, v22, v24;
	v20 =	vsel vm13, v20, v26;
	vm15 =	vle.f32 v19, v21  }
0xde: {  	v23 =	vmin.f32 v19, v21;
	v24 =	vsel vm15, v20, v22  }
0xdf: {  	v19 =	vmax.f32 v19, v21;
	v20 =	vsel vm15, v22, v20;
	(xrf1) =	vsort.ascd.msk.f32 $0xffff, v23, v24  }
0xe0: {  	(xrf1) =	vsort.ascd.msk.f32 $0xffff, v19, v20;
	_ =	sdelay $0xc  }
0xe1: {  	_, v19, _ =	vpop (xrf1)  }
0xe2: {  	_, v20, _ =	vpop (xrf1);
	[tilespmem:$0x8080] =	vst v19  }
0xe3: {  	[tilespmem:$0x8090] =	vst v20  }
0xe4: {  	v19 =	vld.idx.msk [tilespmem:v18+s10+$0x0], $0xffff;
	_ =	sdelay $0x1  }
0xe5: {  	p0 =	sne.s32 s20, $0x3F00  }
.Ltmp0:
0xe6: {  	_ = 	snop;
	(pc) =	sbr.rel @p0 .LBB2_2-.Ltmp0, $4  }
0xe7: {  	_ = 	snop  }
0xe8: {  	s31 =	sadd.s32 $0x1, s17;
	v19 =	vadd.s32 v0, v19  }
0xe9: {  	s18 =	sadd.s32 $0x200, s18;
	s20 =	sadd.s32 $0x100, s20;
	v20 =	vmov s31;
	[tilespmem:s16+$0x0] =	vst v19  }
0xea: {  	s17 =	sadd.s32 $0x2, s17;
	s16 =	sadd.s32 $0x12, s16;
	[tilespmem:s19+$0x9] =	vst v20;
	s19 =	sadd.s32 $0x12, s19  }
0xeb: {  	[hbm4b:s4+s11] =	stream.strided.scatter [tilespmem:s13], [sflag:$0x1], $0x480, s12, s11, $0x38;
	[tilespmem:$0x8B00] =	vst v63  }
0xec: {  	s15 =	sadd.s32 $0x1, s15;
	_ =	swait.ge [sflag:s8], $0x480  }
0xed: {  	p0 =	sne.s32 s15, s6;
	[sflag:s8] =	ssyncset.done $0x0  }
.Ltmp1:
0xee: {  	[sflag:s8] =	ssyncadd.s32 $0xFFFFFB80;
	(pc) =	sbr.rel @p0 .LBB2_1-.Ltmp1, $4  }
0xef: {  	[hbm4b:s5+s11] =	stream.strided.scatter [tilespmem:s14], [sflag:$0x1], $0x480, s12, s11, $0x38;
	[tilespmem:$0x8B00] =	vst v63  }
0xf0: {  	_ =	swait.ge [sflag:s8], $0x480  }
0xf1: {  	[sflag:s8] =	ssyncset.done $0x0  }
0xf2: {  	[sflag:s8] =	ssyncadd.s32 $0xFFFFFB80  }
0xf3: {  	_ =	sfence.sel $0x180000  }
0xf4: {  	[bflag:$0x0] =	sbarrier.arrive $0xFFFF  }
0xf5: {  	p0 =	sne.s32 s1, $0x0;
	_ =	strace $0x90000047  }
0xf6: {  	s0 =	sadd.s32 @!p0 $0x100000, s0;
	[bflag:$0x2] =	sbarrier.arrive $0xFFFF  }
0xf7: {  	[sflag:s0] =	ssyncadd.tile.s32 @!p0 $0x1;
	_ =	shalt  }
.Lfunc_end2:
_tile_overlayer_lowered:
.L_overlay_start_2:
0xf8: {  	(tag) =	ssettag $0x2  }
0xf9: {  	s0 =	rddreg [dreg:$0x0];
	s2 =	stileid.u32  }
0xfa: {  	s1 =	rddreg [dreg:$0x1];
	p0 =	sne.s32 s2, $0x0  }
0xfb: {  	s3 =	rddreg [dreg:$0x2];
	[bflag:$0x3] =	sbarrier.arrive $0xFFFF;
	s2 =	simm.s32 @!p0 $0x1C01  }
0xfc: {  	[timem:s3], [sflag:s2] =	dma.local @!p0 [hbm:s0], s1  }
0xfd: {  	s0 =	simm.s32 @!p0 $0x1  }
0xfe: {  	_ =	swait.ge @!p0 [sflag:s0], s1  }
0xff: {  	s1 =	ssub.s32 @!p0 $0x0, s1;
	[sflag:s0] =	ssyncset.done @!p0 $0x0  }
0x100: {  	[sflag:s0] =	ssyncadd.s32 @!p0 s1  }
0x101: {  	[bflag:$0x3] =	sbarrier.arrive $0xFFFF  }
0x102: {  	_ =	shalt  }

// kernel: kernel.9.cloned.1.call-start
scs
__scs_entry_jumppad:
0x0: {  	(pc) =	sbr.rel $0x88, $3  }
0x1: {  	(tag) =	ssettag $0x0;
	lr =	simm.s32 $0x1  }
0x2: {  	[smem:$0x3F9F] =	sst lr;
	_ =	strace $0xD0000000  }
0x3: {  	_ = 	snop  }
0x4: {  	_ = 	snop  }
0x5: {  	_ = 	snop  }
0x6: {  	_ = 	snop  }
0x7: {  	_ = 	snop  }
__scs_overlays_trampoline_lowered:
0x8: {  	[smem:$0x3FAE] =	sst s0  }
0x9: {  	[smem:$0x3FAF] =	sst s1  }
0xa: {  	[smem:$0x3FB0] =	sst s2  }
0xb: {  	[smem:$0x3FB1] =	sst s3  }
0xc: {  	[smem:$0x3FB2] =	sst s4  }
0xd: {  	[smem:$0x3FB3] =	sst s5  }
0xe: {  	[smem:$0x3FB4] =	sst s6  }
0xf: {  	[smem:$0x3FB5] =	sst s7  }
0x10: {  	[smem:$0x3FB6] =	sst s8  }
0x11: {  	[smem:$0x3FB7] =	sst s9;
	s0 =	simm.s32 @!p0 $0x0  }
0x12: {  	s1 =	sld [smem:$0x3F9D];
	s0 =	simm.s32 @p0 $0x1  }
0x13: {  	[smem:$0x3FB8] =	sst s0;
	s0 =	simm.s32 @!p1 $0x0  }
0x14: {  	s2 =	sld [smem:$0x3F9C];
	s0 =	simm.s32 @p1 $0x1  }
0x15: {  	[smem:$0x3FB9] =	sst s0;
	s0 =	simm.s32 @!p2 $0x0  }
0x16: {  	s3 =	sld [smem:$0x3FDB];
	s0 =	simm.s32 @p2 $0x1  }
0x17: {  	s4 =	simm.s32 $0x1BF5;
	[smem:$0x3FBB] =	sst s0  }
0x18: {  	s0 =	sld [smem:$0x3F9E];
	_ =	swait.ge [sflag:s4], $0x0  }
0x19: {  	s7 =	sld [smem:$0x3F9F]  }
0x1a: {  	s8 =	sadd.s32 $0xFFFFE003, lr  }
0x1b: {  	s9 =	sadd.s32 $0xFFFFFEF7, lr;
	s5 =	simm.s32 $0xFFFFFFFF;
	p2 =	slt.u32 s8, $0xFFFFF086  }
0x1c: {  	p1 =	slt.u32 s9, $0xF7A;
	s5 =	simm.s32 @!p2 $0x0  }
0x1d: {  	s5 =	simm.s32 @p1 $0x1;
	p0 =	seq.s32 s7, s2  }
0x1e: {  	s7 =	smul.u32 @!p0 $0xF7A, s2;
	p2 =	seq.s32 @!p0 s5, $0x0  }
0x1f: {  	s9 =	smul.u32 $0xF7A, s1;
	s8 =	simm.s32 @!p0 $0x1BF5;
	p2 =	por !p2, p0  }
0x20: {  	[sflag:s8] =	ssyncset.s32 @!p0 $0xFFFFF086;
	s6 =	sadd.s32 @!p0 s3, s7;
	s7 =	simm.s32 @!p0 $0x108  }
0x21: {  	s3 =	sadd.s32 s3, s9;
	s6 =	sadd.s32 @!p0 $0x88, s6;
	s7 =	simm.s32 @p2 $0x1082  }
0x22: {  	[simem:s7], [sflag:s8] =	dma.local @!p0 [hbm:s6], $0xF7A  }
0x23: {  	s9 =	sor.u32 $0xD0000000, s2;
	s6 =	simm.s32 $0x108;
	_ =	swait.ge @!p0 [sflag:s8], $0x0  }
0x24: {  	s3 =	sadd.s32 $0x88, s3;
	s6 =	simm.s32 @!p1 $0x1082;
	[sflag:s4] =	ssyncset.s32 $0xFFFFF086  }
0x25: {  	[simem:s6], [sflag:s4] =	dma.local [hbm:s3], $0xF7A  }
0x26: {  	[smem:$0x3F9F] =	sst s1;
	(tag) =	ssettag s2;
	_ =	strace s9  }
0x27: {  	s1 =	sld [smem:$0x3FAF]  }
0x28: {  	s2 =	sld [smem:$0x3FB0]  }
0x29: {  	s4 =	sld [smem:$0x3FB2]  }
0x2a: {  	p0 =	seq.s32 s5, $0x0;
	s5 =	sld [smem:$0x3FB3]  }
0x2b: {  	s6 =	sld [smem:$0x3FB4]  }
0x2c: {  	s7 =	sld [smem:$0x3FB5]  }
0x2d: {  	s3 =	simm.s32 $0x108;
	s8 =	sld [smem:$0x3FB6]  }
0x2e: {  	s3 =	simm.s32 @!p0 $0x1082;
	s9 =	sld [smem:$0x3FB7]  }
0x2f: {  	lr =	sadd.s32 s0, s3;
	s0 =	sld [smem:$0x3FAE]  }
0x30: {  	s3 =	sld [smem:$0x3FB1]  }
0x31: {  	[smem:$0x3FBA] =	sst s10  }
0x32: {  	s10 =	sld [smem:$0x3FB8];
	_ =	sdelay $0x3  }
0x33: {  	p0 =	seq.s32 s10, $0x1;
	s10 =	sld [smem:$0x3FBA];
	_ =	sdelay $0x3  }
0x34: {  	[smem:$0x3FBA] =	sst s10  }
0x35: {  	s10 =	sld [smem:$0x3FB9];
	_ =	sdelay $0x3  }
0x36: {  	p1 =	seq.s32 s10, $0x1;
	s10 =	sld [smem:$0x3FBA];
	_ =	sdelay $0x3  }
0x37: {  	[smem:$0x3FBA] =	sst s10  }
0x38: {  	s10 =	sld [smem:$0x3FBB]  }
0x39: {  	_ = 	snop;
	(pc) =	sbr.ind lr, $3  }
0x3a: {  	_ = 	snop  }
0x3b: {  	_ = 	snop  }
0x3c: {  	p2 =	seq.s32 s10, $0x1;
	s10 =	sld [smem:$0x3FBA]  }
0x3d: {  	_ =	shalt  }
0x3e: {  	_ =	shalt  }
0x3f: {  	_ =	shalt  }
0x40: {  	_ =	shalt  }
0x41: {  	_ =	shalt  }
0x42: {  	_ =	shalt  }
0x43: {  	_ =	shalt  }
0x44: {  	_ =	shalt  }
0x45: {  	_ =	shalt  }
0x46: {  	_ =	shalt  }
0x47: {  	_ =	shalt  }
0x48: {  	_ =	shalt  }
0x49: {  	_ =	shalt  }
0x4a: {  	_ =	shalt  }
0x4b: {  	_ =	shalt  }
0x4c: {  	_ =	shalt  }
0x4d: {  	_ =	shalt  }
0x4e: {  	_ =	shalt  }
0x4f: {  	_ =	shalt  }
0x50: {  	_ =	shalt  }
0x51: {  	_ =	shalt  }
0x52: {  	_ =	shalt  }
0x53: {  	_ =	shalt  }
0x54: {  	_ =	shalt  }
0x55: {  	_ =	shalt  }
0x56: {  	_ =	shalt  }
0x57: {  	_ =	shalt  }
0x58: {  	_ =	shalt  }
0x59: {  	_ =	shalt  }
0x5a: {  	_ =	shalt  }
0x5b: {  	_ =	shalt  }
0x5c: {  	_ =	shalt  }
0x5d: {  	_ =	shalt  }
0x5e: {  	_ =	shalt  }
0x5f: {  	_ =	shalt  }
0x60: {  	_ =	shalt  }
0x61: {  	_ =	shalt  }
0x62: {  	_ =	shalt  }
0x63: {  	_ =	shalt  }
0x64: {  	_ =	shalt  }
0x65: {  	_ =	shalt  }
0x66: {  	_ =	shalt  }
0x67: {  	_ =	shalt  }
0x68: {  	_ =	shalt  }
0x69: {  	_ =	shalt  }
0x6a: {  	_ =	shalt  }
0x6b: {  	_ =	shalt  }
0x6c: {  	_ =	shalt  }
0x6d: {  	_ =	shalt  }
0x6e: {  	_ =	shalt  }
0x6f: {  	_ =	shalt  }
0x70: {  	_ =	shalt  }
0x71: {  	_ =	shalt  }
0x72: {  	_ =	shalt  }
0x73: {  	_ =	shalt  }
0x74: {  	_ =	shalt  }
0x75: {  	_ =	shalt  }
0x76: {  	_ =	shalt  }
0x77: {  	_ =	shalt  }
0x78: {  	_ =	shalt  }
0x79: {  	_ =	shalt  }
0x7a: {  	_ =	shalt  }
0x7b: {  	_ =	shalt  }
0x7c: {  	_ =	shalt  }
0x7d: {  	_ =	shalt  }
0x7e: {  	_ =	shalt  }
0x7f: {  	_ =	shalt  }
0x80: {  	_ =	shalt  }
0x81: {  	_ =	shalt  }
0x82: {  	_ =	shalt  }
0x83: {  	_ =	shalt  }
0x84: {  	_ =	shalt  }
0x85: {  	_ =	shalt  }
0x86: {  	_ =	shalt  }
0x87: {  	_ =	shalt  }
.Lfunc_end0:
.L_simem_size_0:
called_computation.1_lowered:
.L_overlay_start_0:
0x88: {  	s2 =	sld [smem:$0x3FD9]  }
0x89: {  	s3 =	sld [smem:$0x3FFE];
	_ =	sdelay $0x1  }
0x8a: {  	s1 =	srdreg.scid  }
0x8b: {  	s0 =	sand.u32 $0x1, s1  }
0x8c: {  	s17 =	sshll.u32 s0, $0xA;
	s2 =	sadd.s32 s3, s2  }
0x8d: {  	s2 =	sadd.s32 s2, s17  }
0x8e: {  	[smem:$0x3FC6] =	sst s2  }
0x8f: {  	_ = 	snop  }
0x90: {  	s18 =	sld [smem:$0x3FD0];
	(tm) =	ssettm $0x1  }
0x91: {  	s19 =	sld [smem:$0x3FFB];
	_ =	sdelay $0x3  }
0x92: {  	_ =	strace s19  }
0x93: {  	s2 =	sld [smem:$0x3FFC];
	_ =	sdelay $0x3  }
0x94: {  	_ =	strace s2  }
0x95: {  	s2 =	sld [smem:$0x3FFD];
	_ =	sdelay $0x3  }
0x96: {  	_ =	strace s2  }
0x97: {  	_ =	strace $0x8FFFFFFF  }
0x98: {  	s20 =	sld [smem:$0x3FDB];
	_ =	sdelay $0x1  }
0x99: {  	s4 =	simm.s32 $_scs_section_size  }
0x9a: {  	s5 =	simm.s32 $_size__tile_overlayer_lowered;
	s6 =	simm.s32 $_tile_overlayer_lowered  }
0x9b: {  	s7 =	simm.s32 $0x1BFF;
	s21 =	sshll.u32 s6, $0x1;
	s4 =	sadd.s32 s4, s20  }
0x9c: {  	s22 =	simm.s32 $0x0;
	s5 =	sshll.u32 s5, $0x1;
	s6 =	sadd.s32 s21, s4  }
0x9d: {  	[timem:s22], [sflag:s7] =	dma.local [hbm:s6], s5  }
0x9e: {  	_ =	swait.ge [sflag:s7], s5  }
0x9f: {  	s5 =	ssub.s32 $0x0, s5;
	[sflag:s7] =	ssyncset.done $0x0  }
0xa0: {  	[sflag:s7] =	ssyncadd.s32 s5;
	_ =	sdelay $0x1  }
0xa1: {  	s23 =	simm.s32 $0x1B8B  }
0xa2: {  	_ =	swait.ge [sflag:s23], $0x1  }
0xa3: {  	[sflag:s23] =	ssyncset.done $0x0  }
0xa4: {  	[sflag:s23] =	ssyncadd.s32 $0xFFFFFFFF  }
0xa5: {  	s5 =	sld [smem:$0x0]  }
0xa6: {  	s6 =	sand.u32 $0xFFFFFFFE, s1  }
0xa7: {  	p0 =	sne.s32 s1, s6  }
0xa8: {  	s6 =	sshll.u32 @p0 s6, $0xE  }
0xa9: {  	s6 =	sadd.s32 @p0 $0x11B8D, s6;
	s7 =	sshll.u32 @p0 s5, $0x11  }
0xaa: {  	s6 =	sor.u32 @p0 s7, s6  }
0xab: {  	[sflag:s6] =	ssyncadd.remote.s32 @p0 $0x1;
	_ =	sdelay $0x1  }
0xac: {  	s6 =	simm.s32 @p0 $0x1B8D  }
0xad: {  	_ =	swait.eq @p0 [sflag:s6], $0x1  }
0xae: {  	[sflag:s6] =	ssyncadd.s32 @p0 $0xFFFFFFFF  }
0xaf: {  	s7 =	sshll.u32 @!p0 s1, $0xE  }
0xb0: {  	s7 =	sor.u32 @!p0 $0x4000, s7;
	s6 =	simm.s32 @!p0 $0x1B8D  }
0xb1: {  	s5 =	sshll.u32 @!p0 s5, $0x11;
	s7 =	sadd.s32 @!p0 $0x11B8D, s7;
	_ =	swait.eq @!p0 [sflag:s6], $0x1  }
0xb2: {  	s5 =	sor.u32 @!p0 s5, s7;
	[sflag:s6] =	ssyncadd.s32 @!p0 $0xFFFFFFFF  }
0xb3: {  	s25 =	simm.s32 $0x1B8E;
	s24 =	sld [smem:$0x3FFE];
	[sflag:s5] =	ssyncadd.remote.s32 @!p0 $0x1  }
0xb4: {  	s26 =	simm.s32 $execute0_lowered;
	[smem:$0x3FD2] =	sst s25  }
0xb5: {  	s6 =	sshll.u32 s26, $0x1;
	_ =	strace $0x80000049;
	[dreg:$0x1] =	wrdreg $0xFFFFFFFF  }
0xb6: {  	s28 =	simm.s32 $_size_execute0_lowered;
	s4 =	sadd.s32 s4, s6;
	[dreg:$0x0] =	wrdreg $0x0  }
0xb7: {  	s6 =	sshll.u32 s28, $0x1;
	[dreg:$0x2] =	wrdreg s4  }
0xb8: {  	[dreg:$0x3] =	wrdreg s6  }
0xb9: {  	[dreg:$0x4] =	wrdreg $0xC0  }
0xba: {  	_ =	task [dreg:s22], $0x5FFFF  }
0xbb: {  	[dreg:$0x1] =	wrdreg $0xFFFFFFFF  }
0xbc: {  	[dreg:$0x0] =	wrdreg $0x60  }
0xbd: {  	[dreg:$0x2] =	wrdreg s24  }
0xbe: {  	[dreg:$0x3] =	wrdreg s18  }
0xbf: {  	[dreg:$0x4] =	wrdreg $0xA  }
0xc0: {  	_ =	task.clear_ibuf [dreg:s22], $0x5FFFF;
	_ =	strace $0x90000049  }
0xc1: {  	s29 =	simm.s32 $0xA;
	_ =	strace $0x8000004B  }
0xc2: {  	_ =	swait.ge [sflag:s29], $0x1  }
0xc3: {  	[sflag:s29] =	ssyncadd.s32 $0xFFFFFFFF  }
0xc4: {  	_ =	strace $0x9000004B  }
0xc5: {  	_ =	sfence  }
0xc6: {  	s30 =	sld [smem:$0x0];
	_ =	sdelay $0x2  }
0xc7: {  	s31 =	sshll.u32 s1, $0xD;
	s1 =	sshrl.u32 s1, $0x2  }
0xc8: {  	s4 =	sand.u32 $0x4000, s31;
	s1 =	sadd.s32 s1, s30  }
0xc9: {  	s0 =	sor.u32 s4, s0;
	s1 =	sshll.u32 s1, $0x11  }
0xca: {  	s0 =	sor.u32 s1, s0  }
0xcb: {  	s0 =	sadd.s32 $0x8F2B, s0  }
0xcc: {  	[sflag:s0] =	ssyncadd.remote.s32 $0x1  }
0xcd: {  	_ =	sfence.sel $0xFFFF  }
0xce: {  	[dreg:$0x0] =	wrdreg $0xFFFFFFFF;
	(pc) =	sbr.abs _section_cstart, $3  }
0xcf: {  	[dreg:$0x1] =	wrdreg $0xFFFFFFFF  }
0xd0: {  	_ =	task.clear_ibuf [dreg:s22], $0x2FFFF;
	_ =	strace $0x9FFFFFFF  }
0xd1: {  	(tm) =	ssettm $0x7FFFFFFF  }
tec
execute0_lowered:
.L_overlay_start_1:
0x0: {  	(tag) =	ssettag $0x1  }
0x1: {  	s3 =	rddreg [dreg:$0x0]  }
0x2: {  	s6 =	rddreg [dreg:$0x1]  }
0x3: {  	s2 =	srdreg.scid;
	s1 =	stileid.u32  }
0x4: {  	s0 =	rddreg [dreg:$0x2];
	s12 =	simm.s32 $0x80;
	s13 =	simm.s32 $0x400  }
0x5: {  	s14 =	simm.s32 $0x8100;
	s15 =	simm.s32 $0x8F00;
	s4 =	sand.u32 $0x1, s2  }
0x6: {  	s5 =	sshll.u32 s1, $0x1;
	s2 =	simm.s32 $0x0;
	s7 =	sshrl.u32 s1, $0x2  }
0x7: {  	s3 =	sadd.s32 $0x23000, s3;
	s31 =	smul.u32 $0x300, s1;
	s5 =	sor.u32 s4, s5  }
0x8: {  	v0 =	vlaneseq.u32;
	[smem:$0x7FF] =	sst s2;
	s7 =	smul.u32 $0x6C00, s7;
	s9 =	ssub.s32 $0x2, s4  }
0x9: {  	v1 =	vor.u32 $0x10, v0;
	v2 =	vor.u32 $0x20, v0;
	v3 =	vor.u32 $0x30, v0;
	s11 =	smul.u32 $0x180, s4;
	s8 =	sshll.u32 s5, $0x7;
	_ =	strace $0x8000004A  }
0xa: {  	v4 =	vor.u32 $0x40, v0;
	v5 =	vor.u32 $0x50, v0;
	v6 =	vor.u32 $0x60, v0;
	s10 =	sshrl.u32 s9, $0x1;
	s4 =	smul.u32 $0x180, s5;
	s8 =	sand.u32 $0x380, s8  }
0xb: {  	v7 =	vor.u32 $0x70, v0;
	v8 =	vor.u32 $0x80, v0;
	v9 =	vor.u32 $0x90, v0;
	s29 =	ssub.s32 s9, s10;
	s10 =	simm.s32 $0x8000;
	s7 =	sor.u32 s7, s8  }
0xc: {  	v10 =	vor.u32 $0xA0, v0;
	v11 =	vor.u32 $0xB0, v0;
	v16 =	vmul.u32 $0xFFFFFFFF, v0;
	s8 =	sadd.s32 s11, s31;
	s30 =	sadd.s32 $0x1B000, s7;
	s7 =	sshrl.u32 s7, $0x3  }
0xd: {  	v12 =	vor.u32 $0xC0, v0;
	v13 =	vor.u32 $0xD0, v0;
	v14 =	vor.u32 $0xE0, v0;
	s11 =	simm.s32 $0x8080;
	s9 =	sshrl.u32 s30, $0x3;
	s5 =	sadd.s32 s6, s7  }
0xe: {  	v15 =	vor.u32 $0xF0, v0;
	v17 =	vmul.u32 $0x2, v0;
	v16 =	vadd.s32 $0xF, v16;
	s7 =	smax.u32 s29, $0x1;
	s6 =	sadd.s32 s6, s9;
	s9 =	simm.s32 $0x1  }
.LBB2_1:
0xf: {  	s16 =	simm.s32 $0x8F09  }
0x10: {  	s17 =	simm.s32 $0x8109;
	s18 =	smov.u32 s8;
	s19 =	simm.s32 $0x0  }
.LBB2_2:
0x11: {  	s20 =	sshll.u32 s19, $0x7  }
0x12: {  	s20 =	sadd.s32 s4, s20  }
0x13: {  	s20 =	sshll.u32 s20, $0x5  }
0x14: {  	s21 =	sadd.s32 s3, s20;
	s20 =	simm.s32 $0x0  }
0x15: {  	[tilespmem:s20], [sflag:$0x1] =	stream.linear.gather [hbm4b:s21+s20], $0x8000, $0x38;
	[tilespmem:$0x9D00] =	vst v63  }
0x16: {  	_ =	swait.ge [sflag:s9], $0x8000  }
0x17: {  	s22 =	smov.u32 s16;
	s23 =	smov.u32 s18;
	[sflag:s9] =	ssyncset.done $0x0  }
0x18: {  	s24 =	simm.s32 $0x0;
	s21 =	smov.u32 s17;
	[sflag:s9] =	ssyncadd.s32 $0xFFFF8000  }
.LBB2_3:
0x19: {  	s25 =	sand.u32 $0x7800, s20;
	s26 =	sand.u32 $0x300, s24  }
0x1a: {  	s26 =	sor.u32 s26, s25  }
0x1b: {  	v18 =	vld [tilespmem:s26+$0x0]  }
0x1c: {  	v19 =	vld [tilespmem:s26+$0x10];
	_ =	sdelay $0x1  }
0x1d: {  	v20 =	vld [tilespmem:s26+$0x20]  }
0x1e: {  	v21 =	vld [tilespmem:s26+$0x30]  }
0x1f: {  	(xrf1) =	vsort.ascd.msk.f32 $0xffff, v18, v0  }
0x20: {  	v18 =	vld [tilespmem:s26+$0x40];
	(xrf1) =	vsort.ascd.msk.f32 $0xffff, v19, v1  }
0x21: {  	v19 =	vld [tilespmem:s26+$0x50]  }
0x22: {  	(xrf1) =	vsort.ascd.msk.f32 $0xffff, v20, v2  }
0x23: {  	v31 =	vld [tilespmem:s26+$0x60];
	(xrf1) =	vsort.ascd.msk.f32 $0xffff, v21, v3  }
0x24: {  	v32 =	vld [tilespmem:s26+$0x70]  }
0x25: {  	(xrf1) =	vsort.ascd.msk.f32 $0xffff, v18, v4;
	v18 =	vld [tilespmem:s26+$0x400]  }
0x26: {  	(xrf1) =	vsort.ascd.msk.f32 $0xffff, v19, v5;
	v19 =	vld [tilespmem:s26+$0x410]  }
0x27: {  	v22 =	vld [tilespmem:s26+$0x420]  }
0x28: {  	v33 =	vld [tilespmem:s26+$0x430];
	(xrf1) =	vsort.ascd.msk.f32 $0xffff, v31, v6  }
0x29: {  	v34 =	vld [tilespmem:s26+$0x440];
	(xrf1) =	vsort.ascd.msk.f32 $0xffff, v32, v7  }
0x2a: {  	(xrf1) =	vsort.ascd.msk.f32 $0xffff, v18, v8;
	v18 =	vld [tilespmem:s26+$0x450]  }
0x2b: {  	(xrf1) =	vsort.ascd.msk.f32 $0xffff, v19, v9;
	v19 =	vld [tilespmem:s26+$0x460]  }
0x2c: {  	v35 =	vld [tilespmem:s26+$0x470];
	(xrf1) =	vsort.ascd.msk.f32 $0xffff, v22, v10  }
0x2d: {  	v23, v24, _ =	vpop (xrf1);
	(xrf1) =	vsort.ascd.msk.f32 $0xffff, v33, v11  }
0x2e: {  	v36, v25, _ =	vpop (xrf1);
	(xrf1) =	vsort.ascd.msk.f32 $0xffff, v34, v12  }
0x2f: {  	(xrf1) =	vsort.ascd.msk.f32 $0xffff, v18, v13;
	v18 =	vperm.xlane v36, v16  }
0x30: {  	v38, v37, _ =	vpop (xrf1);
	(xrf1) =	vsort.ascd.msk.f32 $0xffff, v19, v14;
	v19 =	vperm.xlane v25, v16  }
0x31: {  	v39, v26, _ =	vpop (xrf1);
	(xrf1) =	vsort.ascd.msk.f32 $0xffff, v35, v15;
	vm0 =	vle.f32 v23, v18;
	v40 =	vmin.f32 v23, v18  }
0x32: {  	v18 =	vmax.f32 v23, v18;
	v41 =	vperm.xlane v39, v16;
	v27 =	vsel vm0, v24, v19  }
0x33: {  	v43 =	vperm.xlane v26, v16;
	v42, v28, _ =	vpop (xrf1);
	v19 =	vsel vm0, v19, v24;
	(xrf1) =	vsort.ascd.msk.f32 $0xffff, v40, v27  }
0x34: {  	v44, v45, _ =	vpop (xrf1);
	vm8 =	vle.f32 v38, v41;
	(xrf1) =	vsort.ascd.msk.f32 $0xffff, v18, v19  }
0x35: {  	v18 =	vmin.f32 v38, v41;
	v19 =	vsel vm8, v37, v43;
	v46 =	vperm.xlane v44, v16  }
0x36: {  	v20 =	vmax.f32 v38, v41;
	v48, v47, _ =	vpop (xrf1);
	(xrf1) =	vsort.ascd.msk.f32 $0xffff, v18, v19;
	v18 =	vperm.xlane v45, v16  }
0x37: {  	v21 =	vsel vm8, v43, v37;
	vm9 =	vle.f32 v42, v46;
	v50 =	vmin.f32 v42, v46  }
0x38: {  	v23 =	vmax.f32 v42, v46;
	v19, v49, _ =	vpop (xrf1);
	(xrf1) =	vsort.ascd.msk.f32 $0xffff, v20, v21;
	v51 =	vsel vm9, v28, v18  }
0x39: {  	v18 =	vsel vm9, v18, v28;
	v19 =	vperm.xlane v19, v16;
	v53, v52, _ =	vpop (xrf1);
	(xrf1) =	vsort.ascd.msk.f32 $0xffff, v50, v51  }
0x3a: {  	v54 =	vperm.xlane v49, v16;
	v55, v56, _ =	vpop (xrf1);
	(xrf1) =	vsort.ascd.msk.f32 $0xffff, v23, v18  }
0x3b: {  	vm10 =	vle.f32 v48, v19;
	v18 =	vmin.f32 v48, v19;
	v21 =	vperm.xlane v55, v16  }
0x3c: {  	v19 =	vmax.f32 v48, v19;
	v59, v58, _ =	vpop (xrf1);
	v57 =	vsel vm10, v47, v54;
	v20 =	vsel vm10, v54, v47  }
0x3d: {  	v61, v60, _ =	vpop (xrf1);
	(xrf1) =	vsort.ascd.msk.f32 $0xffff, v18, v57;
	v18 =	vperm.xlane v56, v16;
	vm11 =	vle.f32 v53, v21  }
0x3e: {  	v22 =	vperm.xlane v61, v16;
	v33, v63, _ =	vpop (xrf1);
	(xrf1) =	vsort.ascd.msk.f32 $0xffff, v19, v20;
	v19 =	vmin.f32 v53, v21  }
0x3f: {  	v21 =	vmax.f32 v53, v21;
	v34, v35, _ =	vpop (xrf1);
	v62 =	vsel vm11, v52, v18;
	v18 =	vsel vm11, v18, v52  }
0x40: {  	v20 =	vperm.xlane v34, v16;
	(xrf1) =	vsort.ascd.msk.f32 $0xffff, v19, v62;
	v19 =	vperm.xlane v60, v16  }
0x41: {  	vm12 =	vle.f32 v59, v22;
	(xrf1) =	vsort.ascd.msk.f32 $0xffff, v21, v18;
	v18 =	vmin.f32 v59, v22  }
0x42: {  	v22 =	vmax.f32 v59, v22;
	vm13 =	vle.f32 v33, v20;
	v36 =	vsel vm12, v58, v19  }
0x43: {  	v38, v37, _ =	vpop (xrf1);
	v19 =	vsel vm12, v19, v58;
	(xrf1) =	vsort.ascd.msk.f32 $0xffff, v18, v36;
	v18 =	vperm.xlane v35, v16  }
0x44: {  	v39, v40, _ =	vpop (xrf1);
	(xrf1) =	vsort.ascd.msk.f32 $0xffff, v22, v19;
	v19 =	vmin.f32 v33, v20;
	v20 =	vmax.f32 v33, v20  }
0x45: {  	v21 =	vperm.xlane v39, v16;
	v42, v41, _ =	vpop (xrf1);
	v29 =	vsel vm13, v63, v18;
	v18 =	vsel vm13, v18, v63  }
0x46: {  	v43, v30, _ =	vpop (xrf1);
	(xrf1) =	vsort.ascd.msk.f32 $0xffff, v19, v29;
	v19 =	vperm.xlane v40, v16  }
0x47: {  	vm14 =	vle.f32 v38, v21;
	v46 =	vmin.f32 v38, v21;
	v45, v44, _ =	vpop (xrf1)  }
0x48: {  	v21 =	vmax.f32 v38, v21;
	(xrf1) =	vsort.ascd.msk.f32 $0xffff, v20, v18;
	v18, v20, _ =	vpop (xrf1);
	v31 =	vsel vm14, v37, v19  }
0x49: {  	v19 =	vsel vm14, v19, v37;
	(xrf1) =	vsort.ascd.msk.f32 $0xffff, v46, v31;
	v18 =	vperm.xlane v18, v16  }
0x4a: {  	(xrf1) =	vsort.ascd.msk.f32 $0xffff, v21, v19;
	v19 =	vperm.xlane v45, v16  }
0x4b: {  	v49 =	vperm.xlane v44, v16;
	v47, v48, _ =	vpop (xrf1);
	v20 =	vperm.xlane v20, v16;
	vm15 =	vle.f32 v42, v18  }
0x4c: {  	v50, v51, _ =	vpop (xrf1);
	v18 =	vmin.f32 v42, v18;
	vm1 =	vle.f32 v43, v19;
	v19 =	vmin.f32 v43, v19  }
0x4d: {  	v52, v53, _ =	vpop (xrf1);
	v20 =	vsel vm15, v41, v20;
	v24 =	vsel vm1, v30, v49;
	vm4 =	vle.f32 v18, v19  }
0x4e: {  	v55, v54, _ =	vpop (xrf1);
	v56 =	vmin.f32 v18, v19;
	v18 =	vmax.f32 v18, v19;
	v57 =	vsel vm4, v20, v24  }
0x4f: {  	v58 =	vperm.xlane v55, v16;
	v19 =	vsel vm4, v24, v20;
	(xrf1) =	vsort.ascd.msk.f32 $0xffff, v56, v57  }
0x50: {  	(xrf1) =	vsort.ascd.msk.f32 $0xffff, v18, v19;
	v18 =	vperm.xlane v52, v16  }
0x51: {  	v25 =	vperm.xlane v53, v16;
	v60 =	vperm.xlane v54, v16;
	vm5 =	vle.f32 v47, v58  }
0x52: {  	v20 =	vmin.f32 v47, v58;
	v19, v59, _ =	vpop (xrf1);
	vm6 =	vle.f32 v50, v18;
	v18 =	vmin.f32 v50, v18  }
0x53: {  	v23 =	vsel vm5, v48, v60;
	v61, v62, _ =	vpop (xrf1);
	v34 =	vsel vm6, v51, v25;
	vm7 =	vle.f32 v20, v18  }
0x54: {  	v63, v33, _ =	vpop (xrf1);
	v35 =	vmin.f32 v20, v18;
	v18 =	vmax.f32 v20, v18;
	v36 =	vsel vm7, v23, v34  }
0x55: {  	v25, v27, _ =	vpop (xrf1);
	v37 =	vsel vm7, v34, v23;
	v41 =	vperm.xlane v63, v16;
	(xrf1) =	vsort.ascd.msk.f32 $0xffff, v35, v36  }
0x56: {  	v26 =	vperm.xlane v33, v16;
	v38 =	vperm.xlane v25, v16;
	v39, v40, _ =	vpop (xrf1);
	(xrf1) =	vsort.ascd.msk.f32 $0xffff, v18, v37  }
0x57: {  	v18 =	vperm.xlane v27, v16;
	vm9 =	vle.f32 v61, v41;
	v20 =	vmin.f32 v61, v41  }
0x58: {  	v43, v42, _ =	vpop (xrf1);
	vm8 =	vle.f32 v19, v38;
	v19 =	vmin.f32 v19, v38;
	v26 =	vsel vm9, v62, v26  }
0x59: {  	v45, v44, _ =	vpop (xrf1);
	v18 =	vsel vm8, v59, v18;
	vm10 =	vle.f32 v19, v20;
	v48 =	vmin.f32 v19, v20  }
0x5a: {  	v46, v47, _ =	vpop (xrf1);
	v19 =	vmax.f32 v19, v20;
	v51 =	vperm.xlane v45, v16;
	v53 =	vperm.xlane v44, v16  }
0x5b: {  	v49 =	vsel vm10, v18, v26;
	v50 =	vperm.xlane v46, v16;
	v18 =	vsel vm10, v26, v18  }
0x5c: {  	v52 =	vperm.xlane v47, v16;
	(xrf1) =	vsort.ascd.msk.f32 $0xffff, v48, v49;
	vm12 =	vle.f32 v43, v51  }
0x5d: {  	v21 =	vmin.f32 v43, v51;
	vm11 =	vle.f32 v39, v50;
	v20 =	vmin.f32 v39, v50  }
0x5e: {  	v55 =	vsel vm12, v42, v53;
	v54 =	vsel vm11, v40, v52;
	vm13 =	vle.f32 v20, v21  }
0x5f: {  	(xrf1) =	vsort.ascd.msk.f32 $0xffff, v19, v18;
	v18 =	vmin.f32 v20, v21;
	v19 =	vsel vm13, v54, v55  }
0x60: {  	v20 =	vmax.f32 v20, v21;
	v56 =	vsel vm13, v55, v54;
	(xrf1) =	vsort.ascd.msk.f32 $0xffff, v18, v19  }
0x61: {  	(xrf1) =	vsort.ascd.msk.f32 $0xffff, v20, v56;
	_ =	sdelay $0x5  }
0x62: {  	v18, v19, _ =	vpop (xrf1)  }
0x63: {  	v20, v21, _ =	vpop (xrf1)  }
0x64: {  	v22, v23, _ =	vpop (xrf1)  }
0x65: {  	v57, v58, _ =	vpop (xrf1);
	v22 =	vperm.xlane v22, v16  }
0x66: {  	v23 =	vperm.xlane v23, v16;
	v24 =	vperm.xlane v57, v16  }
0x67: {  	v25 =	vperm.xlane v58, v16;
	vm15 =	vle.f32 v20, v22;
	v20 =	vmin.f32 v20, v22;
	v26, v27, _ =	vpop (xrf1)  }
0x68: {  	vm14 =	vle.f32 v18, v24;
	v18 =	vmin.f32 v18, v24;
	v21 =	vsel vm15, v21, v23;
	v60, v59, _ =	vpop (xrf1)  }
0x69: {  	v19 =	vsel vm14, v19, v25;
	vm4 =	vle.f32 v18, v20;
	v34 =	vmin.f32 v18, v20;
	v62, v61, _ =	vpop (xrf1)  }
0x6a: {  	v18 =	vmax.f32 v18, v20;
	v35 =	vsel vm4, v19, v21;
	v33, v63, _ =	vpop (xrf1);
	v37 =	vperm.xlane v62, v16  }
0x6b: {  	v19 =	vsel vm4, v21, v19;
	(xrf1) =	vsort.ascd.msk.f32 $0xffff, v34, v35;
	v36 =	vperm.xlane v33, v16  }
0x6c: {  	v39 =	vperm.xlane v61, v16;
	v38 =	vperm.xlane v63, v16;
	vm6 =	vle.f32 v60, v37  }
0x6d: {  	v21 =	vmin.f32 v60, v37;
	vm5 =	vle.f32 v26, v36;
	v20 =	vmin.f32 v26, v36  }
0x6e: {  	v23 =	vsel vm6, v59, v39;
	v22 =	vsel vm5, v27, v38;
	vm7 =	vle.f32 v20, v21  }
0x6f: {  	(xrf1) =	vsort.ascd.msk.f32 $0xffff, v18, v19;
	v18 =	vmin.f32 v20, v21;
	v19 =	vsel vm7, v22, v23  }
0x70: {  	v20 =	vmax.f32 v20, v21;
	v40 =	vsel vm7, v23, v22;
	(xrf1) =	vsort.ascd.msk.f32 $0xffff, v18, v19  }
0x71: {  	(xrf1) =	vsort.ascd.msk.f32 $0xffff, v20, v40;
	_ =	sdelay $0xa  }
0x72: {  	v18, v19, _ =	vpop (xrf1)  }
0x73: {  	v20, v21, _ =	vpop (xrf1)  }
0x74: {  	v22, v23, _ =	vpop (xrf1)  }
0x75: {  	v41, v42, _ =	vpop (xrf1);
	v22 =	vperm.xlane v22, v16  }
0x76: {  	v24 =	vperm.xlane v41, v16  }
0x77: {  	v23 =	vperm.xlane v23, v16;
	v25 =	vperm.xlane v42, v16;
	vm9 =	vle.f32 v20, v22  }
0x78: {  	v20 =	vmin.f32 v20, v22;
	vm8 =	vle.f32 v18, v24;
	v18 =	vmin.f32 v18, v24  }
0x79: {  	v21 =	vsel vm9, v21, v23;
	v19 =	vsel vm8, v19, v25;
	vm10 =	vle.f32 v18, v20  }
0x7a: {  	v22 =	vmin.f32 v18, v20;
	v23 =	vsel vm10, v19, v21  }
0x7b: {  	v18 =	vmax.f32 v18, v20;
	v19 =	vsel vm10, v21, v19;
	(xrf1) =	vsort.ascd.msk.f32 $0xffff, v22, v23  }
0x7c: {  	(xrf1) =	vsort.ascd.msk.f32 $0xffff, v18, v19;
	_ =	sdelay $0xc  }
0x7d: {  	_, v18, _ =	vpop (xrf1)  }
0x7e: {  	_, v19, _ =	vpop (xrf1);
	[tilespmem:$0x8000] =	vst v18  }
0x7f: {  	[tilespmem:$0x8010] =	vst v19  }
0x80: {  	v18 =	vld.idx.msk [tilespmem:v17+s10+$0x0], $0xffff;
	_ =	sdelay $0x3  }
0x81: {  	s28 =	sand.u32 $0x7F00, s23  }
0x82: {  	s29 =	sadd.s32 $0x80, s24;
	v18 =	vadd.s32 s28, v18  }
0x83: {  	s26 =	sand.u32 $0x380, s29;
	v19 =	vmov s23;
	[tilespmem:s21+$0xFFFFFFF7] =	vst v18  }
0x84: {  	s25 =	sor.u32 s26, s25;
	[tilespmem:s22+$0xFFFFFFF7] =	vst v19  }
0x85: {  	v18 =	vld [tilespmem:s25+$0x0]  }
0x86: {  	v19 =	vld [tilespmem:s25+$0x10];
	_ =	sdelay $0x1  }
0x87: {  	v43 =	vld [tilespmem:s25+$0x20]  }
0x88: {  	v44 =	vld [tilespmem:s25+$0x30]  }
0x89: {  	(xrf1) =	vsort.ascd.msk.f32 $0xffff, v18, v0  }
0x8a: {  	v18 =	vld [tilespmem:s25+$0x40];
	(xrf1) =	vsort.ascd.msk.f32 $0xffff, v19, v1  }
0x8b: {  	v19 =	vld [tilespmem:s25+$0x50]  }
0x8c: {  	(xrf1) =	vsort.ascd.msk.f32 $0xffff, v43, v2  }
0x8d: {  	v45 =	vld [tilespmem:s25+$0x60];
	(xrf1) =	vsort.ascd.msk.f32 $0xffff, v44, v3  }
0x8e: {  	v46 =	vld [tilespmem:s25+$0x70]  }
0x8f: {  	(xrf1) =	vsort.ascd.msk.f32 $0xffff, v18, v4;
	v18 =	vld [tilespmem:s25+$0x400]  }
0x90: {  	(xrf1) =	vsort.ascd.msk.f32 $0xffff, v19, v5;
	v19 =	vld [tilespmem:s25+$0x410]  }
0x91: {  	v47 =	vld [tilespmem:s25+$0x420]  }
0x92: {  	v48 =	vld [tilespmem:s25+$0x430];
	(xrf1) =	vsort.ascd.msk.f32 $0xffff, v45, v6  }
0x93: {  	v49 =	vld [tilespmem:s25+$0x440];
	(xrf1) =	vsort.ascd.msk.f32 $0xffff, v46, v7  }
0x94: {  	(xrf1) =	vsort.ascd.msk.f32 $0xffff, v18, v8;
	v18 =	vld [tilespmem:s25+$0x450]  }
0x95: {  	(xrf1) =	vsort.ascd.msk.f32 $0xffff, v19, v9;
	v19 =	vld [tilespmem:s25+$0x460]  }
0x96: {  	v50 =	vld [tilespmem:s25+$0x470];
	(xrf1) =	vsort.ascd.msk.f32 $0xffff, v47, v10  }
0x97: {  	(xrf1) =	vsort.ascd.msk.f32 $0xffff, v48, v11;
	v52, v51, _ =	vpop (xrf1)  }
0x98: {  	(xrf1) =	vsort.ascd.msk.f32 $0xffff, v49, v12;
	v54, v53, _ =	vpop (xrf1)  }
0x99: {  	(xrf1) =	vsort.ascd.msk.f32 $0xffff, v18, v13;
	v18 =	vperm.xlane v54, v16  }
0x9a: {  	v56, v55, _ =	vpop (xrf1);
	(xrf1) =	vsort.ascd.msk.f32 $0xffff, v19, v14;
	v19 =	vperm.xlane v53, v16  }
0x9b: {  	v58, v57, _ =	vpop (xrf1);
	(xrf1) =	vsort.ascd.msk.f32 $0xffff, v50, v15;
	vm11 =	vle.f32 v52, v18;
	v59 =	vmin.f32 v52, v18  }
0x9c: {  	v18 =	vmax.f32 v52, v18;
	v61 =	vperm.xlane v58, v16;
	v60 =	vsel vm11, v51, v19  }
0x9d: {  	v30 =	vperm.xlane v57, v16;
	v63, v62, _ =	vpop (xrf1);
	v19 =	vsel vm11, v19, v51;
	(xrf1) =	vsort.ascd.msk.f32 $0xffff, v59, v60  }
0x9e: {  	v31, v32, _ =	vpop (xrf1);
	vm12 =	vle.f32 v56, v61;
	(xrf1) =	vsort.ascd.msk.f32 $0xffff, v18, v19  }
0x9f: {  	v18 =	vmin.f32 v56, v61;
	v19 =	vsel vm12, v55, v30;
	v33 =	vperm.xlane v31, v16  }
0xa0: {  	v20 =	vmax.f32 v56, v61;
	v35, v34, _ =	vpop (xrf1);
	(xrf1) =	vsort.ascd.msk.f32 $0xffff, v18, v19;
	v18 =	vperm.xlane v32, v16  }
0xa1: {  	v21 =	vsel vm12, v30, v55;
	vm13 =	vle.f32 v63, v33;
	v37 =	vmin.f32 v63, v33  }
0xa2: {  	v23 =	vmax.f32 v63, v33;
	v19, v36, _ =	vpop (xrf1);
	(xrf1) =	vsort.ascd.msk.f32 $0xffff, v20, v21;
	v38 =	vsel vm13, v62, v18  }
0xa3: {  	v18 =	vsel vm13, v18, v62;
	v19 =	vperm.xlane v19, v16;
	v40, v39, _ =	vpop (xrf1);
	(xrf1) =	vsort.ascd.msk.f32 $0xffff, v37, v38  }
0xa4: {  	v41 =	vperm.xlane v36, v16;
	v42, v43, _ =	vpop (xrf1);
	(xrf1) =	vsort.ascd.msk.f32 $0xffff, v23, v18  }
0xa5: {  	vm14 =	vle.f32 v35, v19;
	v18 =	vmin.f32 v35, v19;
	v21 =	vperm.xlane v42, v16  }
0xa6: {  	v19 =	vmax.f32 v35, v19;
	v46, v45, _ =	vpop (xrf1);
	v44 =	vsel vm14, v34, v41;
	v20 =	vsel vm14, v41, v34  }
0xa7: {  	v48, v47, _ =	vpop (xrf1);
	(xrf1) =	vsort.ascd.msk.f32 $0xffff, v18, v44;
	v18 =	vperm.xlane v43, v16;
	vm15 =	vle.f32 v40, v21  }
0xa8: {  	v22 =	vperm.xlane v48, v16;
	v51, v50, _ =	vpop (xrf1);
	(xrf1) =	vsort.ascd.msk.f32 $0xffff, v19, v20;
	v19 =	vmin.f32 v40, v21  }
0xa9: {  	v21 =	vmax.f32 v40, v21;
	v52, v53, _ =	vpop (xrf1);
	v49 =	vsel vm15, v39, v18;
	v18 =	vsel vm15, v18, v39  }
0xaa: {  	v20 =	vperm.xlane v52, v16;
	(xrf1) =	vsort.ascd.msk.f32 $0xffff, v19, v49;
	v19 =	vperm.xlane v47, v16  }
0xab: {  	vm4 =	vle.f32 v46, v22;
	(xrf1) =	vsort.ascd.msk.f32 $0xffff, v21, v18;
	v18 =	vmin.f32 v46, v22  }
0xac: {  	v22 =	vmax.f32 v46, v22;
	vm5 =	vle.f32 v51, v20;
	v54 =	vsel vm4, v45, v19  }
0xad: {  	v56, v55, _ =	vpop (xrf1);
	v19 =	vsel vm4, v19, v45;
	(xrf1) =	vsort.ascd.msk.f32 $0xffff, v18, v54;
	v18 =	vperm.xlane v53, v16  }
0xae: {  	v57, v58, _ =	vpop (xrf1);
	(xrf1) =	vsort.ascd.msk.f32 $0xffff, v22, v19;
	v19 =	vmin.f32 v51, v20;
	v20 =	vmax.f32 v51, v20  }
0xaf: {  	v21 =	vperm.xlane v57, v16;
	v60, v59, _ =	vpop (xrf1);
	v61 =	vsel vm5, v50, v18;
	v18 =	vsel vm5, v18, v50  }
0xb0: {  	v63, v62, _ =	vpop (xrf1);
	(xrf1) =	vsort.ascd.msk.f32 $0xffff, v19, v61;
	v19 =	vperm.xlane v58, v16  }
0xb1: {  	vm6 =	vle.f32 v56, v21;
	v35 =	vmin.f32 v56, v21;
	v34, v33, _ =	vpop (xrf1)  }
0xb2: {  	v21 =	vmax.f32 v56, v21;
	(xrf1) =	vsort.ascd.msk.f32 $0xffff, v20, v18;
	v18, v20, _ =	vpop (xrf1);
	v36 =	vsel vm6, v55, v19  }
0xb3: {  	v19 =	vsel vm6, v19, v55;
	(xrf1) =	vsort.ascd.msk.f32 $0xffff, v35, v36;
	v18 =	vperm.xlane v18, v16  }
0xb4: {  	(xrf1) =	vsort.ascd.msk.f32 $0xffff, v21, v19;
	v19 =	vperm.xlane v34, v16  }
0xb5: {  	v39 =	vperm.xlane v33, v16;
	v37, v38, _ =	vpop (xrf1);
	v20 =	vperm.xlane v20, v16;
	vm7 =	vle.f32 v60, v18  }
0xb6: {  	v40, v41, _ =	vpop (xrf1);
	v18 =	vmin.f32 v60, v18;
	vm8 =	vle.f32 v63, v19;
	v19 =	vmin.f32 v63, v19  }
0xb7: {  	v42, v43, _ =	vpop (xrf1);
	v20 =	vsel vm7, v59, v20;
	v24 =	vsel vm8, v62, v39;
	vm9 =	vle.f32 v18, v19  }
0xb8: {  	v45, v44, _ =	vpop (xrf1);
	v46 =	vmin.f32 v18, v19;
	v18 =	vmax.f32 v18, v19;
	v47 =	vsel vm9, v20, v24  }
0xb9: {  	v48 =	vperm.xlane v45, v16;
	v19 =	vsel vm9, v24, v20;
	(xrf1) =	vsort.ascd.msk.f32 $0xffff, v46, v47  }
0xba: {  	(xrf1) =	vsort.ascd.msk.f32 $0xffff, v18, v19;
	v18 =	vperm.xlane v42, v16  }
0xbb: {  	v25 =	vperm.xlane v43, v16;
	v50 =	vperm.xlane v44, v16;
	vm10 =	vle.f32 v37, v48  }
0xbc: {  	v20 =	vmin.f32 v37, v48;
	v19, v49, _ =	vpop (xrf1);
	vm11 =	vle.f32 v40, v18;
	v18 =	vmin.f32 v40, v18  }
0xbd: {  	v23 =	vsel vm10, v38, v50;
	v51, v52, _ =	vpop (xrf1);
	v55 =	vsel vm11, v41, v25;
	vm12 =	vle.f32 v20, v18  }
0xbe: {  	v53, v54, _ =	vpop (xrf1);
	v56 =	vmin.f32 v20, v18;
	v18 =	vmax.f32 v20, v18;
	v57 =	vsel vm12, v23, v55  }
0xbf: {  	v25, v27, _ =	vpop (xrf1);
	v58 =	vsel vm12, v55, v23;
	v62 =	vperm.xlane v53, v16;
	(xrf1) =	vsort.ascd.msk.f32 $0xffff, v56, v57  }
0xc0: {  	v26 =	vperm.xlane v54, v16;
	v59 =	vperm.xlane v25, v16;
	(xrf1) =	vsort.ascd.msk.f32 $0xffff, v18, v58  }
0xc1: {  	v60, v61, _ =	vpop (xrf1);
	v18 =	vperm.xlane v27, v16;
	vm14 =	vle.f32 v51, v62;
	v20 =	vmin.f32 v51, v62  }
0xc2: {  	v33, v63, _ =	vpop (xrf1);
	vm13 =	vle.f32 v19, v59;
	v19 =	vmin.f32 v19, v59;
	v26 =	vsel vm14, v52, v26  }
0xc3: {  	v35, v34, _ =	vpop (xrf1);
	v18 =	vsel vm13, v49, v18;
	vm15 =	vle.f32 v19, v20;
	v38 =	vmin.f32 v19, v20  }
0xc4: {  	v36, v37, _ =	vpop (xrf1);
	v19 =	vmax.f32 v19, v20;
	v41 =	vperm.xlane v35, v16;
	v43 =	vperm.xlane v34, v16  }
0xc5: {  	v39 =	vsel vm15, v18, v26;
	v40 =	vperm.xlane v36, v16;
	v18 =	vsel vm15, v26, v18  }
0xc6: {  	v42 =	vperm.xlane v37, v16;
	(xrf1) =	vsort.ascd.msk.f32 $0xffff, v38, v39;
	vm5 =	vle.f32 v33, v41  }
0xc7: {  	v21 =	vmin.f32 v33, v41;
	vm4 =	vle.f32 v60, v40;
	v20 =	vmin.f32 v60, v40  }
0xc8: {  	v45 =	vsel vm5, v63, v43;
	v44 =	vsel vm4, v61, v42;
	vm6 =	vle.f32 v20, v21  }
0xc9: {  	(xrf1) =	vsort.ascd.msk.f32 $0xffff, v19, v18;
	v18 =	vmin.f32 v20, v21;
	v19 =	vsel vm6, v44, v45  }
0xca: {  	v20 =	vmax.f32 v20, v21;
	v46 =	vsel vm6, v45, v44;
	(xrf1) =	vsort.ascd.msk.f32 $0xffff, v18, v19  }
0xcb: {  	(xrf1) =	vsort.ascd.msk.f32 $0xffff, v20, v46;
	_ =	sdelay $0x5  }
0xcc: {  	v18, v19, _ =	vpop (xrf1)  }
0xcd: {  	v20, v21, _ =	vpop (xrf1)  }
0xce: {  	v22, v23, _ =	vpop (xrf1)  }
0xcf: {  	v47, v48, _ =	vpop (xrf1);
	v22 =	vperm.xlane v22, v16  }
0xd0: {  	v23 =	vperm.xlane v23, v16;
	v24 =	vperm.xlane v47, v16  }
0xd1: {  	v25 =	vperm.xlane v48, v16;
	vm8 =	vle.f32 v20, v22;
	v20 =	vmin.f32 v20, v22;
	v26, v27, _ =	vpop (xrf1)  }
0xd2: {  	vm7 =	vle.f32 v18, v24;
	v18 =	vmin.f32 v18, v24;
	v21 =	vsel vm8, v21, v23;
	v50, v49, _ =	vpop (xrf1)  }
0xd3: {  	v19 =	vsel vm7, v19, v25;
	vm9 =	vle.f32 v18, v20;
	v55 =	vmin.f32 v18, v20;
	v52, v51, _ =	vpop (xrf1)  }
0xd4: {  	v18 =	vmax.f32 v18, v20;
	v56 =	vsel vm9, v19, v21;
	v54, v53, _ =	vpop (xrf1);
	v58 =	vperm.xlane v52, v16  }
0xd5: {  	v19 =	vsel vm9, v21, v19;
	(xrf1) =	vsort.ascd.msk.f32 $0xffff, v55, v56;
	v57 =	vperm.xlane v54, v16  }
0xd6: {  	v60 =	vperm.xlane v51, v16;
	v59 =	vperm.xlane v53, v16;
	vm11 =	vle.f32 v50, v58  }
0xd7: {  	v21 =	vmin.f32 v50, v58;
	vm10 =	vle.f32 v26, v57;
	v20 =	vmin.f32 v26, v57  }
0xd8: {  	v23 =	vsel vm11, v49, v60;
	v22 =	vsel vm10, v27, v59;
	vm12 =	vle.f32 v20, v21  }
0xd9: {  	(xrf1) =	vsort.ascd.msk.f32 $0xffff, v18, v19;
	v18 =	vmin.f32 v20, v21;
	v19 =	vsel vm12, v22, v23  }
0xda: {  	v20 =	vmax.f32 v20, v21;
	v61 =	vsel vm12, v23, v22;
	(xrf1) =	vsort.ascd.msk.f32 $0xffff, v18, v19  }
0xdb: {  	(xrf1) =	vsort.ascd.msk.f32 $0xffff, v20, v61;
	_ =	sdelay $0xa  }
0xdc: {  	v18, v19, _ =	vpop (xrf1)  }
0xdd: {  	v20, v21, _ =	vpop (xrf1)  }
0xde: {  	v22, v23, _ =	vpop (xrf1)  }
0xdf: {  	v62, v63, _ =	vpop (xrf1);
	v22 =	vperm.xlane v22, v16  }
0xe0: {  	v24 =	vperm.xlane v62, v16  }
0xe1: {  	v23 =	vperm.xlane v23, v16;
	v25 =	vperm.xlane v63, v16;
	vm14 =	vle.f32 v20, v22  }
0xe2: {  	v20 =	vmin.f32 v20, v22;
	vm13 =	vle.f32 v18, v24;
	v18 =	vmin.f32 v18, v24  }
0xe3: {  	v21 =	vsel vm14, v21, v23;
	v19 =	vsel vm13, v19, v25;
	vm15 =	vle.f32 v18, v20  }
0xe4: {  	v22 =	vmin.f32 v18, v20;
	v23 =	vsel vm15, v19, v21  }
0xe5: {  	v18 =	vmax.f32 v18, v20;
	v19 =	vsel vm15, v21, v19;
	(xrf1) =	vsort.ascd.msk.f32 $0xffff, v22, v23  }
0xe6: {  	(xrf1) =	vsort.ascd.msk.f32 $0xffff, v18, v19;
	_ =	sdelay $0xc  }
0xe7: {  	_, v18, _ =	vpop (xrf1)  }
0xe8: {  	_, v19, _ =	vpop (xrf1);
	[tilespmem:$0x8080] =	vst v18  }
0xe9: {  	[tilespmem:$0x8090] =	vst v19  }
0xea: {  	v18 =	vld.idx.msk [tilespmem:v17+s11+$0x0], $0xffff;
	_ =	sdelay $0x1  }
0xeb: {  	p0 =	sne.s32 s24, $0x3F00  }
.Ltmp0:
0xec: {  	s30 =	sadd.s32 $0x1, s23;
	(pc) =	sbr.rel @p0 .LBB2_3-.Ltmp0, $4  }
0xed: {  	s31 =	sand.u32 $0x7F00, s30  }
0xee: {  	v18 =	vadd.s32 s31, v18  }
0xef: {  	s20 =	sadd.s32 $0x200, s20;
	s24 =	sadd.s32 $0x100, s24;
	v19 =	vmov s30;
	[tilespmem:s21+$0x0] =	vst v18  }
0xf0: {  	s23 =	sadd.s32 $0x2, s23;
	s21 =	sadd.s32 $0x12, s21;
	[tilespmem:s22+$0x0] =	vst v19;
	s22 =	sadd.s32 $0x12, s22  }
0xf1: {  	s19 =	sadd.s32 $0x1, s19  }
0xf2: {  	p0 =	sne.s32 s19, $0x3  }
.Ltmp1:
0xf3: {  	_ = 	snop;
	(pc) =	sbr.rel @p0 .LBB2_2-.Ltmp1, $2  }
0xf4: {  	_ =	sdelay $0x2  }
0xf5: {  	s18 =	sadd.s32 $0x80, s18;
	s16 =	sadd.s32 $0x480, s16;
	s17 =	sadd.s32 $0x480, s17  }
0xf6: {  	[hbm4b:s5+s12] =	stream.strided.scatter [tilespmem:s14], [sflag:$0x1], $0xD80, s13, s12, $0x38;
	[tilespmem:$0x9D00] =	vst v63  }
0xf7: {  	s2 =	sadd.s32 $0x1, s2;
	_ =	swait.ge [sflag:s9], $0xD80  }
0xf8: {  	p0 =	sne.s32 s2, s7;
	[sflag:s9] =	ssyncset.done $0x0  }
.Ltmp2:
0xf9: {  	[sflag:s9] =	ssyncadd.s32 $0xFFFFF280;
	(pc) =	sbr.rel @p0 .LBB2_1-.Ltmp2, $4  }
0xfa: {  	[hbm4b:s6+s12] =	stream.strided.scatter [tilespmem:s15], [sflag:$0x1], $0xD80, s13, s12, $0x38;
	[tilespmem:$0x9D00] =	vst v63  }
0xfb: {  	_ =	swait.ge [sflag:s9], $0xD80  }
0xfc: {  	[sflag:s9] =	ssyncset.done $0x0  }
0xfd: {  	[sflag:s9] =	ssyncadd.s32 $0xFFFFF280  }
0xfe: {  	_ =	sfence.sel $0x180000  }
0xff: {  	[bflag:$0x0] =	sbarrier.arrive $0xFFFF  }
0x100: {  	p0 =	sne.s32 s1, $0x0;
	_ =	strace $0x9000004A  }
0x101: {  	s0 =	sadd.s32 @!p0 $0x100000, s0;
	[bflag:$0x2] =	sbarrier.arrive $0xFFFF  }
0x102: {  	[sflag:s0] =	ssyncadd.tile.s32 @!p0 $0x1;
	_ =	shalt  }
.Lfunc_end2:
_tile_overlayer_lowered:
.L_overlay_start_2:
0x103: {  	(tag) =	ssettag $0x2  }
0x104: {  	s0 =	rddreg [dreg:$0x0];
	s2 =	stileid.u32  }
0x105: {  	s1 =	rddreg [dreg:$0x1];
	p0 =	sne.s32 s2, $0x0  }
0x106: {  	s3 =	rddreg [dreg:$0x2];
	[bflag:$0x3] =	sbarrier.arrive $0xFFFF;
	s2 =	simm.s32 @!p0 $0x1C01  }
0x107: {  	[timem:s3], [sflag:s2] =	dma.local @!p0 [hbm:s0], s1  }
0x108: {  	s0 =	simm.s32 @!p0 $0x1  }
0x109: {  	_ =	swait.ge @!p0 [sflag:s0], s1  }
0x10a: {  	s1 =	ssub.s32 @!p0 $0x0, s1;
	[sflag:s0] =	ssyncset.done @!p0 $0x0  }
0x10b: {  	[sflag:s0] =	ssyncadd.s32 @!p0 s1  }
0x10c: {  	[bflag:$0x3] =	sbarrier.arrive $0xFFFF  }
0x10d: {  	_ =	shalt  }

</sc_bundles>
